<compile_context>
chip_gen: v7x
topology: tpu7x:2x2x1
jax: 0.10.2.dev20260603
libtpu: 0.0.44.dev20260713+nightly
codegen_flags: <defaults>
</compile_context>

<pallas_src>
import functools

import jax
import jax.numpy as jnp
from jax import lax
from jax.experimental import pallas as pl
from jax.experimental.pallas import tpu as pltpu
from jax.experimental.pallas import tpu_sc as plsc

_N = 10000
_E = 320000
_D = 128
_G = 64

_NC = 2
_NS = 16
_NW = _NC * _NS
_EPW = _E // _NW
_CH = 80
_NCH = _EPW // _CH
_RPS = _N // _NS
_ZR = 125

_ROWB = 1000


def _sc_mesh():
    return plsc.VectorSubcoreMesh(core_axis_name="c", subcore_axis_name="s")


def _sc_degree(dst):
    @functools.partial(
        pl.kernel,
        out_type=jax.ShapeDtypeStruct((_NC, _NS, _RPS, 16), jnp.float32),
        mesh=_sc_mesh(),
        scratch_types=(
            [pltpu.VMEM((_CH,), jnp.int32)] * _NBUF
            + [pltpu.VMEM((_CH, 16), jnp.float32)]
            + [pltpu.VMEM((_ZR, 16), jnp.float32)]
            + [pltpu.VMEM_SHARED((_N, 16), jnp.float32)]
            + [pltpu.SemaphoreType.DMA] * (2 * _NBUF)
        ),
    )
    def k(dst_hbm, out_hbm, *refs):
        di = refs[0:_NBUF]
        ones_v = refs[_NBUF]
        zer_v = refs[_NBUF + 1]
        acc_sh = refs[_NBUF + 2]
        lsems = refs[_NBUF + 3:_NBUF + 3 + _NBUF]
        ssems = refs[_NBUF + 3 + _NBUF:]
        c = lax.axis_index("c")
        s = lax.axis_index("s")
        base = (c * _NS + s) * _EPW
        zv = jnp.zeros((16,), jnp.float32)
        ov = jnp.ones((16,), jnp.float32)

        def issue_load(b, kk):
            pltpu.async_copy(dst_hbm.at[pl.ds(base + kk * _CH, _CH)], di[b],
                             lsems[b])

        def wait_load(b, kk):
            pltpu.make_async_copy(dst_hbm.at[pl.ds(base + kk * _CH, _CH)],
                                  di[b], lsems[b]).wait()

        def issue_scatter(b):
            pltpu.async_copy(ones_v, acc_sh.at[di[b]], ssems[b], add=True)

        def wait_scatter(b):
            pltpu.make_async_copy(ones_v, acc_sh.at[di[b]], ssems[b]).wait()

        for b in range(_NBUF):
            issue_load(b, b)

        @pl.loop(0, _ZR)
        def _(i):
            zer_v[i, :] = zv

        @pl.loop(0, _CH)
        def _(i):
            ones_v[i, :] = ov

        r0 = s * _RPS

        @pl.loop(0, _RPS // _ZR)
        def _(j):
            pltpu.sync_copy(zer_v, acc_sh.at[pl.ds(r0 + j * _ZR, _ZR)])

        plsc.subcore_barrier()

        @pl.loop(0, _NCH // _NBUF)
        def _(t):
            for b in range(_NBUF):
                kk = t * _NBUF + b
                wait_load(b, kk)
                issue_scatter(b)
                wait_scatter(b)

                @pl.when(kk + _NBUF < _NCH)
                def _():
                    issue_load(b, kk + _NBUF)

        wait_load(0, _NCH - 1)
        issue_scatter(0)
        wait_scatter(0)

        plsc.subcore_barrier()
        pltpu.sync_copy(acc_sh.at[pl.ds(r0, _RPS)], out_hbm.at[c, s])

    return k(dst).reshape(2 * _N, 16)


_NBUF = 4
_GA = 2
_ZRS = 25


def _sc_scatter(m, src, dst):
    @functools.partial(
        pl.kernel,
        out_type=jax.ShapeDtypeStruct((_NC, _NS, _RPS, _D), jnp.float32),
        mesh=_sc_mesh(),
        scratch_types=(
            [pltpu.VMEM((_CH,), jnp.int32)] * _NBUF
            + [pltpu.VMEM((_CH,), jnp.int32)] * _NBUF
            + [pltpu.VMEM((_CH, _D), jnp.float32)] * _NBUF
            + [pltpu.VMEM((_ZRS, _D), jnp.float32)]
            + [pltpu.VMEM_SHARED((_N, _D), jnp.float32)]
            + [pltpu.SemaphoreType.DMA] * (2 * _NBUF)
        ),
    )
    def k(m_hbm, src_hbm, dst_hbm, out_hbm, *refs):
        gi = refs[0:_NBUF]
        di = refs[_NBUF:2 * _NBUF]
        rows = refs[2 * _NBUF:3 * _NBUF]
        zer_v = refs[3 * _NBUF]
        acc_sh = refs[3 * _NBUF + 1]
        lsems = refs[3 * _NBUF + 2:3 * _NBUF + 2 + _NBUF]
        gsems = refs[3 * _NBUF + 2 + _NBUF:]
        c = lax.axis_index("c")
        s = lax.axis_index("s")
        base = (c * _NS + s) * _EPW

        def issue_loads(b, kk):
            off = base + kk * _CH
            pltpu.async_copy(src_hbm.at[pl.ds(off, _CH)], gi[b], lsems[b])
            pltpu.async_copy(dst_hbm.at[pl.ds(off, _CH)], di[b], lsems[b])

        def wait_loads(b, kk):
            off = base + kk * _CH
            pltpu.make_async_copy(src_hbm.at[pl.ds(off, _CH)], gi[b],
                                  lsems[b]).wait()
            pltpu.make_async_copy(dst_hbm.at[pl.ds(off, _CH)], di[b],
                                  lsems[b]).wait()

        def issue_gather(b):
            pltpu.async_copy(m_hbm.at[gi[b]], rows[b], gsems[b])

        def wait_gather(b):
            pltpu.make_async_copy(m_hbm.at[gi[b]], rows[b], gsems[b]).wait()

        def scatter(b):
            pltpu.sync_copy(rows[b], acc_sh.at[di[b]], add=True)

        for b in range(_NBUF):
            issue_loads(b, b)

        zv = jnp.zeros((16,), jnp.float32)

        @pl.loop(0, _ZRS)
        def _(i):
            @pl.loop(0, _D // 16)
            def _(j):
                zer_v[i, pl.ds(j * 16, 16)] = zv

        r0 = s * _RPS

        @pl.loop(0, _RPS // _ZRS)
        def _(j):
            pltpu.sync_copy(zer_v, acc_sh.at[pl.ds(r0 + j * _ZRS, _ZRS)])

        plsc.subcore_barrier()
        for b in range(_GA):
            wait_loads(b, b)
            issue_gather(b)

        @pl.loop(0, _NCH // _NBUF)
        def _(t):
            for b in range(_NBUF):
                kk = t * _NBUF + b
                b2 = (b + _GA) % _NBUF

                @pl.when(kk + _GA < _NCH)
                def _():
                    wait_loads(b2, kk + _GA)
                    issue_gather(b2)

                wait_gather(b)
                scatter(b)

                @pl.when(kk + _NBUF < _NCH)
                def _():
                    issue_loads(b, kk + _NBUF)

        wait_gather(0)
        scatter(0)

        plsc.subcore_barrier()
        pltpu.sync_copy(acc_sh.at[pl.ds(r0, _RPS)], out_hbm.at[c, s])

    return k(m, src, dst).reshape(2 * _N, _D)


def _row_spec(i_map=lambda i: (i, 0), shape=(_ROWB, _D)):
    return pl.BlockSpec(shape, i_map)


def _tc_matmul(x, w):
    def body(x_ref, w_ref, o_ref):
        o_ref[...] = jnp.dot(x_ref[...], w_ref[...],
                             preferred_element_type=jnp.float32)

    return pl.pallas_call(
        body,
        grid=(_N // _ROWB,),
        in_specs=[_row_spec(), pl.BlockSpec((_D, _D), lambda i: (0, 0))],
        out_specs=_row_spec(),
        out_shape=jax.ShapeDtypeStruct((_N, _D), jnp.float32),
    )(x, w)


def _tc_scale(m1, degp):
    def body(m_ref, d0_ref, d1_ref, mp_ref, dinv_ref):
        deg = 1.0 + d0_ref[:, 0:1] + d1_ref[:, 0:1]
        dinv = lax.rsqrt(deg)
        dinv_ref[...] = dinv
        mp_ref[...] = m_ref[...] * dinv

    return pl.pallas_call(
        body,
        grid=(_N // _ROWB,),
        in_specs=[
            _row_spec(),
            _row_spec(lambda i: (i, 0), (_ROWB, 16)),
            _row_spec(lambda i: (i + _N // _ROWB, 0), (_ROWB, 16)),
        ],
        out_specs=(_row_spec(), _row_spec(lambda i: (i, 0), (_ROWB, 1))),
        out_shape=(jax.ShapeDtypeStruct((_N, _D), jnp.float32),
                   jax.ShapeDtypeStruct((_N, 1), jnp.float32)),
    )(m1, degp, degp)


def _tc_mid(S, mp, dinv, b, w):
    def body(sa_ref, sb_ref, mp_ref, dinv_ref, b_ref, w_ref, o_ref):
        dv = dinv_ref[...]
        h = dv * (sa_ref[...] + sb_ref[...] + mp_ref[...]) + b_ref[...]
        h = jnp.maximum(h, 0.0)
        o_ref[...] = dv * jnp.dot(h, w_ref[...],
                                  preferred_element_type=jnp.float32)

    nb = _N // _ROWB
    return pl.pallas_call(
        body,
        grid=(nb,),
        in_specs=[
            _row_spec(),
            _row_spec(lambda i: (i + nb, 0)),
            _row_spec(),
            _row_spec(lambda i: (i, 0), (_ROWB, 1)),
            pl.BlockSpec((1, _D), lambda i: (0, 0)),
            pl.BlockSpec((_D, _D), lambda i: (0, 0)),
        ],
        out_specs=_row_spec(),
        out_shape=jax.ShapeDtypeStruct((_N, _D), jnp.float32),
    )(S, S, mp, dinv, b, w)


def _tc_final(S, mp, dinv, b, batch3, wf1, bf1, wf2, bf2):
    nb = _N // _ROWB

    def body(sa_ref, sb_ref, mp_ref, dinv_ref, b_ref, bat_ref, wf1_ref,
             bf1_ref, wf2_ref, bf2_ref, o_ref, sums, cnt):
        i = pl.program_id(0)

        @pl.when(i == 0)
        def _():
            sums[...] = jnp.zeros((_G, _D), jnp.float32)
            cnt[...] = jnp.zeros((_G, 1), jnp.float32)

        dv = dinv_ref[...]
        h = dv * (sa_ref[...] + sb_ref[...] + mp_ref[...]) + b_ref[...]
        h = jnp.maximum(h, 0.0)
        ids = lax.broadcasted_iota(jnp.int32, (_G, _ROWB), 0)
        oh = jnp.where(bat_ref[0] == ids, 1.0, 0.0)
        sums[...] += jnp.dot(oh, h, preferred_element_type=jnp.float32)
        cnt[...] += jnp.sum(oh, axis=1, keepdims=True)

        @pl.when(i == nb - 1)
        def _():
            pooled = sums[...] / jnp.maximum(cnt[...], 1.0)
            z = jnp.dot(pooled, wf1_ref[...],
                        preferred_element_type=jnp.float32) + bf1_ref[...]
            z = jnp.maximum(z, 0.0)
            z = jnp.dot(z, wf2_ref[...],
                        preferred_element_type=jnp.float32) + bf2_ref[...]
            o_ref[...] = 1.0 / (1.0 + jnp.exp(-z))

    return pl.pallas_call(
        body,
        grid=(nb,),
        in_specs=[
            _row_spec(),
            _row_spec(lambda i: (i + nb, 0)),
            _row_spec(),
            _row_spec(lambda i: (i, 0), (_ROWB, 1)),
            pl.BlockSpec((1, _D), lambda i: (0, 0)),
            pl.BlockSpec((1, 1, _ROWB), lambda i: (i, 0, 0)),
            pl.BlockSpec((_D, _D), lambda i: (0, 0)),
            pl.BlockSpec((1, _D), lambda i: (0, 0)),
            pl.BlockSpec((_D, 1), lambda i: (0, 0)),
            pl.BlockSpec((1, 1), lambda i: (0, 0)),
        ],
        out_specs=pl.BlockSpec((_G, 1), lambda i: (0, 0)),
        out_shape=jax.ShapeDtypeStruct((_G, 1), jnp.float32),
        scratch_shapes=[pltpu.VMEM((_G, _D), jnp.float32),
                        pltpu.VMEM((_G, 1), jnp.float32)],
    )(S, S, mp, dinv, b, batch3, wf1, bf1, wf2, bf2)


def kernel(x, edge_index, batch, W1, b1, W2, b2, Wf1, bf1, Wf2, bf2):
    src = edge_index[0]
    dst = edge_index[1]
    b1r = b1.reshape(1, _D)
    b2r = b2.reshape(1, _D)
    bf1r = bf1.reshape(1, _D)
    bf2r = bf2.reshape(1, 1)
    batch3 = batch.reshape(_N // _ROWB, 1, _ROWB)

    degp = _sc_degree(dst)
    m1 = _tc_matmul(x, W1)
    m1p, dinv = _tc_scale(m1, degp)
    S1 = _sc_scatter(m1p, src, dst)
    m2p = _tc_mid(S1, m1p, dinv, b1r, W2)
    S2 = _sc_scatter(m2p, src, dst)
    return _tc_final(S2, m2p, dinv, b2r, batch3, Wf1, bf1r, Wf2, bf2r)

# --- scband reference (transcript-rebuilt; emitter-appended) ---
"""Pipeline reference for scband-gcn-69277822485003 (READ-ONLY COPY).

The authoritative reference and input builder live on the scoring server;
editing this copy changes nothing except your own understanding.
"""

import jax, jax.numpy as jnp
import numpy as np

N = 10000   # nodes
E = 320000  # edges
D = 128     # feature dim (in = hidden)
G = 64      # graphs in batch
OUT = 1


def setup_inputs(seed: int = 0) -> dict:
    key = jax.random.key(seed)
    ks = jax.random.split(key, 12)
    x = jax.random.normal(ks[0], (N, D), dtype=jnp.float32)
    edge_index = jax.random.randint(ks[1], (2, E), 0, N, dtype=jnp.int32)
    batch = jnp.sort(jax.random.randint(ks[2], (N,), 0, G, dtype=jnp.int32))
    s = 1.0 / np.sqrt(D)
    W1 = jax.random.normal(ks[3], (D, D), dtype=jnp.float32) * s
    b1 = jnp.zeros((D,), dtype=jnp.float32)
    W2 = jax.random.normal(ks[4], (D, D), dtype=jnp.float32) * s
    b2 = jnp.zeros((D,), dtype=jnp.float32)
    Wf1 = jax.random.normal(ks[5], (D, D), dtype=jnp.float32) * s
    bf1 = jnp.zeros((D,), dtype=jnp.float32)
    Wf2 = jax.random.normal(ks[6], (D, OUT), dtype=jnp.float32) * s
    bf2 = jnp.zeros((OUT,), dtype=jnp.float32)
    return {"x": x, "edge_index": edge_index, "batch": batch,
            "W1": W1, "b1": b1, "W2": W2, "b2": b2,
            "Wf1": Wf1, "bf1": bf1, "Wf2": Wf2, "bf2": bf2}


def reference(x, edge_index, batch, W1, b1, W2, b2, Wf1, bf1, Wf2, bf2):
    # GCNConv with self-loops and symmetric normalization (Kipf & Welling),
    # matching torch_geometric.nn.GCNConv defaults.
    loops = jnp.arange(N, dtype=edge_index.dtype)
    src = jnp.concatenate([edge_index[0], loops])
    dst = jnp.concatenate([edge_index[1], loops])
    ones = jnp.ones((src.shape[0],), dtype=jnp.float32)
    deg = jax.ops.segment_sum(ones, dst, num_segments=N)
    dinv = jax.lax.rsqrt(jnp.clip(deg, 1.0, None))
    norm = dinv[src] * dinv[dst]

    def gcn_conv(h, W, b):
        m = h @ W                      # [N, D] dense transform
        msg = m[src] * norm[:, None]   # gather (SparseCore)
        agg = jax.ops.segment_sum(msg, dst, num_segments=N)  # scatter-add
        return agg + b

    h = jax.nn.relu(gcn_conv(x, W1, b1))
    h = jax.nn.relu(gcn_conv(h, W2, b2))

    # global mean pool over graph ids
    sums = jax.ops.segment_sum(h, batch, num_segments=G)
    cnt = jax.ops.segment_sum(jnp.ones((N,), dtype=jnp.float32), batch, num_segments=G)
    pooled = sums / jnp.clip(cnt, 1.0, None)[:, None]

    # fully connected head
    z = jax.nn.relu(pooled @ Wf1 + bf1)
    z = z @ Wf2 + bf2
    # apply_sigmoid_in_last_layer = True
    return jax.nn.sigmoid(z)

if __name__ == "__main__":
    import jax
    _d = setup_inputs()
    print(jax.jit(kernel)(*tuple(_d.values())))

</pallas_src>

<mosaic_0001>
#map = affine_map<(d0, d1) -> (0, 0)>
#map1 = affine_map<(d0, d1) -> (0)>
#map2 = affine_map<(d0, d1) -> (0, 0, 0, 0)>
module attributes {stable_mosaic.version = 14 : i64} {
  func.func @k(%arg0: i32, %arg1: i32, %arg2: memref<10000x128xf32, #tpu.memory_space<hbm>>, %arg3: memref<320000xi32, #tpu.memory_space<hbm>>, %arg4: memref<320000xi32, #tpu.memory_space<hbm>>, %arg5: memref<2x16x625x128xf32, #tpu.memory_space<hbm>>, %arg6: memref<80xi32, #tpu.memory_space<vmem>>, %arg7: memref<80xi32, #tpu.memory_space<vmem>>, %arg8: memref<80xi32, #tpu.memory_space<vmem>>, %arg9: memref<80xi32, #tpu.memory_space<vmem>>, %arg10: memref<80xi32, #tpu.memory_space<vmem>>, %arg11: memref<80xi32, #tpu.memory_space<vmem>>, %arg12: memref<80xi32, #tpu.memory_space<vmem>>, %arg13: memref<80xi32, #tpu.memory_space<vmem>>, %arg14: memref<80x128xf32, #tpu.memory_space<vmem>>, %arg15: memref<80x128xf32, #tpu.memory_space<vmem>>, %arg16: memref<80x128xf32, #tpu.memory_space<vmem>>, %arg17: memref<80x128xf32, #tpu.memory_space<vmem>>, %arg18: memref<25x128xf32, #tpu.memory_space<vmem>>, %arg19: memref<10000x128xf32, #tpu.memory_space<vmem_shared>>, %arg20: memref<!tpu.dma_semaphore, #tpu.memory_space<semaphore_mem>>, %arg21: memref<!tpu.dma_semaphore, #tpu.memory_space<semaphore_mem>>, %arg22: memref<!tpu.dma_semaphore, #tpu.memory_space<semaphore_mem>>, %arg23: memref<!tpu.dma_semaphore, #tpu.memory_space<semaphore_mem>>, %arg24: memref<!tpu.dma_semaphore, #tpu.memory_space<semaphore_mem>>, %arg25: memref<!tpu.dma_semaphore, #tpu.memory_space<semaphore_mem>>, %arg26: memref<!tpu.dma_semaphore, #tpu.memory_space<semaphore_mem>>, %arg27: memref<!tpu.dma_semaphore, #tpu.memory_space<semaphore_mem>>) attributes {dimension_semantics = [#tpu.dimension_semantics<core_parallel>, #tpu.dimension_semantics<subcore_parallel>], iteration_bounds = array<i64: 2, 16>, scalar_prefetch = 0 : i64, scratch_operands = 22 : i64, tpu.core_type = #tpu.core_type<sc_vector_subcore>, window_params = [{transform_indices = #map}, {transform_indices = #map1}, {transform_indices = #map1}, {transform_indices = #map2}]} {
    %mul3A = arith.constant 16 : i32
    %mul3A_0 = arith.muli %arg0, %mul3A : i32
    %add3A = arith.addi %mul3A_0, %arg1 : i32
    %mul3A_1 = arith.constant 10000 : i32
    %mul3A_2 = arith.muli %add3A, %mul3A_1 : i32
    %add3A_3 = arith.constant 0 : i32
    %add3A_4 = arith.addi %mul3A_2, %add3A_3 : i32
    %dma_start3A = tpu.memref_slice %arg3[%add3A_4] : memref<320000xi32, #tpu.memory_space<hbm>> -> memref<80xi32, #tpu.memory_space<hbm>>
    %dma_start3A_5 = tpu.memref_slice %arg3[%add3A_4] : memref<320000xi32, #tpu.memory_space<hbm>> -> memref<80xi32, #tpu.memory_space<hbm>>
    tpu.enqueue_dma source(%dma_start3A_5 : memref<80xi32, #tpu.memory_space<hbm>>) target(%arg6 : memref<80xi32, #tpu.memory_space<vmem>>) target_semaphore(%arg20 : memref<!tpu.dma_semaphore, #tpu.memory_space<semaphore_mem>>)
    %dma_start3A_6 = tpu.memref_slice %arg4[%add3A_4] : memref<320000xi32, #tpu.memory_space<hbm>> -> memref<80xi32, #tpu.memory_space<hbm>>
    %dma_start3A_7 = tpu.memref_slice %arg4[%add3A_4] : memref<320000xi32, #tpu.memory_space<hbm>> -> memref<80xi32, #tpu.memory_space<hbm>>
    tpu.enqueue_dma source(%dma_start3A_7 : memref<80xi32, #tpu.memory_space<hbm>>) target(%arg10 : memref<80xi32, #tpu.memory_space<vmem>>) target_semaphore(%arg20 : memref<!tpu.dma_semaphore, #tpu.memory_space<semaphore_mem>>)
    %add3A_8 = arith.constant 80 : i32
    %add3A_9 = arith.addi %mul3A_2, %add3A_8 : i32
    %dma_start3A_10 = tpu.memref_slice %arg3[%add3A_9] : memref<320000xi32, #tpu.memory_space<hbm>> -> memref<80xi32, #tpu.memory_space<hbm>>
    %dma_start3A_11 = tpu.memref_slice %arg3[%add3A_9] : memref<320000xi32, #tpu.memory_space<hbm>> -> memref<80xi32, #tpu.memory_space<hbm>>
    tpu.enqueue_dma source(%dma_start3A_11 : memref<80xi32, #tpu.memory_space<hbm>>) target(%arg7 : memref<80xi32, #tpu.memory_space<vmem>>) target_semaphore(%arg21 : memref<!tpu.dma_semaphore, #tpu.memory_space<semaphore_mem>>)
    %dma_start3A_12 = tpu.memref_slice %arg4[%add3A_9] : memref<320000xi32, #tpu.memory_space<hbm>> -> memref<80xi32, #tpu.memory_space<hbm>>
    %dma_start3A_13 = tpu.memref_slice %arg4[%add3A_9] : memref<320000xi32, #tpu.memory_space<hbm>> -> memref<80xi32, #tpu.memory_space<hbm>>
    tpu.enqueue_dma source(%dma_start3A_13 : memref<80xi32, #tpu.memory_space<hbm>>) target(%arg11 : memref<80xi32, #tpu.memory_space<vmem>>) target_semaphore(%arg21 : memref<!tpu.dma_semaphore, #tpu.memory_space<semaphore_mem>>)
    %add3A_14 = arith.constant 160 : i32
    %add3A_15 = arith.addi %mul3A_2, %add3A_14 : i32
    %dma_start3A_16 = tpu.memref_slice %arg3[%add3A_15] : memref<320000xi32, #tpu.memory_space<hbm>> -> memref<80xi32, #tpu.memory_space<hbm>>
    %dma_start3A_17 = tpu.memref_slice %arg3[%add3A_15] : memref<320000xi32, #tpu.memory_space<hbm>> -> memref<80xi32, #tpu.memory_space<hbm>>
    tpu.enqueue_dma source(%dma_start3A_17 : memref<80xi32, #tpu.memory_space<hbm>>) target(%arg8 : memref<80xi32, #tpu.memory_space<vmem>>) target_semaphore(%arg22 : memref<!tpu.dma_semaphore, #tpu.memory_space<semaphore_mem>>)
    %dma_start3A_18 = tpu.memref_slice %arg4[%add3A_15] : memref<320000xi32, #tpu.memory_space<hbm>> -> memref<80xi32, #tpu.memory_space<hbm>>
    %dma_start3A_19 = tpu.memref_slice %arg4[%add3A_15] : memref<320000xi32, #tpu.memory_space<hbm>> -> memref<80xi32, #tpu.memory_space<hbm>>
    tpu.enqueue_dma source(%dma_start3A_19 : memref<80xi32, #tpu.memory_space<hbm>>) target(%arg12 : memref<80xi32, #tpu.memory_space<vmem>>) target_semaphore(%arg22 : memref<!tpu.dma_semaphore, #tpu.memory_space<semaphore_mem>>)
    %add3A_20 = arith.constant 240 : i32
    %add3A_21 = arith.addi %mul3A_2, %add3A_20 : i32
    %dma_start3A_22 = tpu.memref_slice %arg3[%add3A_21] : memref<320000xi32, #tpu.memory_space<hbm>> -> memref<80xi32, #tpu.memory_space<hbm>>
    %dma_start3A_23 = tpu.memref_slice %arg3[%add3A_21] : memref<320000xi32, #tpu.memory_space<hbm>> -> memref<80xi32, #tpu.memory_space<hbm>>
    tpu.enqueue_dma source(%dma_start3A_23 : memref<80xi32, #tpu.memory_space<hbm>>) target(%arg9 : memref<80xi32, #tpu.memory_space<vmem>>) target_semaphore(%arg23 : memref<!tpu.dma_semaphore, #tpu.memory_space<semaphore_mem>>)
    %dma_start3A_24 = tpu.memref_slice %arg4[%add3A_21] : memref<320000xi32, #tpu.memory_space<hbm>> -> memref<80xi32, #tpu.memory_space<hbm>>
    %dma_start3A_25 = tpu.memref_slice %arg4[%add3A_21] : memref<320000xi32, #tpu.memory_space<hbm>> -> memref<80xi32, #tpu.memory_space<hbm>>
    tpu.enqueue_dma source(%dma_start3A_25 : memref<80xi32, #tpu.memory_space<hbm>>) target(%arg13 : memref<80xi32, #tpu.memory_space<vmem>>) target_semaphore(%arg23 : memref<!tpu.dma_semaphore, #tpu.memory_space<semaphore_mem>>)
    %broadcast_in_dim3A = arith.constant 0.000000e+00 : f32
    %broadcast_in_dim3A_26 = vector.broadcast %broadcast_in_dim3A : f32 to vector<16xf32>
    %scan3A = arith.constant 0 : i32
    %scan3A_27 = arith.constant 25 : i32
    %scan3A_28 = arith.addi %scan3A, %scan3A_27 : i32
    %scan3A_29 = arith.constant 1 : i32
    scf.for %scan3A_64 = %scan3A to %scan3A_28 step %scan3A_29  : i32 {
      %mul3A_65 = arith.constant 1 : i32
      %mul3A_66 = arith.muli %scan3A_64, %mul3A_65 : i32
      %add3A_67 = arith.constant 0 : i32
      %add3A_68 = arith.addi %add3A_67, %mul3A_66 : i32
      %scan3A_69 = arith.constant 0 : i32
      %scan3A_70 = arith.constant 8 : i32
      %scan3A_71 = arith.addi %scan3A_69, %scan3A_70 : i32
      %scan3A_72 = arith.constant 1 : i32
      scf.for %scan3A_74 = %scan3A_69 to %scan3A_71 step %scan3A_72  : i32 {
        %mul3A_75 = arith.constant 1 : i32
        %mul3A_76 = arith.muli %scan3A_74, %mul3A_75 : i32
        %add3A_77 = arith.constant 0 : i32
        %add3A_78 = arith.addi %add3A_77, %mul3A_76 : i32
        %mul3A_79 = arith.constant 16 : i32
        %mul3A_80 = arith.muli %add3A_78, %mul3A_79 : i32
        %swap3A = arith.index_cast %add3A_68 : i32 to index
        %swap3A_81 = arith.index_cast %mul3A_80 : i32 to index
        %swap3A_82 = tpu.vector_load %arg18[%swap3A, %swap3A_81] {strides = array<i32>} : memref<25x128xf32, #tpu.memory_space<vmem>>, vector<1x16xf32>,
        %swap3A_83 = vector.shape_cast %swap3A_82 : vector<1x16xf32> to vector<16xf32>
        %swap3A_84 = vector.shape_cast %broadcast_in_dim3A_26 : vector<16xf32> to vector<1x16xf32>
        tpu.vector_store %arg18[%swap3A, %swap3A_81], %swap3A_84 {strides = array<i32>} : memref<25x128xf32, #tpu.memory_space<vmem>>, vector<1x16xf32>,
      }
      %scan3A_73 = arith.constant 8 : i32
    }
    %scan3A_30 = arith.constant 25 : i32
    %mul3A_31 = arith.constant 625 : i32
    %mul3A_32 = arith.muli %arg1, %mul3A_31 : i32
    %scan3A_33 = arith.constant 0 : i32
    %scan3A_34 = arith.constant 25 : i32
    %scan3A_35 = arith.addi %scan3A_33, %scan3A_34 : i32
    %scan3A_36 = arith.constant 1 : i32
    scf.for %scan3A_64 = %scan3A_33 to %scan3A_35 step %scan3A_36  : i32 {
      %mul3A_65 = arith.constant 1 : i32
      %mul3A_66 = arith.muli %scan3A_64, %mul3A_65 : i32
      %add3A_67 = arith.constant 0 : i32
      %add3A_68 = arith.addi %add3A_67, %mul3A_66 : i32
      %mul3A_69 = arith.constant 25 : i32
      %mul3A_70 = arith.muli %add3A_68, %mul3A_69 : i32
      %add3A_71 = arith.addi %mul3A_32, %mul3A_70 : i32
      "tpu.region"() ({
        %run_scoped3A = tpu.sem_alloc : memref<!tpu.dma_semaphore, #tpu.memory_space<semaphore_mem>>
        %dma_start3A_72 = arith.constant 0 : i32
        %dma_start3A_73 = tpu.memref_slice %arg19[%add3A_71, %dma_start3A_72] : memref<10000x128xf32, #tpu.memory_space<vmem_shared>> -> memref<25x128xf32, #tpu.memory_space<vmem_shared>>
        %dma_start3A_74 = arith.constant 0 : i32
        %dma_start3A_75 = tpu.memref_slice %arg19[%add3A_71, %dma_start3A_74] : memref<10000x128xf32, #tpu.memory_space<vmem_shared>> -> memref<25x128xf32, #tpu.memory_space<vmem_shared>>
        tpu.enqueue_dma source(%arg18 : memref<25x128xf32, #tpu.memory_space<vmem>>) target(%dma_start3A_75 : memref<25x128xf32, #tpu.memory_space<vmem_shared>>) target_semaphore(%run_scoped3A : memref<!tpu.dma_semaphore, #tpu.memory_space<semaphore_mem>>)
        %dma_wait3A_76 = arith.constant 0 : i32
        %dma_wait3A_77 = tpu.memref_slice %arg19[%add3A_71, %dma_wait3A_76] : memref<10000x128xf32, #tpu.memory_space<vmem_shared>> -> memref<25x128xf32, #tpu.memory_space<vmem_shared>>
        %dma_wait3A_78 = arith.constant 0 : i32
        %dma_wait3A_79 = tpu.memref_slice %arg19[%add3A_71, %dma_wait3A_78] : memref<10000x128xf32, #tpu.memory_space<vmem_shared>> -> memref<25x128xf32, #tpu.memory_space<vmem_shared>>
        tpu.wait_dma2 semaphore(%run_scoped3A : memref<!tpu.dma_semaphore, #tpu.memory_space<semaphore_mem>>) src(%arg18 : memref<25x128xf32, #tpu.memory_space<vmem>>) dst(%dma_wait3A_79 : memref<25x128xf32, #tpu.memory_space<vmem_shared>>)
        tpu.yield
      }) : () -> ()
    }
    %scan3A_37 = arith.constant 25 : i32
    %barrier3A = arith.constant 0 : index
    tpu.barrier barrier_id(%barrier3A)
    %add3A_38 = arith.constant 0 : i32
    %add3A_39 = arith.addi %mul3A_2, %add3A_38 : i32
    %dma_wait3A = tpu.memref_slice %arg3[%add3A_39] : memref<320000xi32, #tpu.memory_space<hbm>> -> memref<80xi32, #tpu.memory_space<hbm>>
    %dma_wait3A_40 = tpu.memref_slice %arg3[%add3A_39] : memref<320000xi32, #tpu.memory_space<hbm>> -> memref<80xi32, #tpu.memory_space<hbm>>
    tpu.wait_dma2 semaphore(%arg20 : memref<!tpu.dma_semaphore, #tpu.memory_space<semaphore_mem>>) src(%dma_wait3A_40 : memref<80xi32, #tpu.memory_space<hbm>>) dst(%arg6 : memref<80xi32, #tpu.memory_space<vmem>>)
    %dma_wait3A_41 = tpu.memref_slice %arg4[%add3A_39] : memref<320000xi32, #tpu.memory_space<hbm>> -> memref<80xi32, #tpu.memory_space<hbm>>
    %dma_wait3A_42 = tpu.memref_slice %arg4[%add3A_39] : memref<320000xi32, #tpu.memory_space<hbm>> -> memref<80xi32, #tpu.memory_space<hbm>>
    tpu.wait_dma2 semaphore(%arg20 : memref<!tpu.dma_semaphore, #tpu.memory_space<semaphore_mem>>) src(%dma_wait3A_42 : memref<80xi32, #tpu.memory_space<hbm>>) dst(%arg10 : memref<80xi32, #tpu.memory_space<vmem>>)
    %dma_start3A_43 = arith.constant 0 : i32
    %dma_start3A_44 = arith.constant 0 : i32
    %dma_start3A_45 = tpu.memref_slice %arg2[%dma_start3A_43, %dma_start3A_44] : memref<10000x128xf32, #tpu.memory_space<hbm>> -> memref<10000x128xf32, #tpu.memory_space<hbm>>
    tpu.enqueue_indirect_dma source(%dma_start3A_45 : memref<10000x128xf32, #tpu.memory_space<hbm>>) target(%arg14 : memref<80x128xf32, #tpu.memory_space<vmem>>) offsets(%arg6 : memref<80xi32, #tpu.memory_space<vmem>>) semaphore(%arg24 : memref<!tpu.dma_semaphore, #tpu.memory_space<semaphore_mem>>)
    %add3A_46 = arith.constant 80 : i32
    %add3A_47 = arith.addi %mul3A_2, %add3A_46 : i32
    %dma_wait3A_48 = tpu.memref_slice %arg3[%add3A_47] : memref<320000xi32, #tpu.memory_space<hbm>> -> memref<80xi32, #tpu.memory_space<hbm>>
    %dma_wait3A_49 = tpu.memref_slice %arg3[%add3A_47] : memref<320000xi32, #tpu.memory_space<hbm>> -> memref<80xi32, #tpu.memory_space<hbm>>
    tpu.wait_dma2 semaphore(%arg21 : memref<!tpu.dma_semaphore, #tpu.memory_space<semaphore_mem>>) src(%dma_wait3A_49 : memref<80xi32, #tpu.memory_space<hbm>>) dst(%arg7 : memref<80xi32, #tpu.memory_space<vmem>>)
    %dma_wait3A_50 = tpu.memref_slice %arg4[%add3A_47] : memref<320000xi32, #tpu.memory_space<hbm>> -> memref<80xi32, #tpu.memory_space<hbm>>
    %dma_wait3A_51 = tpu.memref_slice %arg4[%add3A_47] : memref<320000xi32, #tpu.memory_space<hbm>> -> memref<80xi32, #tpu.memory_space<hbm>>
    tpu.wait_dma2 semaphore(%arg21 : memref<!tpu.dma_semaphore, #tpu.memory_space<semaphore_mem>>) src(%dma_wait3A_51 : memref<80xi32, #tpu.memory_space<hbm>>) dst(%arg11 : memref<80xi32, #tpu.memory_space<vmem>>)
    %dma_start3A_52 = arith.constant 0 : i32
    %dma_start3A_53 = arith.constant 0 : i32
    %dma_start3A_54 = tpu.memref_slice %arg2[%dma_start3A_52, %dma_start3A_53] : memref<10000x128xf32, #tpu.memory_space<hbm>> -> memref<10000x128xf32, #tpu.memory_space<hbm>>
    tpu.enqueue_indirect_dma source(%dma_start3A_54 : memref<10000x128xf32, #tpu.memory_space<hbm>>) target(%arg15 : memref<80x128xf32, #tpu.memory_space<vmem>>) offsets(%arg7 : memref<80xi32, #tpu.memory_space<vmem>>) semaphore(%arg25 : memref<!tpu.dma_semaphore, #tpu.memory_space<semaphore_mem>>)
    %scan3A_55 = arith.constant 0 : i32
    %scan3A_56 = arith.constant 31 : i32
    %scan3A_57 = arith.addi %scan3A_55, %scan3A_56 : i32
    %scan3A_58 = arith.constant 1 : i32
    scf.for %scan3A_64 = %scan3A_55 to %scan3A_57 step %scan3A_58  : i32 {
      %mul3A_65 = arith.constant 1 : i32
      %mul3A_66 = arith.muli %scan3A_64, %mul3A_65 : i32
      %add3A_67 = arith.constant 0 : i32
      %add3A_68 = arith.addi %add3A_67, %mul3A_66 : i32
      %mul3A_69 = arith.constant 4 : i32
      %mul3A_70 = arith.muli %add3A_68, %mul3A_69 : i32
      %add3A_71 = arith.constant 0 : i32
      %add3A_72 = arith.addi %mul3A_70, %add3A_71 : i32
      %add3A_73 = arith.constant 2 : i32
      %add3A_74 = arith.addi %add3A_72, %add3A_73 : i32
      %lt3A = arith.constant 125 : i32
      %lt3A_75 = arith.cmpi slt, %add3A_74, %lt3A : i32
      %convert_element_type3A = arith.extui %lt3A_75 : i1 to i32
      %cond3A = arith.constant 0 : i32
      %cond3A_76 = arith.cmpi ne, %convert_element_type3A, %cond3A : i32
      scf.if %cond3A_76 {
        %add3A_150 = arith.constant 2 : i32
        %add3A_151 = arith.addi %add3A_72, %add3A_150 : i32
        %mul3A_152 = arith.constant 80 : i32
        %mul3A_153 = arith.muli %add3A_151, %mul3A_152 : i32
        %add3A_154 = arith.addi %mul3A_2, %mul3A_153 : i32
        %dma_wait3A_155 = tpu.memref_slice %arg3[%add3A_154] : memref<320000xi32, #tpu.memory_space<hbm>> -> memref<80xi32, #tpu.memory_space<hbm>>
        %dma_wait3A_156 = tpu.memref_slice %arg3[%add3A_154] : memref<320000xi32, #tpu.memory_space<hbm>> -> memref<80xi32, #tpu.memory_space<hbm>>
        tpu.wait_dma2 semaphore(%arg22 : memref<!tpu.dma_semaphore, #tpu.memory_space<semaphore_mem>>) src(%dma_wait3A_156 : memref<80xi32, #tpu.memory_space<hbm>>) dst(%arg8 : memref<80xi32, #tpu.memory_space<vmem>>)
        %dma_wait3A_157 = tpu.memref_slice %arg4[%add3A_154] : memref<320000xi32, #tpu.memory_space<hbm>> -> memref<80xi32, #tpu.memory_space<hbm>>
        %dma_wait3A_158 = tpu.memref_slice %arg4[%add3A_154] : memref<320000xi32, #tpu.memory_space<hbm>> -> memref<80xi32, #tpu.memory_space<hbm>>
        tpu.wait_dma2 semaphore(%arg22 : memref<!tpu.dma_semaphore, #tpu.memory_space<semaphore_mem>>) src(%dma_wait3A_158 : memref<80xi32, #tpu.memory_space<hbm>>) dst(%arg12 : memref<80xi32, #tpu.memory_space<vmem>>)
        %dma_start3A_159 = arith.constant 0 : i32
        %dma_start3A_160 = arith.constant 0 : i32
        %dma_start3A_161 = tpu.memref_slice %arg2[%dma_start3A_159, %dma_start3A_160] : memref<10000x128xf32, #tpu.memory_space<hbm>> -> memref<10000x128xf32, #tpu.memory_space<hbm>>
        tpu.enqueue_indirect_dma source(%dma_start3A_161 : memref<10000x128xf32, #tpu.memory_space<hbm>>) target(%arg16 : memref<80x128xf32, #tpu.memory_space<vmem>>) offsets(%arg8 : memref<80xi32, #tpu.memory_space<vmem>>) semaphore(%arg26 : memref<!tpu.dma_semaphore, #tpu.memory_space<semaphore_mem>>)
      } else {
      }
      %dma_wait3A_77 = arith.constant 0 : i32
      %dma_wait3A_78 = arith.constant 0 : i32
      %dma_wait3A_79 = tpu.memref_slice %arg2[%dma_wait3A_77, %dma_wait3A_78] : memref<10000x128xf32, #tpu.memory_space<hbm>> -> memref<10000x128xf32, #tpu.memory_space<hbm>>
      tpu.wait_indirect_dma semaphore(%arg24 : memref<!tpu.dma_semaphore, #tpu.memory_space<semaphore_mem>>) src(%dma_wait3A_79 : memref<10000x128xf32, #tpu.memory_space<hbm>>) dst(%arg14 : memref<80x128xf32, #tpu.memory_space<vmem>>)
      "tpu.region"() ({
        %run_scoped3A = tpu.sem_alloc : memref<!tpu.dma_semaphore, #tpu.memory_space<semaphore_mem>>
        %dma_start3A_150 = arith.constant 0 : i32
        %dma_start3A_151 = arith.constant 0 : i32
        %dma_start3A_152 = tpu.memref_slice %arg19[%dma_start3A_150, %dma_start3A_151] : memref<10000x128xf32, #tpu.memory_space<vmem_shared>> -> memref<10000x128xf32, #tpu.memory_space<vmem_shared>>
        tpu.enqueue_indirect_dma source(%arg14 : memref<80x128xf32, #tpu.memory_space<vmem>>) target(%dma_start3A_152 : memref<10000x128xf32, #tpu.memory_space<vmem_shared>>) offsets(%arg10 : memref<80xi32, #tpu.memory_space<vmem>>) semaphore(%run_scoped3A : memref<!tpu.dma_semaphore, #tpu.memory_space<semaphore_mem>>) {add = true}
        %dma_wait3A_153 = arith.constant 0 : i32
        %dma_wait3A_154 = arith.constant 0 : i32
        %dma_wait3A_155 = tpu.memref_slice %arg19[%dma_wait3A_153, %dma_wait3A_154] : memref<10000x128xf32, #tpu.memory_space<vmem_shared>> -> memref<10000x128xf32, #tpu.memory_space<vmem_shared>>
        tpu.wait_indirect_dma semaphore(%run_scoped3A : memref<!tpu.dma_semaphore, #tpu.memory_space<semaphore_mem>>) src(%arg14 : memref<80x128xf32, #tpu.memory_space<vmem>>) dst(%dma_wait3A_155 : memref<10000x128xf32, #tpu.memory_space<vmem_shared>>)
        tpu.yield
      }) : () -> ()
      %add3A_80 = arith.constant 4 : i32
      %add3A_81 = arith.addi %add3A_72, %add3A_80 : i32
      %lt3A_82 = arith.constant 125 : i32
      %lt3A_83 = arith.cmpi slt, %add3A_81, %lt3A_82 : i32
      %convert_element_type3A_84 = arith.extui %lt3A_83 : i1 to i32
      %cond3A_85 = arith.constant 0 : i32
      %cond3A_86 = arith.cmpi ne, %convert_element_type3A_84, %cond3A_85 : i32
      scf.if %cond3A_86 {
        %add3A_150 = arith.constant 4 : i32
        %add3A_151 = arith.addi %add3A_72, %add3A_150 : i32
        %mul3A_152 = arith.constant 80 : i32
        %mul3A_153 = arith.muli %add3A_151, %mul3A_152 : i32
        %add3A_154 = arith.addi %mul3A_2, %mul3A_153 : i32
        %dma_start3A_155 = tpu.memref_slice %arg3[%add3A_154] : memref<320000xi32, #tpu.memory_space<hbm>> -> memref<80xi32, #tpu.memory_space<hbm>>
        %dma_start3A_156 = tpu.memref_slice %arg3[%add3A_154] : memref<320000xi32, #tpu.memory_space<hbm>> -> memref<80xi32, #tpu.memory_space<hbm>>
        tpu.enqueue_dma source(%dma_start3A_156 : memref<80xi32, #tpu.memory_space<hbm>>) target(%arg6 : memref<80xi32, #tpu.memory_space<vmem>>) target_semaphore(%arg20 : memref<!tpu.dma_semaphore, #tpu.memory_space<semaphore_mem>>)
        %dma_start3A_157 = tpu.memref_slice %arg4[%add3A_154] : memref<320000xi32, #tpu.memory_space<hbm>> -> memref<80xi32, #tpu.memory_space<hbm>>
        %dma_start3A_158 = tpu.memref_slice %arg4[%add3A_154] : memref<320000xi32, #tpu.memory_space<hbm>> -> memref<80xi32, #tpu.memory_space<hbm>>
        tpu.enqueue_dma source(%dma_start3A_158 : memref<80xi32, #tpu.memory_space<hbm>>) target(%arg10 : memref<80xi32, #tpu.memory_space<vmem>>) target_semaphore(%arg20 : memref<!tpu.dma_semaphore, #tpu.memory_space<semaphore_mem>>)
      } else {
      }
      %mul3A_87 = arith.constant 4 : i32
      %mul3A_88 = arith.muli %add3A_68, %mul3A_87 : i32
      %add3A_89 = arith.constant 1 : i32
      %add3A_90 = arith.addi %mul3A_88, %add3A_89 : i32
      %add3A_91 = arith.constant 2 : i32
      %add3A_92 = arith.addi %add3A_90, %add3A_91 : i32
      %lt3A_93 = arith.constant 125 : i32
      %lt3A_94 = arith.cmpi slt, %add3A_92, %lt3A_93 : i32
      %convert_element_type3A_95 = arith.extui %lt3A_94 : i1 to i32
      %cond3A_96 = arith.constant 0 : i32
      %cond3A_97 = arith.cmpi ne, %convert_element_type3A_95, %cond3A_96 : i32
      scf.if %cond3A_97 {
        %add3A_150 = arith.constant 2 : i32
        %add3A_151 = arith.addi %add3A_90, %add3A_150 : i32
        %mul3A_152 = arith.constant 80 : i32
        %mul3A_153 = arith.muli %add3A_151, %mul3A_152 : i32
        %add3A_154 = arith.addi %mul3A_2, %mul3A_153 : i32
        %dma_wait3A_155 = tpu.memref_slice %arg3[%add3A_154] : memref<320000xi32, #tpu.memory_space<hbm>> -> memref<80xi32, #tpu.memory_space<hbm>>
        %dma_wait3A_156 = tpu.memref_slice %arg3[%add3A_154] : memref<320000xi32, #tpu.memory_space<hbm>> -> memref<80xi32, #tpu.memory_space<hbm>>
        tpu.wait_dma2 semaphore(%arg23 : memref<!tpu.dma_semaphore, #tpu.memory_space<semaphore_mem>>) src(%dma_wait3A_156 : memref<80xi32, #tpu.memory_space<hbm>>) dst(%arg9 : memref<80xi32, #tpu.memory_space<vmem>>)
        %dma_wait3A_157 = tpu.memref_slice %arg4[%add3A_154] : memref<320000xi32, #tpu.memory_space<hbm>> -> memref<80xi32, #tpu.memory_space<hbm>>
        %dma_wait3A_158 = tpu.memref_slice %arg4[%add3A_154] : memref<320000xi32, #tpu.memory_space<hbm>> -> memref<80xi32, #tpu.memory_space<hbm>>
        tpu.wait_dma2 semaphore(%arg23 : memref<!tpu.dma_semaphore, #tpu.memory_space<semaphore_mem>>) src(%dma_wait3A_158 : memref<80xi32, #tpu.memory_space<hbm>>) dst(%arg13 : memref<80xi32, #tpu.memory_space<vmem>>)
        %dma_start3A_159 = arith.constant 0 : i32
        %dma_start3A_160 = arith.constant 0 : i32
        %dma_start3A_161 = tpu.memref_slice %arg2[%dma_start3A_159, %dma_start3A_160] : memref<10000x128xf32, #tpu.memory_space<hbm>> -> memref<10000x128xf32, #tpu.memory_space<hbm>>
        tpu.enqueue_indirect_dma source(%dma_start3A_161 : memref<10000x128xf32, #tpu.memory_space<hbm>>) target(%arg17 : memref<80x128xf32, #tpu.memory_space<vmem>>) offsets(%arg9 : memref<80xi32, #tpu.memory_space<vmem>>) semaphore(%arg27 : memref<!tpu.dma_semaphore, #tpu.memory_space<semaphore_mem>>)
      } else {
      }
      %dma_wait3A_98 = arith.constant 0 : i32
      %dma_wait3A_99 = arith.constant 0 : i32
      %dma_wait3A_100 = tpu.memref_slice %arg2[%dma_wait3A_98, %dma_wait3A_99] : memref<10000x128xf32, #tpu.memory_space<hbm>> -> memref<10000x128xf32, #tpu.memory_space<hbm>>
      tpu.wait_indirect_dma semaphore(%arg25 : memref<!tpu.dma_semaphore, #tpu.memory_space<semaphore_mem>>) src(%dma_wait3A_100 : memref<10000x128xf32, #tpu.memory_space<hbm>>) dst(%arg15 : memref<80x128xf32, #tpu.memory_space<vmem>>)
      "tpu.region"() ({
        %run_scoped3A = tpu.sem_alloc : memref<!tpu.dma_semaphore, #tpu.memory_space<semaphore_mem>>
        %dma_start3A_150 = arith.constant 0 : i32
        %dma_start3A_151 = arith.constant 0 : i32
        %dma_start3A_152 = tpu.memref_slice %arg19[%dma_start3A_150, %dma_start3A_151] : memref<10000x128xf32, #tpu.memory_space<vmem_shared>> -> memref<10000x128xf32, #tpu.memory_space<vmem_shared>>
        tpu.enqueue_indirect_dma source(%arg15 : memref<80x128xf32, #tpu.memory_space<vmem>>) target(%dma_start3A_152 : memref<10000x128xf32, #tpu.memory_space<vmem_shared>>) offsets(%arg11 : memref<80xi32, #tpu.memory_space<vmem>>) semaphore(%run_scoped3A : memref<!tpu.dma_semaphore, #tpu.memory_space<semaphore_mem>>) {add = true}
        %dma_wait3A_153 = arith.constant 0 : i32
        %dma_wait3A_154 = arith.constant 0 : i32
        %dma_wait3A_155 = tpu.memref_slice %arg19[%dma_wait3A_153, %dma_wait3A_154] : memref<10000x128xf32, #tpu.memory_space<vmem_shared>> -> memref<10000x128xf32, #tpu.memory_space<vmem_shared>>
        tpu.wait_indirect_dma semaphore(%run_scoped3A : memref<!tpu.dma_semaphore, #tpu.memory_space<semaphore_mem>>) src(%arg15 : memref<80x128xf32, #tpu.memory_space<vmem>>) dst(%dma_wait3A_155 : memref<10000x128xf32, #tpu.memory_space<vmem_shared>>)
        tpu.yield
      }) : () -> ()
      %add3A_101 = arith.constant 4 : i32
      %add3A_102 = arith.addi %add3A_90, %add3A_101 : i32
      %lt3A_103 = arith.constant 125 : i32
      %lt3A_104 = arith.cmpi slt, %add3A_102, %lt3A_103 : i32
      %convert_element_type3A_105 = arith.extui %lt3A_104 : i1 to i32
      %cond3A_106 = arith.constant 0 : i32
      %cond3A_107 = arith.cmpi ne, %convert_element_type3A_105, %cond3A_106 : i32
      scf.if %cond3A_107 {
        %add3A_150 = arith.constant 4 : i32
        %add3A_151 = arith.addi %add3A_90, %add3A_150 : i32
        %mul3A_152 = arith.constant 80 : i32
        %mul3A_153 = arith.muli %add3A_151, %mul3A_152 : i32
        %add3A_154 = arith.addi %mul3A_2, %mul3A_153 : i32
        %dma_start3A_155 = tpu.memref_slice %arg3[%add3A_154] : memref<320000xi32, #tpu.memory_space<hbm>> -> memref<80xi32, #tpu.memory_space<hbm>>
        %dma_start3A_156 = tpu.memref_slice %arg3[%add3A_154] : memref<320000xi32, #tpu.memory_space<hbm>> -> memref<80xi32, #tpu.memory_space<hbm>>
        tpu.enqueue_dma source(%dma_start3A_156 : memref<80xi32, #tpu.memory_space<hbm>>) target(%arg7 : memref<80xi32, #tpu.memory_space<vmem>>) target_semaphore(%arg21 : memref<!tpu.dma_semaphore, #tpu.memory_space<semaphore_mem>>)
        %dma_start3A_157 = tpu.memref_slice %arg4[%add3A_154] : memref<320000xi32, #tpu.memory_space<hbm>> -> memref<80xi32, #tpu.memory_space<hbm>>
        %dma_start3A_158 = tpu.memref_slice %arg4[%add3A_154] : memref<320000xi32, #tpu.memory_space<hbm>> -> memref<80xi32, #tpu.memory_space<hbm>>
        tpu.enqueue_dma source(%dma_start3A_158 : memref<80xi32, #tpu.memory_space<hbm>>) target(%arg11 : memref<80xi32, #tpu.memory_space<vmem>>) target_semaphore(%arg21 : memref<!tpu.dma_semaphore, #tpu.memory_space<semaphore_mem>>)
      } else {
      }
      %mul3A_108 = arith.constant 4 : i32
      %mul3A_109 = arith.muli %add3A_68, %mul3A_108 : i32
      %add3A_110 = arith.constant 2 : i32
      %add3A_111 = arith.addi %mul3A_109, %add3A_110 : i32
      %add3A_112 = arith.constant 2 : i32
      %add3A_113 = arith.addi %add3A_111, %add3A_112 : i32
      %lt3A_114 = arith.constant 125 : i32
      %lt3A_115 = arith.cmpi slt, %add3A_113, %lt3A_114 : i32
      %convert_element_type3A_116 = arith.extui %lt3A_115 : i1 to i32
      %cond3A_117 = arith.constant 0 : i32
      %cond3A_118 = arith.cmpi ne, %convert_element_type3A_116, %cond3A_117 : i32
      scf.if %cond3A_118 {
        %add3A_150 = arith.constant 2 : i32
        %add3A_151 = arith.addi %add3A_111, %add3A_150 : i32
        %mul3A_152 = arith.constant 80 : i32
        %mul3A_153 = arith.muli %add3A_151, %mul3A_152 : i32
        %add3A_154 = arith.addi %mul3A_2, %mul3A_153 : i32
        %dma_wait3A_155 = tpu.memref_slice %arg3[%add3A_154] : memref<320000xi32, #tpu.memory_space<hbm>> -> memref<80xi32, #tpu.memory_space<hbm>>
        %dma_wait3A_156 = tpu.memref_slice %arg3[%add3A_154] : memref<320000xi32, #tpu.memory_space<hbm>> -> memref<80xi32, #tpu.memory_space<hbm>>
        tpu.wait_dma2 semaphore(%arg20 : memref<!tpu.dma_semaphore, #tpu.memory_space<semaphore_mem>>) src(%dma_wait3A_156 : memref<80xi32, #tpu.memory_space<hbm>>) dst(%arg6 : memref<80xi32, #tpu.memory_space<vmem>>)
        %dma_wait3A_157 = tpu.memref_slice %arg4[%add3A_154] : memref<320000xi32, #tpu.memory_space<hbm>> -> memref<80xi32, #tpu.memory_space<hbm>>
        %dma_wait3A_158 = tpu.memref_slice %arg4[%add3A_154] : memref<320000xi32, #tpu.memory_space<hbm>> -> memref<80xi32, #tpu.memory_space<hbm>>
        tpu.wait_dma2 semaphore(%arg20 : memref<!tpu.dma_semaphore, #tpu.memory_space<semaphore_mem>>) src(%dma_wait3A_158 : memref<80xi32, #tpu.memory_space<hbm>>) dst(%arg10 : memref<80xi32, #tpu.memory_space<vmem>>)
        %dma_start3A_159 = arith.constant 0 : i32
        %dma_start3A_160 = arith.constant 0 : i32
        %dma_start3A_161 = tpu.memref_slice %arg2[%dma_start3A_159, %dma_start3A_160] : memref<10000x128xf32, #tpu.memory_space<hbm>> -> memref<10000x128xf32, #tpu.memory_space<hbm>>
        tpu.enqueue_indirect_dma source(%dma_start3A_161 : memref<10000x128xf32, #tpu.memory_space<hbm>>) target(%arg14 : memref<80x128xf32, #tpu.memory_space<vmem>>) offsets(%arg6 : memref<80xi32, #tpu.memory_space<vmem>>) semaphore(%arg24 : memref<!tpu.dma_semaphore, #tpu.memory_space<semaphore_mem>>)
      } else {
      }
      %dma_wait3A_119 = arith.constant 0 : i32
      %dma_wait3A_120 = arith.constant 0 : i32
      %dma_wait3A_121 = tpu.memref_slice %arg2[%dma_wait3A_119, %dma_wait3A_120] : memref<10000x128xf32, #tpu.memory_space<hbm>> -> memref<10000x128xf32, #tpu.memory_space<hbm>>
      tpu.wait_indirect_dma semaphore(%arg26 : memref<!tpu.dma_semaphore, #tpu.memory_space<semaphore_mem>>) src(%dma_wait3A_121 : memref<10000x128xf32, #tpu.memory_space<hbm>>) dst(%arg16 : memref<80x128xf32, #tpu.memory_space<vmem>>)
      "tpu.region"() ({
        %run_scoped3A = tpu.sem_alloc : memref<!tpu.dma_semaphore, #tpu.memory_space<semaphore_mem>>
        %dma_start3A_150 = arith.constant 0 : i32
        %dma_start3A_151 = arith.constant 0 : i32
        %dma_start3A_152 = tpu.memref_slice %arg19[%dma_start3A_150, %dma_start3A_151] : memref<10000x128xf32, #tpu.memory_space<vmem_shared>> -> memref<10000x128xf32, #tpu.memory_space<vmem_shared>>
        tpu.enqueue_indirect_dma source(%arg16 : memref<80x128xf32, #tpu.memory_space<vmem>>) target(%dma_start3A_152 : memref<10000x128xf32, #tpu.memory_space<vmem_shared>>) offsets(%arg12 : memref<80xi32, #tpu.memory_space<vmem>>) semaphore(%run_scoped3A : memref<!tpu.dma_semaphore, #tpu.memory_space<semaphore_mem>>) {add = true}
        %dma_wait3A_153 = arith.constant 0 : i32
        %dma_wait3A_154 = arith.constant 0 : i32
        %dma_wait3A_155 = tpu.memref_slice %arg19[%dma_wait3A_153, %dma_wait3A_154] : memref<10000x128xf32, #tpu.memory_space<vmem_shared>> -> memref<10000x128xf32, #tpu.memory_space<vmem_shared>>
        tpu.wait_indirect_dma semaphore(%run_scoped3A : memref<!tpu.dma_semaphore, #tpu.memory_space<semaphore_mem>>) src(%arg16 : memref<80x128xf32, #tpu.memory_space<vmem>>) dst(%dma_wait3A_155 : memref<10000x128xf32, #tpu.memory_space<vmem_shared>>)
        tpu.yield
      }) : () -> ()
      %add3A_122 = arith.constant 4 : i32
      %add3A_123 = arith.addi %add3A_111, %add3A_122 : i32
      %lt3A_124 = arith.constant 125 : i32
      %lt3A_125 = arith.cmpi slt, %add3A_123, %lt3A_124 : i32
      %convert_element_type3A_126 = arith.extui %lt3A_125 : i1 to i32
      %cond3A_127 = arith.constant 0 : i32
      %cond3A_128 = arith.cmpi ne, %convert_element_type3A_126, %cond3A_127 : i32
      scf.if %cond3A_128 {
        %add3A_150 = arith.constant 4 : i32
        %add3A_151 = arith.addi %add3A_111, %add3A_150 : i32
        %mul3A_152 = arith.constant 80 : i32
        %mul3A_153 = arith.muli %add3A_151, %mul3A_152 : i32
        %add3A_154 = arith.addi %mul3A_2, %mul3A_153 : i32
        %dma_start3A_155 = tpu.memref_slice %arg3[%add3A_154] : memref<320000xi32, #tpu.memory_space<hbm>> -> memref<80xi32, #tpu.memory_space<hbm>>
        %dma_start3A_156 = tpu.memref_slice %arg3[%add3A_154] : memref<320000xi32, #tpu.memory_space<hbm>> -> memref<80xi32, #tpu.memory_space<hbm>>
        tpu.enqueue_dma source(%dma_start3A_156 : memref<80xi32, #tpu.memory_space<hbm>>) target(%arg8 : memref<80xi32, #tpu.memory_space<vmem>>) target_semaphore(%arg22 : memref<!tpu.dma_semaphore, #tpu.memory_space<semaphore_mem>>)
        %dma_start3A_157 = tpu.memref_slice %arg4[%add3A_154] : memref<320000xi32, #tpu.memory_space<hbm>> -> memref<80xi32, #tpu.memory_space<hbm>>
        %dma_start3A_158 = tpu.memref_slice %arg4[%add3A_154] : memref<320000xi32, #tpu.memory_space<hbm>> -> memref<80xi32, #tpu.memory_space<hbm>>
        tpu.enqueue_dma source(%dma_start3A_158 : memref<80xi32, #tpu.memory_space<hbm>>) target(%arg12 : memref<80xi32, #tpu.memory_space<vmem>>) target_semaphore(%arg22 : memref<!tpu.dma_semaphore, #tpu.memory_space<semaphore_mem>>)
      } else {
      }
      %mul3A_129 = arith.constant 4 : i32
      %mul3A_130 = arith.muli %add3A_68, %mul3A_129 : i32
      %add3A_131 = arith.constant 3 : i32
      %add3A_132 = arith.addi %mul3A_130, %add3A_131 : i32
      %add3A_133 = arith.constant 2 : i32
      %add3A_134 = arith.addi %add3A_132, %add3A_133 : i32
      %lt3A_135 = arith.constant 125 : i32
      %lt3A_136 = arith.cmpi slt, %add3A_134, %lt3A_135 : i32
      %convert_element_type3A_137 = arith.extui %lt3A_136 : i1 to i32
      %cond3A_138 = arith.constant 0 : i32
      %cond3A_139 = arith.cmpi ne, %convert_element_type3A_137, %cond3A_138 : i32
      scf.if %cond3A_139 {
        %add3A_150 = arith.constant 2 : i32
        %add3A_151 = arith.addi %add3A_132, %add3A_150 : i32
        %mul3A_152 = arith.constant 80 : i32
        %mul3A_153 = arith.muli %add3A_151, %mul3A_152 : i32
        %add3A_154 = arith.addi %mul3A_2, %mul3A_153 : i32
        %dma_wait3A_155 = tpu.memref_slice %arg3[%add3A_154] : memref<320000xi32, #tpu.memory_space<hbm>> -> memref<80xi32, #tpu.memory_space<hbm>>
        %dma_wait3A_156 = tpu.memref_slice %arg3[%add3A_154] : memref<320000xi32, #tpu.memory_space<hbm>> -> memref<80xi32, #tpu.memory_space<hbm>>
        tpu.wait_dma2 semaphore(%arg21 : memref<!tpu.dma_semaphore, #tpu.memory_space<semaphore_mem>>) src(%dma_wait3A_156 : memref<80xi32, #tpu.memory_space<hbm>>) dst(%arg7 : memref<80xi32, #tpu.memory_space<vmem>>)
        %dma_wait3A_157 = tpu.memref_slice %arg4[%add3A_154] : memref<320000xi32, #tpu.memory_space<hbm>> -> memref<80xi32, #tpu.memory_space<hbm>>
        %dma_wait3A_158 = tpu.memref_slice %arg4[%add3A_154] : memref<320000xi32, #tpu.memory_space<hbm>> -> memref<80xi32, #tpu.memory_space<hbm>>
        tpu.wait_dma2 semaphore(%arg21 : memref<!tpu.dma_semaphore, #tpu.memory_space<semaphore_mem>>) src(%dma_wait3A_158 : memref<80xi32, #tpu.memory_space<hbm>>) dst(%arg11 : memref<80xi32, #tpu.memory_space<vmem>>)
        %dma_start3A_159 = arith.constant 0 : i32
        %dma_start3A_160 = arith.constant 0 : i32
        %dma_start3A_161 = tpu.memref_slice %arg2[%dma_start3A_159, %dma_start3A_160] : memref<10000x128xf32, #tpu.memory_space<hbm>> -> memref<10000x128xf32, #tpu.memory_space<hbm>>
        tpu.enqueue_indirect_dma source(%dma_start3A_161 : memref<10000x128xf32, #tpu.memory_space<hbm>>) target(%arg15 : memref<80x128xf32, #tpu.memory_space<vmem>>) offsets(%arg7 : memref<80xi32, #tpu.memory_space<vmem>>) semaphore(%arg25 : memref<!tpu.dma_semaphore, #tpu.memory_space<semaphore_mem>>)
      } else {
      }
      %dma_wait3A_140 = arith.constant 0 : i32
      %dma_wait3A_141 = arith.constant 0 : i32
      %dma_wait3A_142 = tpu.memref_slice %arg2[%dma_wait3A_140, %dma_wait3A_141] : memref<10000x128xf32, #tpu.memory_space<hbm>> -> memref<10000x128xf32, #tpu.memory_space<hbm>>
      tpu.wait_indirect_dma semaphore(%arg27 : memref<!tpu.dma_semaphore, #tpu.memory_space<semaphore_mem>>) src(%dma_wait3A_142 : memref<10000x128xf32, #tpu.memory_space<hbm>>) dst(%arg17 : memref<80x128xf32, #tpu.memory_space<vmem>>)
      "tpu.region"() ({
        %run_scoped3A = tpu.sem_alloc : memref<!tpu.dma_semaphore, #tpu.memory_space<semaphore_mem>>
        %dma_start3A_150 = arith.constant 0 : i32
        %dma_start3A_151 = arith.constant 0 : i32
        %dma_start3A_152 = tpu.memref_slice %arg19[%dma_start3A_150, %dma_start3A_151] : memref<10000x128xf32, #tpu.memory_space<vmem_shared>> -> memref<10000x128xf32, #tpu.memory_space<vmem_shared>>
        tpu.enqueue_indirect_dma source(%arg17 : memref<80x128xf32, #tpu.memory_space<vmem>>) target(%dma_start3A_152 : memref<10000x128xf32, #tpu.memory_space<vmem_shared>>) offsets(%arg13 : memref<80xi32, #tpu.memory_space<vmem>>) semaphore(%run_scoped3A : memref<!tpu.dma_semaphore, #tpu.memory_space<semaphore_mem>>) {add = true}
        %dma_wait3A_153 = arith.constant 0 : i32
        %dma_wait3A_154 = arith.constant 0 : i32
        %dma_wait3A_155 = tpu.memref_slice %arg19[%dma_wait3A_153, %dma_wait3A_154] : memref<10000x128xf32, #tpu.memory_space<vmem_shared>> -> memref<10000x128xf32, #tpu.memory_space<vmem_shared>>
        tpu.wait_indirect_dma semaphore(%run_scoped3A : memref<!tpu.dma_semaphore, #tpu.memory_space<semaphore_mem>>) src(%arg17 : memref<80x128xf32, #tpu.memory_space<vmem>>) dst(%dma_wait3A_155 : memref<10000x128xf32, #tpu.memory_space<vmem_shared>>)
        tpu.yield
      }) : () -> ()
      %add3A_143 = arith.constant 4 : i32
      %add3A_144 = arith.addi %add3A_132, %add3A_143 : i32
      %lt3A_145 = arith.constant 125 : i32
      %lt3A_146 = arith.cmpi slt, %add3A_144, %lt3A_145 : i32
      %convert_element_type3A_147 = arith.extui %lt3A_146 : i1 to i32
      %cond3A_148 = arith.constant 0 : i32
      %cond3A_149 = arith.cmpi ne, %convert_element_type3A_147, %cond3A_148 : i32
      scf.if %cond3A_149 {
        %add3A_150 = arith.constant 4 : i32
        %add3A_151 = arith.addi %add3A_132, %add3A_150 : i32
        %mul3A_152 = arith.constant 80 : i32
        %mul3A_153 = arith.muli %add3A_151, %mul3A_152 : i32
        %add3A_154 = arith.addi %mul3A_2, %mul3A_153 : i32
        %dma_start3A_155 = tpu.memref_slice %arg3[%add3A_154] : memref<320000xi32, #tpu.memory_space<hbm>> -> memref<80xi32, #tpu.memory_space<hbm>>
        %dma_start3A_156 = tpu.memref_slice %arg3[%add3A_154] : memref<320000xi32, #tpu.memory_space<hbm>> -> memref<80xi32, #tpu.memory_space<hbm>>
        tpu.enqueue_dma source(%dma_start3A_156 : memref<80xi32, #tpu.memory_space<hbm>>) target(%arg9 : memref<80xi32, #tpu.memory_space<vmem>>) target_semaphore(%arg23 : memref<!tpu.dma_semaphore, #tpu.memory_space<semaphore_mem>>)
        %dma_start3A_157 = tpu.memref_slice %arg4[%add3A_154] : memref<320000xi32, #tpu.memory_space<hbm>> -> memref<80xi32, #tpu.memory_space<hbm>>
        %dma_start3A_158 = tpu.memref_slice %arg4[%add3A_154] : memref<320000xi32, #tpu.memory_space<hbm>> -> memref<80xi32, #tpu.memory_space<hbm>>
        tpu.enqueue_dma source(%dma_start3A_158 : memref<80xi32, #tpu.memory_space<hbm>>) target(%arg13 : memref<80xi32, #tpu.memory_space<vmem>>) target_semaphore(%arg23 : memref<!tpu.dma_semaphore, #tpu.memory_space<semaphore_mem>>)
      } else {
      }
    }
    %scan3A_59 = arith.constant 31 : i32
    %dma_wait3A_60 = arith.constant 0 : i32
    %dma_wait3A_61 = arith.constant 0 : i32
    %dma_wait3A_62 = tpu.memref_slice %arg2[%dma_wait3A_60, %dma_wait3A_61] : memref<10000x128xf32, #tpu.memory_space<hbm>> -> memref<10000x128xf32, #tpu.memory_space<hbm>>
    tpu.wait_indirect_dma semaphore(%arg24 : memref<!tpu.dma_semaphore, #tpu.memory_space<semaphore_mem>>) src(%dma_wait3A_62 : memref<10000x128xf32, #tpu.memory_space<hbm>>) dst(%arg14 : memref<80x128xf32, #tpu.memory_space<vmem>>)
    "tpu.region"() ({
      %run_scoped3A = tpu.sem_alloc : memref<!tpu.dma_semaphore, #tpu.memory_space<semaphore_mem>>
      %dma_start3A_64 = arith.constant 0 : i32
      %dma_start3A_65 = arith.constant 0 : i32
      %dma_start3A_66 = tpu.memref_slice %arg19[%dma_start3A_64, %dma_start3A_65] : memref<10000x128xf32, #tpu.memory_space<vmem_shared>> -> memref<10000x128xf32, #tpu.memory_space<vmem_shared>>
      tpu.enqueue_indirect_dma source(%arg14 : memref<80x128xf32, #tpu.memory_space<vmem>>) target(%dma_start3A_66 : memref<10000x128xf32, #tpu.memory_space<vmem_shared>>) offsets(%arg10 : memref<80xi32, #tpu.memory_space<vmem>>) semaphore(%run_scoped3A : memref<!tpu.dma_semaphore, #tpu.memory_space<semaphore_mem>>) {add = true}
      %dma_wait3A_67 = arith.constant 0 : i32
      %dma_wait3A_68 = arith.constant 0 : i32
      %dma_wait3A_69 = tpu.memref_slice %arg19[%dma_wait3A_67, %dma_wait3A_68] : memref<10000x128xf32, #tpu.memory_space<vmem_shared>> -> memref<10000x128xf32, #tpu.memory_space<vmem_shared>>
      tpu.wait_indirect_dma semaphore(%run_scoped3A : memref<!tpu.dma_semaphore, #tpu.memory_space<semaphore_mem>>) src(%arg14 : memref<80x128xf32, #tpu.memory_space<vmem>>) dst(%dma_wait3A_69 : memref<10000x128xf32, #tpu.memory_space<vmem_shared>>)
      tpu.yield
    }) : () -> ()
    %barrier3A_63 = arith.constant 0 : index
    tpu.barrier barrier_id(%barrier3A_63)
    "tpu.region"() ({
      %run_scoped3A = tpu.sem_alloc : memref<!tpu.dma_semaphore, #tpu.memory_space<semaphore_mem>>
      %dma_start3A_64 = arith.constant 0 : i32
      %dma_start3A_65 = arith.constant 0 : i32
      %dma_start3A_66 = tpu.memref_slice %arg5[%arg0, %arg1, %dma_start3A_64, %dma_start3A_65] : memref<2x16x625x128xf32, #tpu.memory_space<hbm>> -> memref<1x1x625x128xf32, #tpu.memory_space<hbm>>
      %dma_start3A_67 = tpu.memref_squeeze %dma_start3A_66 : memref<1x1x625x128xf32, #tpu.memory_space<hbm>> -> memref<625x128xf32, #tpu.memory_space<hbm>>
      %dma_start3A_68 = arith.constant 0 : i32
      %dma_start3A_69 = tpu.memref_slice %arg19[%mul3A_32, %dma_start3A_68] : memref<10000x128xf32, #tpu.memory_space<vmem_shared>> -> memref<625x128xf32, #tpu.memory_space<vmem_shared>>
      tpu.enqueue_dma source(%dma_start3A_69 : memref<625x128xf32, #tpu.memory_space<vmem_shared>>) target(%dma_start3A_67 : memref<625x128xf32, #tpu.memory_space<hbm>>) target_semaphore(%run_scoped3A : memref<!tpu.dma_semaphore, #tpu.memory_space<semaphore_mem>>)
      %dma_wait3A_70 = arith.constant 0 : i32
      %dma_wait3A_71 = arith.constant 0 : i32
      %dma_wait3A_72 = tpu.memref_slice %arg5[%arg0, %arg1, %dma_wait3A_70, %dma_wait3A_71] : memref<2x16x625x128xf32, #tpu.memory_space<hbm>> -> memref<1x1x625x128xf32, #tpu.memory_space<hbm>>
      %dma_wait3A_73 = tpu.memref_squeeze %dma_wait3A_72 : memref<1x1x625x128xf32, #tpu.memory_space<hbm>> -> memref<625x128xf32, #tpu.memory_space<hbm>>
      %dma_wait3A_74 = arith.constant 0 : i32
      %dma_wait3A_75 = tpu.memref_slice %arg19[%mul3A_32, %dma_wait3A_74] : memref<10000x128xf32, #tpu.memory_space<vmem_shared>> -> memref<625x128xf32, #tpu.memory_space<vmem_shared>>
      tpu.wait_dma2 semaphore(%run_scoped3A : memref<!tpu.dma_semaphore, #tpu.memory_space<semaphore_mem>>) src(%dma_wait3A_75 : memref<625x128xf32, #tpu.memory_space<vmem_shared>>) dst(%dma_wait3A_73 : memref<625x128xf32, #tpu.memory_space<hbm>>)
      tpu.yield
    }) : () -> ()
    return
  }
}

#map = affine_map<(d0, d1) -> (0)>
#map1 = affine_map<(d0, d1) -> (0, 0, 0, 0)>
module attributes {stable_mosaic.version = 14 : i64} {
  func.func @k(%arg0: i32, %arg1: i32, %arg2: memref<320000xi32, #tpu.memory_space<hbm>>, %arg3: memref<2x16x625x16xf32, #tpu.memory_space<hbm>>, %arg4: memref<80xi32, #tpu.memory_space<vmem>>, %arg5: memref<80xi32, #tpu.memory_space<vmem>>, %arg6: memref<80xi32, #tpu.memory_space<vmem>>, %arg7: memref<80xi32, #tpu.memory_space<vmem>>, %arg8: memref<80x16xf32, #tpu.memory_space<vmem>>, %arg9: memref<125x16xf32, #tpu.memory_space<vmem>>, %arg10: memref<10000x16xf32, #tpu.memory_space<vmem_shared>>, %arg11: memref<!tpu.dma_semaphore, #tpu.memory_space<semaphore_mem>>, %arg12: memref<!tpu.dma_semaphore, #tpu.memory_space<semaphore_mem>>, %arg13: memref<!tpu.dma_semaphore, #tpu.memory_space<semaphore_mem>>, %arg14: memref<!tpu.dma_semaphore, #tpu.memory_space<semaphore_mem>>, %arg15: memref<!tpu.dma_semaphore, #tpu.memory_space<semaphore_mem>>, %arg16: memref<!tpu.dma_semaphore, #tpu.memory_space<semaphore_mem>>, %arg17: memref<!tpu.dma_semaphore, #tpu.memory_space<semaphore_mem>>, %arg18: memref<!tpu.dma_semaphore, #tpu.memory_space<semaphore_mem>>) attributes {dimension_semantics = [#tpu.dimension_semantics<core_parallel>, #tpu.dimension_semantics<subcore_parallel>], iteration_bounds = array<i64: 2, 16>, scalar_prefetch = 0 : i64, scratch_operands = 15 : i64, tpu.core_type = #tpu.core_type<sc_vector_subcore>, window_params = [{transform_indices = #map}, {transform_indices = #map1}]} {
    %mul3A = arith.constant 16 : i32
    %mul3A_0 = arith.muli %arg0, %mul3A : i32
    %add3A = arith.addi %mul3A_0, %arg1 : i32
    %mul3A_1 = arith.constant 10000 : i32
    %mul3A_2 = arith.muli %add3A, %mul3A_1 : i32
    %broadcast_in_dim3A = arith.constant 0.000000e+00 : f32
    %broadcast_in_dim3A_3 = vector.broadcast %broadcast_in_dim3A : f32 to vector<16xf32>
    %broadcast_in_dim3A_4 = arith.constant 1.000000e+00 : f32
    %broadcast_in_dim3A_5 = vector.broadcast %broadcast_in_dim3A_4 : f32 to vector<16xf32>
    %add3A_6 = arith.constant 0 : i32
    %add3A_7 = arith.addi %mul3A_2, %add3A_6 : i32
    %dma_start3A = tpu.memref_slice %arg2[%add3A_7] : memref<320000xi32, #tpu.memory_space<hbm>> -> memref<80xi32, #tpu.memory_space<hbm>>
    %dma_start3A_8 = tpu.memref_slice %arg2[%add3A_7] : memref<320000xi32, #tpu.memory_space<hbm>> -> memref<80xi32, #tpu.memory_space<hbm>>
    tpu.enqueue_dma source(%dma_start3A_8 : memref<80xi32, #tpu.memory_space<hbm>>) target(%arg4 : memref<80xi32, #tpu.memory_space<vmem>>) target_semaphore(%arg11 : memref<!tpu.dma_semaphore, #tpu.memory_space<semaphore_mem>>)
    %add3A_9 = arith.constant 80 : i32
    %add3A_10 = arith.addi %mul3A_2, %add3A_9 : i32
    %dma_start3A_11 = tpu.memref_slice %arg2[%add3A_10] : memref<320000xi32, #tpu.memory_space<hbm>> -> memref<80xi32, #tpu.memory_space<hbm>>
    %dma_start3A_12 = tpu.memref_slice %arg2[%add3A_10] : memref<320000xi32, #tpu.memory_space<hbm>> -> memref<80xi32, #tpu.memory_space<hbm>>
    tpu.enqueue_dma source(%dma_start3A_12 : memref<80xi32, #tpu.memory_space<hbm>>) target(%arg5 : memref<80xi32, #tpu.memory_space<vmem>>) target_semaphore(%arg12 : memref<!tpu.dma_semaphore, #tpu.memory_space<semaphore_mem>>)
    %add3A_13 = arith.constant 160 : i32
    %add3A_14 = arith.addi %mul3A_2, %add3A_13 : i32
    %dma_start3A_15 = tpu.memref_slice %arg2[%add3A_14] : memref<320000xi32, #tpu.memory_space<hbm>> -> memref<80xi32, #tpu.memory_space<hbm>>
    %dma_start3A_16 = tpu.memref_slice %arg2[%add3A_14] : memref<320000xi32, #tpu.memory_space<hbm>> -> memref<80xi32, #tpu.memory_space<hbm>>
    tpu.enqueue_dma source(%dma_start3A_16 : memref<80xi32, #tpu.memory_space<hbm>>) target(%arg6 : memref<80xi32, #tpu.memory_space<vmem>>) target_semaphore(%arg13 : memref<!tpu.dma_semaphore, #tpu.memory_space<semaphore_mem>>)
    %add3A_17 = arith.constant 240 : i32
    %add3A_18 = arith.addi %mul3A_2, %add3A_17 : i32
    %dma_start3A_19 = tpu.memref_slice %arg2[%add3A_18] : memref<320000xi32, #tpu.memory_space<hbm>> -> memref<80xi32, #tpu.memory_space<hbm>>
    %dma_start3A_20 = tpu.memref_slice %arg2[%add3A_18] : memref<320000xi32, #tpu.memory_space<hbm>> -> memref<80xi32, #tpu.memory_space<hbm>>
    tpu.enqueue_dma source(%dma_start3A_20 : memref<80xi32, #tpu.memory_space<hbm>>) target(%arg7 : memref<80xi32, #tpu.memory_space<vmem>>) target_semaphore(%arg14 : memref<!tpu.dma_semaphore, #tpu.memory_space<semaphore_mem>>)
    %scan3A = arith.constant 0 : i32
    %scan3A_21 = arith.constant 125 : i32
    %scan3A_22 = arith.addi %scan3A, %scan3A_21 : i32
    %scan3A_23 = arith.constant 1 : i32
    scf.for %scan3A_52 = %scan3A to %scan3A_22 step %scan3A_23  : i32 {
      %mul3A_53 = arith.constant 1 : i32
      %mul3A_54 = arith.muli %scan3A_52, %mul3A_53 : i32
      %add3A_55 = arith.constant 0 : i32
      %add3A_56 = arith.addi %add3A_55, %mul3A_54 : i32
      %swap3A = arith.index_cast %add3A_56 : i32 to index
      %swap3A_57 = arith.constant 0 : index
      %swap3A_58 = tpu.vector_load %arg9[%swap3A, %swap3A_57] {strides = array<i32>} : memref<125x16xf32, #tpu.memory_space<vmem>>, vector<1x16xf32>,
      %swap3A_59 = vector.shape_cast %swap3A_58 : vector<1x16xf32> to vector<16xf32>
      %swap3A_60 = vector.shape_cast %broadcast_in_dim3A_3 : vector<16xf32> to vector<1x16xf32>
      tpu.vector_store %arg9[%swap3A, %swap3A_57], %swap3A_60 {strides = array<i32>} : memref<125x16xf32, #tpu.memory_space<vmem>>, vector<1x16xf32>,
    }
    %scan3A_24 = arith.constant 125 : i32
    %scan3A_25 = arith.constant 0 : i32
    %scan3A_26 = arith.constant 80 : i32
    %scan3A_27 = arith.addi %scan3A_25, %scan3A_26 : i32
    %scan3A_28 = arith.constant 1 : i32
    scf.for %scan3A_52 = %scan3A_25 to %scan3A_27 step %scan3A_28  : i32 {
      %mul3A_53 = arith.constant 1 : i32
      %mul3A_54 = arith.muli %scan3A_52, %mul3A_53 : i32
      %add3A_55 = arith.constant 0 : i32
      %add3A_56 = arith.addi %add3A_55, %mul3A_54 : i32
      %swap3A = arith.index_cast %add3A_56 : i32 to index
      %swap3A_57 = arith.constant 0 : index
      %swap3A_58 = tpu.vector_load %arg8[%swap3A, %swap3A_57] {strides = array<i32>} : memref<80x16xf32, #tpu.memory_space<vmem>>, vector<1x16xf32>,
      %swap3A_59 = vector.shape_cast %swap3A_58 : vector<1x16xf32> to vector<16xf32>
      %swap3A_60 = vector.shape_cast %broadcast_in_dim3A_5 : vector<16xf32> to vector<1x16xf32>
      tpu.vector_store %arg8[%swap3A, %swap3A_57], %swap3A_60 {strides = array<i32>} : memref<80x16xf32, #tpu.memory_space<vmem>>, vector<1x16xf32>,
    }
    %scan3A_29 = arith.constant 80 : i32
    %mul3A_30 = arith.constant 625 : i32
    %mul3A_31 = arith.muli %arg1, %mul3A_30 : i32
    %scan3A_32 = arith.constant 0 : i32
    %scan3A_33 = arith.constant 5 : i32
    %scan3A_34 = arith.addi %scan3A_32, %scan3A_33 : i32
    %scan3A_35 = arith.constant 1 : i32
    scf.for %scan3A_52 = %scan3A_32 to %scan3A_34 step %scan3A_35  : i32 {
      %mul3A_53 = arith.constant 1 : i32
      %mul3A_54 = arith.muli %scan3A_52, %mul3A_53 : i32
      %add3A_55 = arith.constant 0 : i32
      %add3A_56 = arith.addi %add3A_55, %mul3A_54 : i32
      %mul3A_57 = arith.constant 125 : i32
      %mul3A_58 = arith.muli %add3A_56, %mul3A_57 : i32
      %add3A_59 = arith.addi %mul3A_31, %mul3A_58 : i32
      "tpu.region"() ({
        %run_scoped3A = tpu.sem_alloc : memref<!tpu.dma_semaphore, #tpu.memory_space<semaphore_mem>>
        %dma_start3A_60 = arith.constant 0 : i32
        %dma_start3A_61 = tpu.memref_slice %arg10[%add3A_59, %dma_start3A_60] : memref<10000x16xf32, #tpu.memory_space<vmem_shared>> -> memref<125x16xf32, #tpu.memory_space<vmem_shared>>
        %dma_start3A_62 = arith.constant 0 : i32
        %dma_start3A_63 = tpu.memref_slice %arg10[%add3A_59, %dma_start3A_62] : memref<10000x16xf32, #tpu.memory_space<vmem_shared>> -> memref<125x16xf32, #tpu.memory_space<vmem_shared>>
        tpu.enqueue_dma source(%arg9 : memref<125x16xf32, #tpu.memory_space<vmem>>) target(%dma_start3A_63 : memref<125x16xf32, #tpu.memory_space<vmem_shared>>) target_semaphore(%run_scoped3A : memref<!tpu.dma_semaphore, #tpu.memory_space<semaphore_mem>>)
        %dma_wait3A_64 = arith.constant 0 : i32
        %dma_wait3A_65 = tpu.memref_slice %arg10[%add3A_59, %dma_wait3A_64] : memref<10000x16xf32, #tpu.memory_space<vmem_shared>> -> memref<125x16xf32, #tpu.memory_space<vmem_shared>>
        %dma_wait3A_66 = arith.constant 0 : i32
        %dma_wait3A_67 = tpu.memref_slice %arg10[%add3A_59, %dma_wait3A_66] : memref<10000x16xf32, #tpu.memory_space<vmem_shared>> -> memref<125x16xf32, #tpu.memory_space<vmem_shared>>
        tpu.wait_dma2 semaphore(%run_scoped3A : memref<!tpu.dma_semaphore, #tpu.memory_space<semaphore_mem>>) src(%arg9 : memref<125x16xf32, #tpu.memory_space<vmem>>) dst(%dma_wait3A_67 : memref<125x16xf32, #tpu.memory_space<vmem_shared>>)
        tpu.yield
      }) : () -> ()
    }
    %scan3A_36 = arith.constant 5 : i32
    %barrier3A = arith.constant 0 : index
    tpu.barrier barrier_id(%barrier3A)
    %scan3A_37 = arith.constant 0 : i32
    %scan3A_38 = arith.constant 31 : i32
    %scan3A_39 = arith.addi %scan3A_37, %scan3A_38 : i32
    %scan3A_40 = arith.constant 1 : i32
    scf.for %scan3A_52 = %scan3A_37 to %scan3A_39 step %scan3A_40  : i32 {
      %mul3A_53 = arith.constant 1 : i32
      %mul3A_54 = arith.muli %scan3A_52, %mul3A_53 : i32
      %add3A_55 = arith.constant 0 : i32
      %add3A_56 = arith.addi %add3A_55, %mul3A_54 : i32
      %mul3A_57 = arith.constant 4 : i32
      %mul3A_58 = arith.muli %add3A_56, %mul3A_57 : i32
      %add3A_59 = arith.constant 0 : i32
      %add3A_60 = arith.addi %mul3A_58, %add3A_59 : i32
      %mul3A_61 = arith.constant 80 : i32
      %mul3A_62 = arith.muli %add3A_60, %mul3A_61 : i32
      %add3A_63 = arith.addi %mul3A_2, %mul3A_62 : i32
      %dma_wait3A_64 = tpu.memref_slice %arg2[%add3A_63] : memref<320000xi32, #tpu.memory_space<hbm>> -> memref<80xi32, #tpu.memory_space<hbm>>
      %dma_wait3A_65 = tpu.memref_slice %arg2[%add3A_63] : memref<320000xi32, #tpu.memory_space<hbm>> -> memref<80xi32, #tpu.memory_space<hbm>>
      tpu.wait_dma2 semaphore(%arg11 : memref<!tpu.dma_semaphore, #tpu.memory_space<semaphore_mem>>) src(%dma_wait3A_65 : memref<80xi32, #tpu.memory_space<hbm>>) dst(%arg4 : memref<80xi32, #tpu.memory_space<vmem>>)
      %dma_start3A_66 = arith.constant 0 : i32
      %dma_start3A_67 = arith.constant 0 : i32
      %dma_start3A_68 = tpu.memref_slice %arg10[%dma_start3A_66, %dma_start3A_67] : memref<10000x16xf32, #tpu.memory_space<vmem_shared>> -> memref<10000x16xf32, #tpu.memory_space<vmem_shared>>
      tpu.enqueue_indirect_dma source(%arg8 : memref<80x16xf32, #tpu.memory_space<vmem>>) target(%dma_start3A_68 : memref<10000x16xf32, #tpu.memory_space<vmem_shared>>) offsets(%arg4 : memref<80xi32, #tpu.memory_space<vmem>>) semaphore(%arg15 : memref<!tpu.dma_semaphore, #tpu.memory_space<semaphore_mem>>) {add = true}
      %dma_wait3A_69 = arith.constant 0 : i32
      %dma_wait3A_70 = arith.constant 0 : i32
      %dma_wait3A_71 = tpu.memref_slice %arg10[%dma_wait3A_69, %dma_wait3A_70] : memref<10000x16xf32, #tpu.memory_space<vmem_shared>> -> memref<10000x16xf32, #tpu.memory_space<vmem_shared>>
      tpu.wait_indirect_dma semaphore(%arg15 : memref<!tpu.dma_semaphore, #tpu.memory_space<semaphore_mem>>) src(%arg8 : memref<80x16xf32, #tpu.memory_space<vmem>>) dst(%dma_wait3A_71 : memref<10000x16xf32, #tpu.memory_space<vmem_shared>>)
      %add3A_72 = arith.constant 4 : i32
      %add3A_73 = arith.addi %add3A_60, %add3A_72 : i32
      %lt3A = arith.constant 125 : i32
      %lt3A_74 = arith.cmpi slt, %add3A_73, %lt3A : i32
      %convert_element_type3A = arith.extui %lt3A_74 : i1 to i32
      %cond3A = arith.constant 0 : i32
      %cond3A_75 = arith.cmpi ne, %convert_element_type3A, %cond3A : i32
      scf.if %cond3A_75 {
        %add3A_142 = arith.constant 4 : i32
        %add3A_143 = arith.addi %add3A_60, %add3A_142 : i32
        %mul3A_144 = arith.constant 80 : i32
        %mul3A_145 = arith.muli %add3A_143, %mul3A_144 : i32
        %add3A_146 = arith.addi %mul3A_2, %mul3A_145 : i32
        %dma_start3A_147 = tpu.memref_slice %arg2[%add3A_146] : memref<320000xi32, #tpu.memory_space<hbm>> -> memref<80xi32, #tpu.memory_space<hbm>>
        %dma_start3A_148 = tpu.memref_slice %arg2[%add3A_146] : memref<320000xi32, #tpu.memory_space<hbm>> -> memref<80xi32, #tpu.memory_space<hbm>>
        tpu.enqueue_dma source(%dma_start3A_148 : memref<80xi32, #tpu.memory_space<hbm>>) target(%arg4 : memref<80xi32, #tpu.memory_space<vmem>>) target_semaphore(%arg11 : memref<!tpu.dma_semaphore, #tpu.memory_space<semaphore_mem>>)
      } else {
      }
      %mul3A_76 = arith.constant 4 : i32
      %mul3A_77 = arith.muli %add3A_56, %mul3A_76 : i32
      %add3A_78 = arith.constant 1 : i32
      %add3A_79 = arith.addi %mul3A_77, %add3A_78 : i32
      %mul3A_80 = arith.constant 80 : i32
      %mul3A_81 = arith.muli %add3A_79, %mul3A_80 : i32
      %add3A_82 = arith.addi %mul3A_2, %mul3A_81 : i32
      %dma_wait3A_83 = tpu.memref_slice %arg2[%add3A_82] : memref<320000xi32, #tpu.memory_space<hbm>> -> memref<80xi32, #tpu.memory_space<hbm>>
      %dma_wait3A_84 = tpu.memref_slice %arg2[%add3A_82] : memref<320000xi32, #tpu.memory_space<hbm>> -> memref<80xi32, #tpu.memory_space<hbm>>
      tpu.wait_dma2 semaphore(%arg12 : memref<!tpu.dma_semaphore, #tpu.memory_space<semaphore_mem>>) src(%dma_wait3A_84 : memref<80xi32, #tpu.memory_space<hbm>>) dst(%arg5 : memref<80xi32, #tpu.memory_space<vmem>>)
      %dma_start3A_85 = arith.constant 0 : i32
      %dma_start3A_86 = arith.constant 0 : i32
      %dma_start3A_87 = tpu.memref_slice %arg10[%dma_start3A_85, %dma_start3A_86] : memref<10000x16xf32, #tpu.memory_space<vmem_shared>> -> memref<10000x16xf32, #tpu.memory_space<vmem_shared>>
      tpu.enqueue_indirect_dma source(%arg8 : memref<80x16xf32, #tpu.memory_space<vmem>>) target(%dma_start3A_87 : memref<10000x16xf32, #tpu.memory_space<vmem_shared>>) offsets(%arg5 : memref<80xi32, #tpu.memory_space<vmem>>) semaphore(%arg16 : memref<!tpu.dma_semaphore, #tpu.memory_space<semaphore_mem>>) {add = true}
      %dma_wait3A_88 = arith.constant 0 : i32
      %dma_wait3A_89 = arith.constant 0 : i32
      %dma_wait3A_90 = tpu.memref_slice %arg10[%dma_wait3A_88, %dma_wait3A_89] : memref<10000x16xf32, #tpu.memory_space<vmem_shared>> -> memref<10000x16xf32, #tpu.memory_space<vmem_shared>>
      tpu.wait_indirect_dma semaphore(%arg16 : memref<!tpu.dma_semaphore, #tpu.memory_space<semaphore_mem>>) src(%arg8 : memref<80x16xf32, #tpu.memory_space<vmem>>) dst(%dma_wait3A_90 : memref<10000x16xf32, #tpu.memory_space<vmem_shared>>)
      %add3A_91 = arith.constant 4 : i32
      %add3A_92 = arith.addi %add3A_79, %add3A_91 : i32
      %lt3A_93 = arith.constant 125 : i32
      %lt3A_94 = arith.cmpi slt, %add3A_92, %lt3A_93 : i32
      %convert_element_type3A_95 = arith.extui %lt3A_94 : i1 to i32
      %cond3A_96 = arith.constant 0 : i32
      %cond3A_97 = arith.cmpi ne, %convert_element_type3A_95, %cond3A_96 : i32
      scf.if %cond3A_97 {
        %add3A_142 = arith.constant 4 : i32
        %add3A_143 = arith.addi %add3A_79, %add3A_142 : i32
        %mul3A_144 = arith.constant 80 : i32
        %mul3A_145 = arith.muli %add3A_143, %mul3A_144 : i32
        %add3A_146 = arith.addi %mul3A_2, %mul3A_145 : i32
        %dma_start3A_147 = tpu.memref_slice %arg2[%add3A_146] : memref<320000xi32, #tpu.memory_space<hbm>> -> memref<80xi32, #tpu.memory_space<hbm>>
        %dma_start3A_148 = tpu.memref_slice %arg2[%add3A_146] : memref<320000xi32, #tpu.memory_space<hbm>> -> memref<80xi32, #tpu.memory_space<hbm>>
        tpu.enqueue_dma source(%dma_start3A_148 : memref<80xi32, #tpu.memory_space<hbm>>) target(%arg5 : memref<80xi32, #tpu.memory_space<vmem>>) target_semaphore(%arg12 : memref<!tpu.dma_semaphore, #tpu.memory_space<semaphore_mem>>)
      } else {
      }
      %mul3A_98 = arith.constant 4 : i32
      %mul3A_99 = arith.muli %add3A_56, %mul3A_98 : i32
      %add3A_100 = arith.constant 2 : i32
      %add3A_101 = arith.addi %mul3A_99, %add3A_100 : i32
      %mul3A_102 = arith.constant 80 : i32
      %mul3A_103 = arith.muli %add3A_101, %mul3A_102 : i32
      %add3A_104 = arith.addi %mul3A_2, %mul3A_103 : i32
      %dma_wait3A_105 = tpu.memref_slice %arg2[%add3A_104] : memref<320000xi32, #tpu.memory_space<hbm>> -> memref<80xi32, #tpu.memory_space<hbm>>
      %dma_wait3A_106 = tpu.memref_slice %arg2[%add3A_104] : memref<320000xi32, #tpu.memory_space<hbm>> -> memref<80xi32, #tpu.memory_space<hbm>>
      tpu.wait_dma2 semaphore(%arg13 : memref<!tpu.dma_semaphore, #tpu.memory_space<semaphore_mem>>) src(%dma_wait3A_106 : memref<80xi32, #tpu.memory_space<hbm>>) dst(%arg6 : memref<80xi32, #tpu.memory_space<vmem>>)
      %dma_start3A_107 = arith.constant 0 : i32
      %dma_start3A_108 = arith.constant 0 : i32
      %dma_start3A_109 = tpu.memref_slice %arg10[%dma_start3A_107, %dma_start3A_108] : memref<10000x16xf32, #tpu.memory_space<vmem_shared>> -> memref<10000x16xf32, #tpu.memory_space<vmem_shared>>
      tpu.enqueue_indirect_dma source(%arg8 : memref<80x16xf32, #tpu.memory_space<vmem>>) target(%dma_start3A_109 : memref<10000x16xf32, #tpu.memory_space<vmem_shared>>) offsets(%arg6 : memref<80xi32, #tpu.memory_space<vmem>>) semaphore(%arg17 : memref<!tpu.dma_semaphore, #tpu.memory_space<semaphore_mem>>) {add = true}
      %dma_wait3A_110 = arith.constant 0 : i32
      %dma_wait3A_111 = arith.constant 0 : i32
      %dma_wait3A_112 = tpu.memref_slice %arg10[%dma_wait3A_110, %dma_wait3A_111] : memref<10000x16xf32, #tpu.memory_space<vmem_shared>> -> memref<10000x16xf32, #tpu.memory_space<vmem_shared>>
      tpu.wait_indirect_dma semaphore(%arg17 : memref<!tpu.dma_semaphore, #tpu.memory_space<semaphore_mem>>) src(%arg8 : memref<80x16xf32, #tpu.memory_space<vmem>>) dst(%dma_wait3A_112 : memref<10000x16xf32, #tpu.memory_space<vmem_shared>>)
      %add3A_113 = arith.constant 4 : i32
      %add3A_114 = arith.addi %add3A_101, %add3A_113 : i32
      %lt3A_115 = arith.constant 125 : i32
      %lt3A_116 = arith.cmpi slt, %add3A_114, %lt3A_115 : i32
      %convert_element_type3A_117 = arith.extui %lt3A_116 : i1 to i32
      %cond3A_118 = arith.constant 0 : i32
      %cond3A_119 = arith.cmpi ne, %convert_element_type3A_117, %cond3A_118 : i32
      scf.if %cond3A_119 {
        %add3A_142 = arith.constant 4 : i32
        %add3A_143 = arith.addi %add3A_101, %add3A_142 : i32
        %mul3A_144 = arith.constant 80 : i32
        %mul3A_145 = arith.muli %add3A_143, %mul3A_144 : i32
        %add3A_146 = arith.addi %mul3A_2, %mul3A_145 : i32
        %dma_start3A_147 = tpu.memref_slice %arg2[%add3A_146] : memref<320000xi32, #tpu.memory_space<hbm>> -> memref<80xi32, #tpu.memory_space<hbm>>
        %dma_start3A_148 = tpu.memref_slice %arg2[%add3A_146] : memref<320000xi32, #tpu.memory_space<hbm>> -> memref<80xi32, #tpu.memory_space<hbm>>
        tpu.enqueue_dma source(%dma_start3A_148 : memref<80xi32, #tpu.memory_space<hbm>>) target(%arg6 : memref<80xi32, #tpu.memory_space<vmem>>) target_semaphore(%arg13 : memref<!tpu.dma_semaphore, #tpu.memory_space<semaphore_mem>>)
      } else {
      }
      %mul3A_120 = arith.constant 4 : i32
      %mul3A_121 = arith.muli %add3A_56, %mul3A_120 : i32
      %add3A_122 = arith.constant 3 : i32
      %add3A_123 = arith.addi %mul3A_121, %add3A_122 : i32
      %mul3A_124 = arith.constant 80 : i32
      %mul3A_125 = arith.muli %add3A_123, %mul3A_124 : i32
      %add3A_126 = arith.addi %mul3A_2, %mul3A_125 : i32
      %dma_wait3A_127 = tpu.memref_slice %arg2[%add3A_126] : memref<320000xi32, #tpu.memory_space<hbm>> -> memref<80xi32, #tpu.memory_space<hbm>>
      %dma_wait3A_128 = tpu.memref_slice %arg2[%add3A_126] : memref<320000xi32, #tpu.memory_space<hbm>> -> memref<80xi32, #tpu.memory_space<hbm>>
      tpu.wait_dma2 semaphore(%arg14 : memref<!tpu.dma_semaphore, #tpu.memory_space<semaphore_mem>>) src(%dma_wait3A_128 : memref<80xi32, #tpu.memory_space<hbm>>) dst(%arg7 : memref<80xi32, #tpu.memory_space<vmem>>)
      %dma_start3A_129 = arith.constant 0 : i32
      %dma_start3A_130 = arith.constant 0 : i32
      %dma_start3A_131 = tpu.memref_slice %arg10[%dma_start3A_129, %dma_start3A_130] : memref<10000x16xf32, #tpu.memory_space<vmem_shared>> -> memref<10000x16xf32, #tpu.memory_space<vmem_shared>>
      tpu.enqueue_indirect_dma source(%arg8 : memref<80x16xf32, #tpu.memory_space<vmem>>) target(%dma_start3A_131 : memref<10000x16xf32, #tpu.memory_space<vmem_shared>>) offsets(%arg7 : memref<80xi32, #tpu.memory_space<vmem>>) semaphore(%arg18 : memref<!tpu.dma_semaphore, #tpu.memory_space<semaphore_mem>>) {add = true}
      %dma_wait3A_132 = arith.constant 0 : i32
      %dma_wait3A_133 = arith.constant 0 : i32
      %dma_wait3A_134 = tpu.memref_slice %arg10[%dma_wait3A_132, %dma_wait3A_133] : memref<10000x16xf32, #tpu.memory_space<vmem_shared>> -> memref<10000x16xf32, #tpu.memory_space<vmem_shared>>
      tpu.wait_indirect_dma semaphore(%arg18 : memref<!tpu.dma_semaphore, #tpu.memory_space<semaphore_mem>>) src(%arg8 : memref<80x16xf32, #tpu.memory_space<vmem>>) dst(%dma_wait3A_134 : memref<10000x16xf32, #tpu.memory_space<vmem_shared>>)
      %add3A_135 = arith.constant 4 : i32
      %add3A_136 = arith.addi %add3A_123, %add3A_135 : i32
      %lt3A_137 = arith.constant 125 : i32
      %lt3A_138 = arith.cmpi slt, %add3A_136, %lt3A_137 : i32
      %convert_element_type3A_139 = arith.extui %lt3A_138 : i1 to i32
      %cond3A_140 = arith.constant 0 : i32
      %cond3A_141 = arith.cmpi ne, %convert_element_type3A_139, %cond3A_140 : i32
      scf.if %cond3A_141 {
        %add3A_142 = arith.constant 4 : i32
        %add3A_143 = arith.addi %add3A_123, %add3A_142 : i32
        %mul3A_144 = arith.constant 80 : i32
        %mul3A_145 = arith.muli %add3A_143, %mul3A_144 : i32
        %add3A_146 = arith.addi %mul3A_2, %mul3A_145 : i32
        %dma_start3A_147 = tpu.memref_slice %arg2[%add3A_146] : memref<320000xi32, #tpu.memory_space<hbm>> -> memref<80xi32, #tpu.memory_space<hbm>>
        %dma_start3A_148 = tpu.memref_slice %arg2[%add3A_146] : memref<320000xi32, #tpu.memory_space<hbm>> -> memref<80xi32, #tpu.memory_space<hbm>>
        tpu.enqueue_dma source(%dma_start3A_148 : memref<80xi32, #tpu.memory_space<hbm>>) target(%arg7 : memref<80xi32, #tpu.memory_space<vmem>>) target_semaphore(%arg14 : memref<!tpu.dma_semaphore, #tpu.memory_space<semaphore_mem>>)
      } else {
      }
    }
    %scan3A_41 = arith.constant 31 : i32
    %add3A_42 = arith.constant 9920 : i32
    %add3A_43 = arith.addi %mul3A_2, %add3A_42 : i32
    %dma_wait3A = tpu.memref_slice %arg2[%add3A_43] : memref<320000xi32, #tpu.memory_space<hbm>> -> memref<80xi32, #tpu.memory_space<hbm>>
    %dma_wait3A_44 = tpu.memref_slice %arg2[%add3A_43] : memref<320000xi32, #tpu.memory_space<hbm>> -> memref<80xi32, #tpu.memory_space<hbm>>
    tpu.wait_dma2 semaphore(%arg11 : memref<!tpu.dma_semaphore, #tpu.memory_space<semaphore_mem>>) src(%dma_wait3A_44 : memref<80xi32, #tpu.memory_space<hbm>>) dst(%arg4 : memref<80xi32, #tpu.memory_space<vmem>>)
    %dma_start3A_45 = arith.constant 0 : i32
    %dma_start3A_46 = arith.constant 0 : i32
    %dma_start3A_47 = tpu.memref_slice %arg10[%dma_start3A_45, %dma_start3A_46] : memref<10000x16xf32, #tpu.memory_space<vmem_shared>> -> memref<10000x16xf32, #tpu.memory_space<vmem_shared>>
    tpu.enqueue_indirect_dma source(%arg8 : memref<80x16xf32, #tpu.memory_space<vmem>>) target(%dma_start3A_47 : memref<10000x16xf32, #tpu.memory_space<vmem_shared>>) offsets(%arg4 : memref<80xi32, #tpu.memory_space<vmem>>) semaphore(%arg15 : memref<!tpu.dma_semaphore, #tpu.memory_space<semaphore_mem>>) {add = true}
    %dma_wait3A_48 = arith.constant 0 : i32
    %dma_wait3A_49 = arith.constant 0 : i32
    %dma_wait3A_50 = tpu.memref_slice %arg10[%dma_wait3A_48, %dma_wait3A_49] : memref<10000x16xf32, #tpu.memory_space<vmem_shared>> -> memref<10000x16xf32, #tpu.memory_space<vmem_shared>>
    tpu.wait_indirect_dma semaphore(%arg15 : memref<!tpu.dma_semaphore, #tpu.memory_space<semaphore_mem>>) src(%arg8 : memref<80x16xf32, #tpu.memory_space<vmem>>) dst(%dma_wait3A_50 : memref<10000x16xf32, #tpu.memory_space<vmem_shared>>)
    %barrier3A_51 = arith.constant 0 : index
    tpu.barrier barrier_id(%barrier3A_51)
    "tpu.region"() ({
      %run_scoped3A = tpu.sem_alloc : memref<!tpu.dma_semaphore, #tpu.memory_space<semaphore_mem>>
      %dma_start3A_52 = arith.constant 0 : i32
      %dma_start3A_53 = arith.constant 0 : i32
      %dma_start3A_54 = tpu.memref_slice %arg3[%arg0, %arg1, %dma_start3A_52, %dma_start3A_53] : memref<2x16x625x16xf32, #tpu.memory_space<hbm>> -> memref<1x1x625x16xf32, #tpu.memory_space<hbm>>
      %dma_start3A_55 = tpu.memref_squeeze %dma_start3A_54 : memref<1x1x625x16xf32, #tpu.memory_space<hbm>> -> memref<625x16xf32, #tpu.memory_space<hbm>>
      %dma_start3A_56 = arith.constant 0 : i32
      %dma_start3A_57 = tpu.memref_slice %arg10[%mul3A_31, %dma_start3A_56] : memref<10000x16xf32, #tpu.memory_space<vmem_shared>> -> memref<625x16xf32, #tpu.memory_space<vmem_shared>>
      tpu.enqueue_dma source(%dma_start3A_57 : memref<625x16xf32, #tpu.memory_space<vmem_shared>>) target(%dma_start3A_55 : memref<625x16xf32, #tpu.memory_space<hbm>>) target_semaphore(%run_scoped3A : memref<!tpu.dma_semaphore, #tpu.memory_space<semaphore_mem>>)
      %dma_wait3A_58 = arith.constant 0 : i32
      %dma_wait3A_59 = arith.constant 0 : i32
      %dma_wait3A_60 = tpu.memref_slice %arg3[%arg0, %arg1, %dma_wait3A_58, %dma_wait3A_59] : memref<2x16x625x16xf32, #tpu.memory_space<hbm>> -> memref<1x1x625x16xf32, #tpu.memory_space<hbm>>
      %dma_wait3A_61 = tpu.memref_squeeze %dma_wait3A_60 : memref<1x1x625x16xf32, #tpu.memory_space<hbm>> -> memref<625x16xf32, #tpu.memory_space<hbm>>
      %dma_wait3A_62 = arith.constant 0 : i32
      %dma_wait3A_63 = tpu.memref_slice %arg10[%mul3A_31, %dma_wait3A_62] : memref<10000x16xf32, #tpu.memory_space<vmem_shared>> -> memref<625x16xf32, #tpu.memory_space<vmem_shared>>
      tpu.wait_dma2 semaphore(%run_scoped3A : memref<!tpu.dma_semaphore, #tpu.memory_space<semaphore_mem>>) src(%dma_wait3A_63 : memref<625x16xf32, #tpu.memory_space<vmem_shared>>) dst(%dma_wait3A_61 : memref<625x16xf32, #tpu.memory_space<hbm>>)
      tpu.yield
    }) : () -> ()
    return
  }
}

#map = affine_map<(d0, d1) -> (0, 0)>
#map1 = affine_map<(d0, d1) -> (0)>
#map2 = affine_map<(d0, d1) -> (0, 0, 0, 0)>
module attributes {stable_mosaic.version = 14 : i64} {
  func.func @k(%arg0: i32, %arg1: i32, %arg2: memref<10000x128xf32, #tpu.memory_space<hbm>>, %arg3: memref<320000xi32, #tpu.memory_space<hbm>>, %arg4: memref<320000xi32, #tpu.memory_space<hbm>>, %arg5: memref<2x16x625x128xf32, #tpu.memory_space<hbm>>, %arg6: memref<80xi32, #tpu.memory_space<vmem>>, %arg7: memref<80xi32, #tpu.memory_space<vmem>>, %arg8: memref<80xi32, #tpu.memory_space<vmem>>, %arg9: memref<80xi32, #tpu.memory_space<vmem>>, %arg10: memref<80xi32, #tpu.memory_space<vmem>>, %arg11: memref<80xi32, #tpu.memory_space<vmem>>, %arg12: memref<80xi32, #tpu.memory_space<vmem>>, %arg13: memref<80xi32, #tpu.memory_space<vmem>>, %arg14: memref<80x128xf32, #tpu.memory_space<vmem>>, %arg15: memref<80x128xf32, #tpu.memory_space<vmem>>, %arg16: memref<80x128xf32, #tpu.memory_space<vmem>>, %arg17: memref<80x128xf32, #tpu.memory_space<vmem>>, %arg18: memref<25x128xf32, #tpu.memory_space<vmem>>, %arg19: memref<10000x128xf32, #tpu.memory_space<vmem_shared>>, %arg20: memref<!tpu.dma_semaphore, #tpu.memory_space<semaphore_mem>>, %arg21: memref<!tpu.dma_semaphore, #tpu.memory_space<semaphore_mem>>, %arg22: memref<!tpu.dma_semaphore, #tpu.memory_space<semaphore_mem>>, %arg23: memref<!tpu.dma_semaphore, #tpu.memory_space<semaphore_mem>>, %arg24: memref<!tpu.dma_semaphore, #tpu.memory_space<semaphore_mem>>, %arg25: memref<!tpu.dma_semaphore, #tpu.memory_space<semaphore_mem>>, %arg26: memref<!tpu.dma_semaphore, #tpu.memory_space<semaphore_mem>>, %arg27: memref<!tpu.dma_semaphore, #tpu.memory_space<semaphore_mem>>) attributes {dimension_semantics = [#tpu.dimension_semantics<core_parallel>, #tpu.dimension_semantics<subcore_parallel>], iteration_bounds = array<i64: 2, 16>, scalar_prefetch = 0 : i64, scratch_operands = 22 : i64, tpu.core_type = #tpu.core_type<sc_vector_subcore>, window_params = [{transform_indices = #map}, {transform_indices = #map1}, {transform_indices = #map1}, {transform_indices = #map2}]} {
    %mul3A = arith.constant 16 : i32
    %mul3A_0 = arith.muli %arg0, %mul3A : i32
    %add3A = arith.addi %mul3A_0, %arg1 : i32
    %mul3A_1 = arith.constant 10000 : i32
    %mul3A_2 = arith.muli %add3A, %mul3A_1 : i32
    %add3A_3 = arith.constant 0 : i32
    %add3A_4 = arith.addi %mul3A_2, %add3A_3 : i32
    %dma_start3A = tpu.memref_slice %arg3[%add3A_4] : memref<320000xi32, #tpu.memory_space<hbm>> -> memref<80xi32, #tpu.memory_space<hbm>>
    %dma_start3A_5 = tpu.memref_slice %arg3[%add3A_4] : memref<320000xi32, #tpu.memory_space<hbm>> -> memref<80xi32, #tpu.memory_space<hbm>>
    tpu.enqueue_dma source(%dma_start3A_5 : memref<80xi32, #tpu.memory_space<hbm>>) target(%arg6 : memref<80xi32, #tpu.memory_space<vmem>>) target_semaphore(%arg20 : memref<!tpu.dma_semaphore, #tpu.memory_space<semaphore_mem>>)
    %dma_start3A_6 = tpu.memref_slice %arg4[%add3A_4] : memref<320000xi32, #tpu.memory_space<hbm>> -> memref<80xi32, #tpu.memory_space<hbm>>
    %dma_start3A_7 = tpu.memref_slice %arg4[%add3A_4] : memref<320000xi32, #tpu.memory_space<hbm>> -> memref<80xi32, #tpu.memory_space<hbm>>
    tpu.enqueue_dma source(%dma_start3A_7 : memref<80xi32, #tpu.memory_space<hbm>>) target(%arg10 : memref<80xi32, #tpu.memory_space<vmem>>) target_semaphore(%arg20 : memref<!tpu.dma_semaphore, #tpu.memory_space<semaphore_mem>>)
    %add3A_8 = arith.constant 80 : i32
    %add3A_9 = arith.addi %mul3A_2, %add3A_8 : i32
    %dma_start3A_10 = tpu.memref_slice %arg3[%add3A_9] : memref<320000xi32, #tpu.memory_space<hbm>> -> memref<80xi32, #tpu.memory_space<hbm>>
    %dma_start3A_11 = tpu.memref_slice %arg3[%add3A_9] : memref<320000xi32, #tpu.memory_space<hbm>> -> memref<80xi32, #tpu.memory_space<hbm>>
    tpu.enqueue_dma source(%dma_start3A_11 : memref<80xi32, #tpu.memory_space<hbm>>) target(%arg7 : memref<80xi32, #tpu.memory_space<vmem>>) target_semaphore(%arg21 : memref<!tpu.dma_semaphore, #tpu.memory_space<semaphore_mem>>)
    %dma_start3A_12 = tpu.memref_slice %arg4[%add3A_9] : memref<320000xi32, #tpu.memory_space<hbm>> -> memref<80xi32, #tpu.memory_space<hbm>>
    %dma_start3A_13 = tpu.memref_slice %arg4[%add3A_9] : memref<320000xi32, #tpu.memory_space<hbm>> -> memref<80xi32, #tpu.memory_space<hbm>>
    tpu.enqueue_dma source(%dma_start3A_13 : memref<80xi32, #tpu.memory_space<hbm>>) target(%arg11 : memref<80xi32, #tpu.memory_space<vmem>>) target_semaphore(%arg21 : memref<!tpu.dma_semaphore, #tpu.memory_space<semaphore_mem>>)
    %add3A_14 = arith.constant 160 : i32
    %add3A_15 = arith.addi %mul3A_2, %add3A_14 : i32
    %dma_start3A_16 = tpu.memref_slice %arg3[%add3A_15] : memref<320000xi32, #tpu.memory_space<hbm>> -> memref<80xi32, #tpu.memory_space<hbm>>
    %dma_start3A_17 = tpu.memref_slice %arg3[%add3A_15] : memref<320000xi32, #tpu.memory_space<hbm>> -> memref<80xi32, #tpu.memory_space<hbm>>
    tpu.enqueue_dma source(%dma_start3A_17 : memref<80xi32, #tpu.memory_space<hbm>>) target(%arg8 : memref<80xi32, #tpu.memory_space<vmem>>) target_semaphore(%arg22 : memref<!tpu.dma_semaphore, #tpu.memory_space<semaphore_mem>>)
    %dma_start3A_18 = tpu.memref_slice %arg4[%add3A_15] : memref<320000xi32, #tpu.memory_space<hbm>> -> memref<80xi32, #tpu.memory_space<hbm>>
    %dma_start3A_19 = tpu.memref_slice %arg4[%add3A_15] : memref<320000xi32, #tpu.memory_space<hbm>> -> memref<80xi32, #tpu.memory_space<hbm>>
    tpu.enqueue_dma source(%dma_start3A_19 : memref<80xi32, #tpu.memory_space<hbm>>) target(%arg12 : memref<80xi32, #tpu.memory_space<vmem>>) target_semaphore(%arg22 : memref<!tpu.dma_semaphore, #tpu.memory_space<semaphore_mem>>)
    %add3A_20 = arith.constant 240 : i32
    %add3A_21 = arith.addi %mul3A_2, %add3A_20 : i32
    %dma_start3A_22 = tpu.memref_slice %arg3[%add3A_21] : memref<320000xi32, #tpu.memory_space<hbm>> -> memref<80xi32, #tpu.memory_space<hbm>>
    %dma_start3A_23 = tpu.memref_slice %arg3[%add3A_21] : memref<320000xi32, #tpu.memory_space<hbm>> -> memref<80xi32, #tpu.memory_space<hbm>>
    tpu.enqueue_dma source(%dma_start3A_23 : memref<80xi32, #tpu.memory_space<hbm>>) target(%arg9 : memref<80xi32, #tpu.memory_space<vmem>>) target_semaphore(%arg23 : memref<!tpu.dma_semaphore, #tpu.memory_space<semaphore_mem>>)
    %dma_start3A_24 = tpu.memref_slice %arg4[%add3A_21] : memref<320000xi32, #tpu.memory_space<hbm>> -> memref<80xi32, #tpu.memory_space<hbm>>
    %dma_start3A_25 = tpu.memref_slice %arg4[%add3A_21] : memref<320000xi32, #tpu.memory_space<hbm>> -> memref<80xi32, #tpu.memory_space<hbm>>
    tpu.enqueue_dma source(%dma_start3A_25 : memref<80xi32, #tpu.memory_space<hbm>>) target(%arg13 : memref<80xi32, #tpu.memory_space<vmem>>) target_semaphore(%arg23 : memref<!tpu.dma_semaphore, #tpu.memory_space<semaphore_mem>>)
    %broadcast_in_dim3A = arith.constant 0.000000e+00 : f32
    %broadcast_in_dim3A_26 = vector.broadcast %broadcast_in_dim3A : f32 to vector<16xf32>
    %scan3A = arith.constant 0 : i32
    %scan3A_27 = arith.constant 25 : i32
    %scan3A_28 = arith.addi %scan3A, %scan3A_27 : i32
    %scan3A_29 = arith.constant 1 : i32
    scf.for %scan3A_64 = %scan3A to %scan3A_28 step %scan3A_29  : i32 {
      %mul3A_65 = arith.constant 1 : i32
      %mul3A_66 = arith.muli %scan3A_64, %mul3A_65 : i32
      %add3A_67 = arith.constant 0 : i32
      %add3A_68 = arith.addi %add3A_67, %mul3A_66 : i32
      %scan3A_69 = arith.constant 0 : i32
      %scan3A_70 = arith.constant 8 : i32
      %scan3A_71 = arith.addi %scan3A_69, %scan3A_70 : i32
      %scan3A_72 = arith.constant 1 : i32
      scf.for %scan3A_74 = %scan3A_69 to %scan3A_71 step %scan3A_72  : i32 {
        %mul3A_75 = arith.constant 1 : i32
        %mul3A_76 = arith.muli %scan3A_74, %mul3A_75 : i32
        %add3A_77 = arith.constant 0 : i32
        %add3A_78 = arith.addi %add3A_77, %mul3A_76 : i32
        %mul3A_79 = arith.constant 16 : i32
        %mul3A_80 = arith.muli %add3A_78, %mul3A_79 : i32
        %swap3A = arith.index_cast %add3A_68 : i32 to index
        %swap3A_81 = arith.index_cast %mul3A_80 : i32 to index
        %swap3A_82 = tpu.vector_load %arg18[%swap3A, %swap3A_81] {strides = array<i32>} : memref<25x128xf32, #tpu.memory_space<vmem>>, vector<1x16xf32>,
        %swap3A_83 = vector.shape_cast %swap3A_82 : vector<1x16xf32> to vector<16xf32>
        %swap3A_84 = vector.shape_cast %broadcast_in_dim3A_26 : vector<16xf32> to vector<1x16xf32>
        tpu.vector_store %arg18[%swap3A, %swap3A_81], %swap3A_84 {strides = array<i32>} : memref<25x128xf32, #tpu.memory_space<vmem>>, vector<1x16xf32>,
      }
      %scan3A_73 = arith.constant 8 : i32
    }
    %scan3A_30 = arith.constant 25 : i32
    %mul3A_31 = arith.constant 625 : i32
    %mul3A_32 = arith.muli %arg1, %mul3A_31 : i32
    %scan3A_33 = arith.constant 0 : i32
    %scan3A_34 = arith.constant 25 : i32
    %scan3A_35 = arith.addi %scan3A_33, %scan3A_34 : i32
    %scan3A_36 = arith.constant 1 : i32
    scf.for %scan3A_64 = %scan3A_33 to %scan3A_35 step %scan3A_36  : i32 {
      %mul3A_65 = arith.constant 1 : i32
      %mul3A_66 = arith.muli %scan3A_64, %mul3A_65 : i32
      %add3A_67 = arith.constant 0 : i32
      %add3A_68 = arith.addi %add3A_67, %mul3A_66 : i32
      %mul3A_69 = arith.constant 25 : i32
      %mul3A_70 = arith.muli %add3A_68, %mul3A_69 : i32
      %add3A_71 = arith.addi %mul3A_32, %mul3A_70 : i32
      "tpu.region"() ({
        %run_scoped3A = tpu.sem_alloc : memref<!tpu.dma_semaphore, #tpu.memory_space<semaphore_mem>>
        %dma_start3A_72 = arith.constant 0 : i32
        %dma_start3A_73 = tpu.memref_slice %arg19[%add3A_71, %dma_start3A_72] : memref<10000x128xf32, #tpu.memory_space<vmem_shared>> -> memref<25x128xf32, #tpu.memory_space<vmem_shared>>
        %dma_start3A_74 = arith.constant 0 : i32
        %dma_start3A_75 = tpu.memref_slice %arg19[%add3A_71, %dma_start3A_74] : memref<10000x128xf32, #tpu.memory_space<vmem_shared>> -> memref<25x128xf32, #tpu.memory_space<vmem_shared>>
        tpu.enqueue_dma source(%arg18 : memref<25x128xf32, #tpu.memory_space<vmem>>) target(%dma_start3A_75 : memref<25x128xf32, #tpu.memory_space<vmem_shared>>) target_semaphore(%run_scoped3A : memref<!tpu.dma_semaphore, #tpu.memory_space<semaphore_mem>>)
        %dma_wait3A_76 = arith.constant 0 : i32
        %dma_wait3A_77 = tpu.memref_slice %arg19[%add3A_71, %dma_wait3A_76] : memref<10000x128xf32, #tpu.memory_space<vmem_shared>> -> memref<25x128xf32, #tpu.memory_space<vmem_shared>>
        %dma_wait3A_78 = arith.constant 0 : i32
        %dma_wait3A_79 = tpu.memref_slice %arg19[%add3A_71, %dma_wait3A_78] : memref<10000x128xf32, #tpu.memory_space<vmem_shared>> -> memref<25x128xf32, #tpu.memory_space<vmem_shared>>
        tpu.wait_dma2 semaphore(%run_scoped3A : memref<!tpu.dma_semaphore, #tpu.memory_space<semaphore_mem>>) src(%arg18 : memref<25x128xf32, #tpu.memory_space<vmem>>) dst(%dma_wait3A_79 : memref<25x128xf32, #tpu.memory_space<vmem_shared>>)
        tpu.yield
      }) : () -> ()
    }
    %scan3A_37 = arith.constant 25 : i32
    %barrier3A = arith.constant 0 : index
    tpu.barrier barrier_id(%barrier3A)
    %add3A_38 = arith.constant 0 : i32
    %add3A_39 = arith.addi %mul3A_2, %add3A_38 : i32
    %dma_wait3A = tpu.memref_slice %arg3[%add3A_39] : memref<320000xi32, #tpu.memory_space<hbm>> -> memref<80xi32, #tpu.memory_space<hbm>>
    %dma_wait3A_40 = tpu.memref_slice %arg3[%add3A_39] : memref<320000xi32, #tpu.memory_space<hbm>> -> memref<80xi32, #tpu.memory_space<hbm>>
    tpu.wait_dma2 semaphore(%arg20 : memref<!tpu.dma_semaphore, #tpu.memory_space<semaphore_mem>>) src(%dma_wait3A_40 : memref<80xi32, #tpu.memory_space<hbm>>) dst(%arg6 : memref<80xi32, #tpu.memory_space<vmem>>)
    %dma_wait3A_41 = tpu.memref_slice %arg4[%add3A_39] : memref<320000xi32, #tpu.memory_space<hbm>> -> memref<80xi32, #tpu.memory_space<hbm>>
    %dma_wait3A_42 = tpu.memref_slice %arg4[%add3A_39] : memref<320000xi32, #tpu.memory_space<hbm>> -> memref<80xi32, #tpu.memory_space<hbm>>
    tpu.wait_dma2 semaphore(%arg20 : memref<!tpu.dma_semaphore, #tpu.memory_space<semaphore_mem>>) src(%dma_wait3A_42 : memref<80xi32, #tpu.memory_space<hbm>>) dst(%arg10 : memref<80xi32, #tpu.memory_space<vmem>>)
    %dma_start3A_43 = arith.constant 0 : i32
    %dma_start3A_44 = arith.constant 0 : i32
    %dma_start3A_45 = tpu.memref_slice %arg2[%dma_start3A_43, %dma_start3A_44] : memref<10000x128xf32, #tpu.memory_space<hbm>> -> memref<10000x128xf32, #tpu.memory_space<hbm>>
    tpu.enqueue_indirect_dma source(%dma_start3A_45 : memref<10000x128xf32, #tpu.memory_space<hbm>>) target(%arg14 : memref<80x128xf32, #tpu.memory_space<vmem>>) offsets(%arg6 : memref<80xi32, #tpu.memory_space<vmem>>) semaphore(%arg24 : memref<!tpu.dma_semaphore, #tpu.memory_space<semaphore_mem>>)
    %add3A_46 = arith.constant 80 : i32
    %add3A_47 = arith.addi %mul3A_2, %add3A_46 : i32
    %dma_wait3A_48 = tpu.memref_slice %arg3[%add3A_47] : memref<320000xi32, #tpu.memory_space<hbm>> -> memref<80xi32, #tpu.memory_space<hbm>>
    %dma_wait3A_49 = tpu.memref_slice %arg3[%add3A_47] : memref<320000xi32, #tpu.memory_space<hbm>> -> memref<80xi32, #tpu.memory_space<hbm>>
    tpu.wait_dma2 semaphore(%arg21 : memref<!tpu.dma_semaphore, #tpu.memory_space<semaphore_mem>>) src(%dma_wait3A_49 : memref<80xi32, #tpu.memory_space<hbm>>) dst(%arg7 : memref<80xi32, #tpu.memory_space<vmem>>)
    %dma_wait3A_50 = tpu.memref_slice %arg4[%add3A_47] : memref<320000xi32, #tpu.memory_space<hbm>> -> memref<80xi32, #tpu.memory_space<hbm>>
    %dma_wait3A_51 = tpu.memref_slice %arg4[%add3A_47] : memref<320000xi32, #tpu.memory_space<hbm>> -> memref<80xi32, #tpu.memory_space<hbm>>
    tpu.wait_dma2 semaphore(%arg21 : memref<!tpu.dma_semaphore, #tpu.memory_space<semaphore_mem>>) src(%dma_wait3A_51 : memref<80xi32, #tpu.memory_space<hbm>>) dst(%arg11 : memref<80xi32, #tpu.memory_space<vmem>>)
    %dma_start3A_52 = arith.constant 0 : i32
    %dma_start3A_53 = arith.constant 0 : i32
    %dma_start3A_54 = tpu.memref_slice %arg2[%dma_start3A_52, %dma_start3A_53] : memref<10000x128xf32, #tpu.memory_space<hbm>> -> memref<10000x128xf32, #tpu.memory_space<hbm>>
    tpu.enqueue_indirect_dma source(%dma_start3A_54 : memref<10000x128xf32, #tpu.memory_space<hbm>>) target(%arg15 : memref<80x128xf32, #tpu.memory_space<vmem>>) offsets(%arg7 : memref<80xi32, #tpu.memory_space<vmem>>) semaphore(%arg25 : memref<!tpu.dma_semaphore, #tpu.memory_space<semaphore_mem>>)
    %scan3A_55 = arith.constant 0 : i32
    %scan3A_56 = arith.constant 31 : i32
    %scan3A_57 = arith.addi %scan3A_55, %scan3A_56 : i32
    %scan3A_58 = arith.constant 1 : i32
    scf.for %scan3A_64 = %scan3A_55 to %scan3A_57 step %scan3A_58  : i32 {
      %mul3A_65 = arith.constant 1 : i32
      %mul3A_66 = arith.muli %scan3A_64, %mul3A_65 : i32
      %add3A_67 = arith.constant 0 : i32
      %add3A_68 = arith.addi %add3A_67, %mul3A_66 : i32
      %mul3A_69 = arith.constant 4 : i32
      %mul3A_70 = arith.muli %add3A_68, %mul3A_69 : i32
      %add3A_71 = arith.constant 0 : i32
      %add3A_72 = arith.addi %mul3A_70, %add3A_71 : i32
      %add3A_73 = arith.constant 2 : i32
      %add3A_74 = arith.addi %add3A_72, %add3A_73 : i32
      %lt3A = arith.constant 125 : i32
      %lt3A_75 = arith.cmpi slt, %add3A_74, %lt3A : i32
      %convert_element_type3A = arith.extui %lt3A_75 : i1 to i32
      %cond3A = arith.constant 0 : i32
      %cond3A_76 = arith.cmpi ne, %convert_element_type3A, %cond3A : i32
      scf.if %cond3A_76 {
        %add3A_150 = arith.constant 2 : i32
        %add3A_151 = arith.addi %add3A_72, %add3A_150 : i32
        %mul3A_152 = arith.constant 80 : i32
        %mul3A_153 = arith.muli %add3A_151, %mul3A_152 : i32
        %add3A_154 = arith.addi %mul3A_2, %mul3A_153 : i32
        %dma_wait3A_155 = tpu.memref_slice %arg3[%add3A_154] : memref<320000xi32, #tpu.memory_space<hbm>> -> memref<80xi32, #tpu.memory_space<hbm>>
        %dma_wait3A_156 = tpu.memref_slice %arg3[%add3A_154] : memref<320000xi32, #tpu.memory_space<hbm>> -> memref<80xi32, #tpu.memory_space<hbm>>
        tpu.wait_dma2 semaphore(%arg22 : memref<!tpu.dma_semaphore, #tpu.memory_space<semaphore_mem>>) src(%dma_wait3A_156 : memref<80xi32, #tpu.memory_space<hbm>>) dst(%arg8 : memref<80xi32, #tpu.memory_space<vmem>>)
        %dma_wait3A_157 = tpu.memref_slice %arg4[%add3A_154] : memref<320000xi32, #tpu.memory_space<hbm>> -> memref<80xi32, #tpu.memory_space<hbm>>
        %dma_wait3A_158 = tpu.memref_slice %arg4[%add3A_154] : memref<320000xi32, #tpu.memory_space<hbm>> -> memref<80xi32, #tpu.memory_space<hbm>>
        tpu.wait_dma2 semaphore(%arg22 : memref<!tpu.dma_semaphore, #tpu.memory_space<semaphore_mem>>) src(%dma_wait3A_158 : memref<80xi32, #tpu.memory_space<hbm>>) dst(%arg12 : memref<80xi32, #tpu.memory_space<vmem>>)
        %dma_start3A_159 = arith.constant 0 : i32
        %dma_start3A_160 = arith.constant 0 : i32
        %dma_start3A_161 = tpu.memref_slice %arg2[%dma_start3A_159, %dma_start3A_160] : memref<10000x128xf32, #tpu.memory_space<hbm>> -> memref<10000x128xf32, #tpu.memory_space<hbm>>
        tpu.enqueue_indirect_dma source(%dma_start3A_161 : memref<10000x128xf32, #tpu.memory_space<hbm>>) target(%arg16 : memref<80x128xf32, #tpu.memory_space<vmem>>) offsets(%arg8 : memref<80xi32, #tpu.memory_space<vmem>>) semaphore(%arg26 : memref<!tpu.dma_semaphore, #tpu.memory_space<semaphore_mem>>)
      } else {
      }
      %dma_wait3A_77 = arith.constant 0 : i32
      %dma_wait3A_78 = arith.constant 0 : i32
      %dma_wait3A_79 = tpu.memref_slice %arg2[%dma_wait3A_77, %dma_wait3A_78] : memref<10000x128xf32, #tpu.memory_space<hbm>> -> memref<10000x128xf32, #tpu.memory_space<hbm>>
      tpu.wait_indirect_dma semaphore(%arg24 : memref<!tpu.dma_semaphore, #tpu.memory_space<semaphore_mem>>) src(%dma_wait3A_79 : memref<10000x128xf32, #tpu.memory_space<hbm>>) dst(%arg14 : memref<80x128xf32, #tpu.memory_space<vmem>>)
      "tpu.region"() ({
        %run_scoped3A = tpu.sem_alloc : memref<!tpu.dma_semaphore, #tpu.memory_space<semaphore_mem>>
        %dma_start3A_150 = arith.constant 0 : i32
        %dma_start3A_151 = arith.constant 0 : i32
        %dma_start3A_152 = tpu.memref_slice %arg19[%dma_start3A_150, %dma_start3A_151] : memref<10000x128xf32, #tpu.memory_space<vmem_shared>> -> memref<10000x128xf32, #tpu.memory_space<vmem_shared>>
        tpu.enqueue_indirect_dma source(%arg14 : memref<80x128xf32, #tpu.memory_space<vmem>>) target(%dma_start3A_152 : memref<10000x128xf32, #tpu.memory_space<vmem_shared>>) offsets(%arg10 : memref<80xi32, #tpu.memory_space<vmem>>) semaphore(%run_scoped3A : memref<!tpu.dma_semaphore, #tpu.memory_space<semaphore_mem>>) {add = true}
        %dma_wait3A_153 = arith.constant 0 : i32
        %dma_wait3A_154 = arith.constant 0 : i32
        %dma_wait3A_155 = tpu.memref_slice %arg19[%dma_wait3A_153, %dma_wait3A_154] : memref<10000x128xf32, #tpu.memory_space<vmem_shared>> -> memref<10000x128xf32, #tpu.memory_space<vmem_shared>>
        tpu.wait_indirect_dma semaphore(%run_scoped3A : memref<!tpu.dma_semaphore, #tpu.memory_space<semaphore_mem>>) src(%arg14 : memref<80x128xf32, #tpu.memory_space<vmem>>) dst(%dma_wait3A_155 : memref<10000x128xf32, #tpu.memory_space<vmem_shared>>)
        tpu.yield
      }) : () -> ()
      %add3A_80 = arith.constant 4 : i32
      %add3A_81 = arith.addi %add3A_72, %add3A_80 : i32
      %lt3A_82 = arith.constant 125 : i32
      %lt3A_83 = arith.cmpi slt, %add3A_81, %lt3A_82 : i32
      %convert_element_type3A_84 = arith.extui %lt3A_83 : i1 to i32
      %cond3A_85 = arith.constant 0 : i32
      %cond3A_86 = arith.cmpi ne, %convert_element_type3A_84, %cond3A_85 : i32
      scf.if %cond3A_86 {
        %add3A_150 = arith.constant 4 : i32
        %add3A_151 = arith.addi %add3A_72, %add3A_150 : i32
        %mul3A_152 = arith.constant 80 : i32
        %mul3A_153 = arith.muli %add3A_151, %mul3A_152 : i32
        %add3A_154 = arith.addi %mul3A_2, %mul3A_153 : i32
        %dma_start3A_155 = tpu.memref_slice %arg3[%add3A_154] : memref<320000xi32, #tpu.memory_space<hbm>> -> memref<80xi32, #tpu.memory_space<hbm>>
        %dma_start3A_156 = tpu.memref_slice %arg3[%add3A_154] : memref<320000xi32, #tpu.memory_space<hbm>> -> memref<80xi32, #tpu.memory_space<hbm>>
        tpu.enqueue_dma source(%dma_start3A_156 : memref<80xi32, #tpu.memory_space<hbm>>) target(%arg6 : memref<80xi32, #tpu.memory_space<vmem>>) target_semaphore(%arg20 : memref<!tpu.dma_semaphore, #tpu.memory_space<semaphore_mem>>)
        %dma_start3A_157 = tpu.memref_slice %arg4[%add3A_154] : memref<320000xi32, #tpu.memory_space<hbm>> -> memref<80xi32, #tpu.memory_space<hbm>>
        %dma_start3A_158 = tpu.memref_slice %arg4[%add3A_154] : memref<320000xi32, #tpu.memory_space<hbm>> -> memref<80xi32, #tpu.memory_space<hbm>>
        tpu.enqueue_dma source(%dma_start3A_158 : memref<80xi32, #tpu.memory_space<hbm>>) target(%arg10 : memref<80xi32, #tpu.memory_space<vmem>>) target_semaphore(%arg20 : memref<!tpu.dma_semaphore, #tpu.memory_space<semaphore_mem>>)
      } else {
      }
      %mul3A_87 = arith.constant 4 : i32
      %mul3A_88 = arith.muli %add3A_68, %mul3A_87 : i32
      %add3A_89 = arith.constant 1 : i32
      %add3A_90 = arith.addi %mul3A_88, %add3A_89 : i32
      %add3A_91 = arith.constant 2 : i32
      %add3A_92 = arith.addi %add3A_90, %add3A_91 : i32
      %lt3A_93 = arith.constant 125 : i32
      %lt3A_94 = arith.cmpi slt, %add3A_92, %lt3A_93 : i32
      %convert_element_type3A_95 = arith.extui %lt3A_94 : i1 to i32
      %cond3A_96 = arith.constant 0 : i32
      %cond3A_97 = arith.cmpi ne, %convert_element_type3A_95, %cond3A_96 : i32
      scf.if %cond3A_97 {
        %add3A_150 = arith.constant 2 : i32
        %add3A_151 = arith.addi %add3A_90, %add3A_150 : i32
        %mul3A_152 = arith.constant 80 : i32
        %mul3A_153 = arith.muli %add3A_151, %mul3A_152 : i32
        %add3A_154 = arith.addi %mul3A_2, %mul3A_153 : i32
        %dma_wait3A_155 = tpu.memref_slice %arg3[%add3A_154] : memref<320000xi32, #tpu.memory_space<hbm>> -> memref<80xi32, #tpu.memory_space<hbm>>
        %dma_wait3A_156 = tpu.memref_slice %arg3[%add3A_154] : memref<320000xi32, #tpu.memory_space<hbm>> -> memref<80xi32, #tpu.memory_space<hbm>>
        tpu.wait_dma2 semaphore(%arg23 : memref<!tpu.dma_semaphore, #tpu.memory_space<semaphore_mem>>) src(%dma_wait3A_156 : memref<80xi32, #tpu.memory_space<hbm>>) dst(%arg9 : memref<80xi32, #tpu.memory_space<vmem>>)
        %dma_wait3A_157 = tpu.memref_slice %arg4[%add3A_154] : memref<320000xi32, #tpu.memory_space<hbm>> -> memref<80xi32, #tpu.memory_space<hbm>>
        %dma_wait3A_158 = tpu.memref_slice %arg4[%add3A_154] : memref<320000xi32, #tpu.memory_space<hbm>> -> memref<80xi32, #tpu.memory_space<hbm>>
        tpu.wait_dma2 semaphore(%arg23 : memref<!tpu.dma_semaphore, #tpu.memory_space<semaphore_mem>>) src(%dma_wait3A_158 : memref<80xi32, #tpu.memory_space<hbm>>) dst(%arg13 : memref<80xi32, #tpu.memory_space<vmem>>)
        %dma_start3A_159 = arith.constant 0 : i32
        %dma_start3A_160 = arith.constant 0 : i32
        %dma_start3A_161 = tpu.memref_slice %arg2[%dma_start3A_159, %dma_start3A_160] : memref<10000x128xf32, #tpu.memory_space<hbm>> -> memref<10000x128xf32, #tpu.memory_space<hbm>>
        tpu.enqueue_indirect_dma source(%dma_start3A_161 : memref<10000x128xf32, #tpu.memory_space<hbm>>) target(%arg17 : memref<80x128xf32, #tpu.memory_space<vmem>>) offsets(%arg9 : memref<80xi32, #tpu.memory_space<vmem>>) semaphore(%arg27 : memref<!tpu.dma_semaphore, #tpu.memory_space<semaphore_mem>>)
      } else {
      }
      %dma_wait3A_98 = arith.constant 0 : i32
      %dma_wait3A_99 = arith.constant 0 : i32
      %dma_wait3A_100 = tpu.memref_slice %arg2[%dma_wait3A_98, %dma_wait3A_99] : memref<10000x128xf32, #tpu.memory_space<hbm>> -> memref<10000x128xf32, #tpu.memory_space<hbm>>
      tpu.wait_indirect_dma semaphore(%arg25 : memref<!tpu.dma_semaphore, #tpu.memory_space<semaphore_mem>>) src(%dma_wait3A_100 : memref<10000x128xf32, #tpu.memory_space<hbm>>) dst(%arg15 : memref<80x128xf32, #tpu.memory_space<vmem>>)
      "tpu.region"() ({
        %run_scoped3A = tpu.sem_alloc : memref<!tpu.dma_semaphore, #tpu.memory_space<semaphore_mem>>
        %dma_start3A_150 = arith.constant 0 : i32
        %dma_start3A_151 = arith.constant 0 : i32
        %dma_start3A_152 = tpu.memref_slice %arg19[%dma_start3A_150, %dma_start3A_151] : memref<10000x128xf32, #tpu.memory_space<vmem_shared>> -> memref<10000x128xf32, #tpu.memory_space<vmem_shared>>
        tpu.enqueue_indirect_dma source(%arg15 : memref<80x128xf32, #tpu.memory_space<vmem>>) target(%dma_start3A_152 : memref<10000x128xf32, #tpu.memory_space<vmem_shared>>) offsets(%arg11 : memref<80xi32, #tpu.memory_space<vmem>>) semaphore(%run_scoped3A : memref<!tpu.dma_semaphore, #tpu.memory_space<semaphore_mem>>) {add = true}
        %dma_wait3A_153 = arith.constant 0 : i32
        %dma_wait3A_154 = arith.constant 0 : i32
        %dma_wait3A_155 = tpu.memref_slice %arg19[%dma_wait3A_153, %dma_wait3A_154] : memref<10000x128xf32, #tpu.memory_space<vmem_shared>> -> memref<10000x128xf32, #tpu.memory_space<vmem_shared>>
        tpu.wait_indirect_dma semaphore(%run_scoped3A : memref<!tpu.dma_semaphore, #tpu.memory_space<semaphore_mem>>) src(%arg15 : memref<80x128xf32, #tpu.memory_space<vmem>>) dst(%dma_wait3A_155 : memref<10000x128xf32, #tpu.memory_space<vmem_shared>>)
        tpu.yield
      }) : () -> ()
      %add3A_101 = arith.constant 4 : i32
      %add3A_102 = arith.addi %add3A_90, %add3A_101 : i32
      %lt3A_103 = arith.constant 125 : i32
      %lt3A_104 = arith.cmpi slt, %add3A_102, %lt3A_103 : i32
      %convert_element_type3A_105 = arith.extui %lt3A_104 : i1 to i32
      %cond3A_106 = arith.constant 0 : i32
      %cond3A_107 = arith.cmpi ne, %convert_element_type3A_105, %cond3A_106 : i32
      scf.if %cond3A_107 {
        %add3A_150 = arith.constant 4 : i32
        %add3A_151 = arith.addi %add3A_90, %add3A_150 : i32
        %mul3A_152 = arith.constant 80 : i32
        %mul3A_153 = arith.muli %add3A_151, %mul3A_152 : i32
        %add3A_154 = arith.addi %mul3A_2, %mul3A_153 : i32
        %dma_start3A_155 = tpu.memref_slice %arg3[%add3A_154] : memref<320000xi32, #tpu.memory_space<hbm>> -> memref<80xi32, #tpu.memory_space<hbm>>
        %dma_start3A_156 = tpu.memref_slice %arg3[%add3A_154] : memref<320000xi32, #tpu.memory_space<hbm>> -> memref<80xi32, #tpu.memory_space<hbm>>
        tpu.enqueue_dma source(%dma_start3A_156 : memref<80xi32, #tpu.memory_space<hbm>>) target(%arg7 : memref<80xi32, #tpu.memory_space<vmem>>) target_semaphore(%arg21 : memref<!tpu.dma_semaphore, #tpu.memory_space<semaphore_mem>>)
        %dma_start3A_157 = tpu.memref_slice %arg4[%add3A_154] : memref<320000xi32, #tpu.memory_space<hbm>> -> memref<80xi32, #tpu.memory_space<hbm>>
        %dma_start3A_158 = tpu.memref_slice %arg4[%add3A_154] : memref<320000xi32, #tpu.memory_space<hbm>> -> memref<80xi32, #tpu.memory_space<hbm>>
        tpu.enqueue_dma source(%dma_start3A_158 : memref<80xi32, #tpu.memory_space<hbm>>) target(%arg11 : memref<80xi32, #tpu.memory_space<vmem>>) target_semaphore(%arg21 : memref<!tpu.dma_semaphore, #tpu.memory_space<semaphore_mem>>)
      } else {
      }
      %mul3A_108 = arith.constant 4 : i32
      %mul3A_109 = arith.muli %add3A_68, %mul3A_108 : i32
      %add3A_110 = arith.constant 2 : i32
      %add3A_111 = arith.addi %mul3A_109, %add3A_110 : i32
      %add3A_112 = arith.constant 2 : i32
      %add3A_113 = arith.addi %add3A_111, %add3A_112 : i32
      %lt3A_114 = arith.constant 125 : i32
      %lt3A_115 = arith.cmpi slt, %add3A_113, %lt3A_114 : i32
      %convert_element_type3A_116 = arith.extui %lt3A_115 : i1 to i32
      %cond3A_117 = arith.constant 0 : i32
      %cond3A_118 = arith.cmpi ne, %convert_element_type3A_116, %cond3A_117 : i32
      scf.if %cond3A_118 {
        %add3A_150 = arith.constant 2 : i32
        %add3A_151 = arith.addi %add3A_111, %add3A_150 : i32
        %mul3A_152 = arith.constant 80 : i32
        %mul3A_153 = arith.muli %add3A_151, %mul3A_152 : i32
        %add3A_154 = arith.addi %mul3A_2, %mul3A_153 : i32
        %dma_wait3A_155 = tpu.memref_slice %arg3[%add3A_154] : memref<320000xi32, #tpu.memory_space<hbm>> -> memref<80xi32, #tpu.memory_space<hbm>>
        %dma_wait3A_156 = tpu.memref_slice %arg3[%add3A_154] : memref<320000xi32, #tpu.memory_space<hbm>> -> memref<80xi32, #tpu.memory_space<hbm>>
        tpu.wait_dma2 semaphore(%arg20 : memref<!tpu.dma_semaphore, #tpu.memory_space<semaphore_mem>>) src(%dma_wait3A_156 : memref<80xi32, #tpu.memory_space<hbm>>) dst(%arg6 : memref<80xi32, #tpu.memory_space<vmem>>)
        %dma_wait3A_157 = tpu.memref_slice %arg4[%add3A_154] : memref<320000xi32, #tpu.memory_space<hbm>> -> memref<80xi32, #tpu.memory_space<hbm>>
        %dma_wait3A_158 = tpu.memref_slice %arg4[%add3A_154] : memref<320000xi32, #tpu.memory_space<hbm>> -> memref<80xi32, #tpu.memory_space<hbm>>
        tpu.wait_dma2 semaphore(%arg20 : memref<!tpu.dma_semaphore, #tpu.memory_space<semaphore_mem>>) src(%dma_wait3A_158 : memref<80xi32, #tpu.memory_space<hbm>>) dst(%arg10 : memref<80xi32, #tpu.memory_space<vmem>>)
        %dma_start3A_159 = arith.constant 0 : i32
        %dma_start3A_160 = arith.constant 0 : i32
        %dma_start3A_161 = tpu.memref_slice %arg2[%dma_start3A_159, %dma_start3A_160] : memref<10000x128xf32, #tpu.memory_space<hbm>> -> memref<10000x128xf32, #tpu.memory_space<hbm>>
        tpu.enqueue_indirect_dma source(%dma_start3A_161 : memref<10000x128xf32, #tpu.memory_space<hbm>>) target(%arg14 : memref<80x128xf32, #tpu.memory_space<vmem>>) offsets(%arg6 : memref<80xi32, #tpu.memory_space<vmem>>) semaphore(%arg24 : memref<!tpu.dma_semaphore, #tpu.memory_space<semaphore_mem>>)
      } else {
      }
      %dma_wait3A_119 = arith.constant 0 : i32
      %dma_wait3A_120 = arith.constant 0 : i32
      %dma_wait3A_121 = tpu.memref_slice %arg2[%dma_wait3A_119, %dma_wait3A_120] : memref<10000x128xf32, #tpu.memory_space<hbm>> -> memref<10000x128xf32, #tpu.memory_space<hbm>>
      tpu.wait_indirect_dma semaphore(%arg26 : memref<!tpu.dma_semaphore, #tpu.memory_space<semaphore_mem>>) src(%dma_wait3A_121 : memref<10000x128xf32, #tpu.memory_space<hbm>>) dst(%arg16 : memref<80x128xf32, #tpu.memory_space<vmem>>)
      "tpu.region"() ({
        %run_scoped3A = tpu.sem_alloc : memref<!tpu.dma_semaphore, #tpu.memory_space<semaphore_mem>>
        %dma_start3A_150 = arith.constant 0 : i32
        %dma_start3A_151 = arith.constant 0 : i32
        %dma_start3A_152 = tpu.memref_slice %arg19[%dma_start3A_150, %dma_start3A_151] : memref<10000x128xf32, #tpu.memory_space<vmem_shared>> -> memref<10000x128xf32, #tpu.memory_space<vmem_shared>>
        tpu.enqueue_indirect_dma source(%arg16 : memref<80x128xf32, #tpu.memory_space<vmem>>) target(%dma_start3A_152 : memref<10000x128xf32, #tpu.memory_space<vmem_shared>>) offsets(%arg12 : memref<80xi32, #tpu.memory_space<vmem>>) semaphore(%run_scoped3A : memref<!tpu.dma_semaphore, #tpu.memory_space<semaphore_mem>>) {add = true}
        %dma_wait3A_153 = arith.constant 0 : i32
        %dma_wait3A_154 = arith.constant 0 : i32
        %dma_wait3A_155 = tpu.memref_slice %arg19[%dma_wait3A_153, %dma_wait3A_154] : memref<10000x128xf32, #tpu.memory_space<vmem_shared>> -> memref<10000x128xf32, #tpu.memory_space<vmem_shared>>
        tpu.wait_indirect_dma semaphore(%run_scoped3A : memref<!tpu.dma_semaphore, #tpu.memory_space<semaphore_mem>>) src(%arg16 : memref<80x128xf32, #tpu.memory_space<vmem>>) dst(%dma_wait3A_155 : memref<10000x128xf32, #tpu.memory_space<vmem_shared>>)
        tpu.yield
      }) : () -> ()
      %add3A_122 = arith.constant 4 : i32
      %add3A_123 = arith.addi %add3A_111, %add3A_122 : i32
      %lt3A_124 = arith.constant 125 : i32
      %lt3A_125 = arith.cmpi slt, %add3A_123, %lt3A_124 : i32
      %convert_element_type3A_126 = arith.extui %lt3A_125 : i1 to i32
      %cond3A_127 = arith.constant 0 : i32
      %cond3A_128 = arith.cmpi ne, %convert_element_type3A_126, %cond3A_127 : i32
      scf.if %cond3A_128 {
        %add3A_150 = arith.constant 4 : i32
        %add3A_151 = arith.addi %add3A_111, %add3A_150 : i32
        %mul3A_152 = arith.constant 80 : i32
        %mul3A_153 = arith.muli %add3A_151, %mul3A_152 : i32
        %add3A_154 = arith.addi %mul3A_2, %mul3A_153 : i32
        %dma_start3A_155 = tpu.memref_slice %arg3[%add3A_154] : memref<320000xi32, #tpu.memory_space<hbm>> -> memref<80xi32, #tpu.memory_space<hbm>>
        %dma_start3A_156 = tpu.memref_slice %arg3[%add3A_154] : memref<320000xi32, #tpu.memory_space<hbm>> -> memref<80xi32, #tpu.memory_space<hbm>>
        tpu.enqueue_dma source(%dma_start3A_156 : memref<80xi32, #tpu.memory_space<hbm>>) target(%arg8 : memref<80xi32, #tpu.memory_space<vmem>>) target_semaphore(%arg22 : memref<!tpu.dma_semaphore, #tpu.memory_space<semaphore_mem>>)
        %dma_start3A_157 = tpu.memref_slice %arg4[%add3A_154] : memref<320000xi32, #tpu.memory_space<hbm>> -> memref<80xi32, #tpu.memory_space<hbm>>
        %dma_start3A_158 = tpu.memref_slice %arg4[%add3A_154] : memref<320000xi32, #tpu.memory_space<hbm>> -> memref<80xi32, #tpu.memory_space<hbm>>
        tpu.enqueue_dma source(%dma_start3A_158 : memref<80xi32, #tpu.memory_space<hbm>>) target(%arg12 : memref<80xi32, #tpu.memory_space<vmem>>) target_semaphore(%arg22 : memref<!tpu.dma_semaphore, #tpu.memory_space<semaphore_mem>>)
      } else {
      }
      %mul3A_129 = arith.constant 4 : i32
      %mul3A_130 = arith.muli %add3A_68, %mul3A_129 : i32
      %add3A_131 = arith.constant 3 : i32
      %add3A_132 = arith.addi %mul3A_130, %add3A_131 : i32
      %add3A_133 = arith.constant 2 : i32
      %add3A_134 = arith.addi %add3A_132, %add3A_133 : i32
      %lt3A_135 = arith.constant 125 : i32
      %lt3A_136 = arith.cmpi slt, %add3A_134, %lt3A_135 : i32
      %convert_element_type3A_137 = arith.extui %lt3A_136 : i1 to i32
      %cond3A_138 = arith.constant 0 : i32
      %cond3A_139 = arith.cmpi ne, %convert_element_type3A_137, %cond3A_138 : i32
      scf.if %cond3A_139 {
        %add3A_150 = arith.constant 2 : i32
        %add3A_151 = arith.addi %add3A_132, %add3A_150 : i32
        %mul3A_152 = arith.constant 80 : i32
        %mul3A_153 = arith.muli %add3A_151, %mul3A_152 : i32
        %add3A_154 = arith.addi %mul3A_2, %mul3A_153 : i32
        %dma_wait3A_155 = tpu.memref_slice %arg3[%add3A_154] : memref<320000xi32, #tpu.memory_space<hbm>> -> memref<80xi32, #tpu.memory_space<hbm>>
        %dma_wait3A_156 = tpu.memref_slice %arg3[%add3A_154] : memref<320000xi32, #tpu.memory_space<hbm>> -> memref<80xi32, #tpu.memory_space<hbm>>
        tpu.wait_dma2 semaphore(%arg21 : memref<!tpu.dma_semaphore, #tpu.memory_space<semaphore_mem>>) src(%dma_wait3A_156 : memref<80xi32, #tpu.memory_space<hbm>>) dst(%arg7 : memref<80xi32, #tpu.memory_space<vmem>>)
        %dma_wait3A_157 = tpu.memref_slice %arg4[%add3A_154] : memref<320000xi32, #tpu.memory_space<hbm>> -> memref<80xi32, #tpu.memory_space<hbm>>
        %dma_wait3A_158 = tpu.memref_slice %arg4[%add3A_154] : memref<320000xi32, #tpu.memory_space<hbm>> -> memref<80xi32, #tpu.memory_space<hbm>>
        tpu.wait_dma2 semaphore(%arg21 : memref<!tpu.dma_semaphore, #tpu.memory_space<semaphore_mem>>) src(%dma_wait3A_158 : memref<80xi32, #tpu.memory_space<hbm>>) dst(%arg11 : memref<80xi32, #tpu.memory_space<vmem>>)
        %dma_start3A_159 = arith.constant 0 : i32
        %dma_start3A_160 = arith.constant 0 : i32
        %dma_start3A_161 = tpu.memref_slice %arg2[%dma_start3A_159, %dma_start3A_160] : memref<10000x128xf32, #tpu.memory_space<hbm>> -> memref<10000x128xf32, #tpu.memory_space<hbm>>
        tpu.enqueue_indirect_dma source(%dma_start3A_161 : memref<10000x128xf32, #tpu.memory_space<hbm>>) target(%arg15 : memref<80x128xf32, #tpu.memory_space<vmem>>) offsets(%arg7 : memref<80xi32, #tpu.memory_space<vmem>>) semaphore(%arg25 : memref<!tpu.dma_semaphore, #tpu.memory_space<semaphore_mem>>)
      } else {
      }
      %dma_wait3A_140 = arith.constant 0 : i32
      %dma_wait3A_141 = arith.constant 0 : i32
      %dma_wait3A_142 = tpu.memref_slice %arg2[%dma_wait3A_140, %dma_wait3A_141] : memref<10000x128xf32, #tpu.memory_space<hbm>> -> memref<10000x128xf32, #tpu.memory_space<hbm>>
      tpu.wait_indirect_dma semaphore(%arg27 : memref<!tpu.dma_semaphore, #tpu.memory_space<semaphore_mem>>) src(%dma_wait3A_142 : memref<10000x128xf32, #tpu.memory_space<hbm>>) dst(%arg17 : memref<80x128xf32, #tpu.memory_space<vmem>>)
      "tpu.region"() ({
        %run_scoped3A = tpu.sem_alloc : memref<!tpu.dma_semaphore, #tpu.memory_space<semaphore_mem>>
        %dma_start3A_150 = arith.constant 0 : i32
        %dma_start3A_151 = arith.constant 0 : i32
        %dma_start3A_152 = tpu.memref_slice %arg19[%dma_start3A_150, %dma_start3A_151] : memref<10000x128xf32, #tpu.memory_space<vmem_shared>> -> memref<10000x128xf32, #tpu.memory_space<vmem_shared>>
        tpu.enqueue_indirect_dma source(%arg17 : memref<80x128xf32, #tpu.memory_space<vmem>>) target(%dma_start3A_152 : memref<10000x128xf32, #tpu.memory_space<vmem_shared>>) offsets(%arg13 : memref<80xi32, #tpu.memory_space<vmem>>) semaphore(%run_scoped3A : memref<!tpu.dma_semaphore, #tpu.memory_space<semaphore_mem>>) {add = true}
        %dma_wait3A_153 = arith.constant 0 : i32
        %dma_wait3A_154 = arith.constant 0 : i32
        %dma_wait3A_155 = tpu.memref_slice %arg19[%dma_wait3A_153, %dma_wait3A_154] : memref<10000x128xf32, #tpu.memory_space<vmem_shared>> -> memref<10000x128xf32, #tpu.memory_space<vmem_shared>>
        tpu.wait_indirect_dma semaphore(%run_scoped3A : memref<!tpu.dma_semaphore, #tpu.memory_space<semaphore_mem>>) src(%arg17 : memref<80x128xf32, #tpu.memory_space<vmem>>) dst(%dma_wait3A_155 : memref<10000x128xf32, #tpu.memory_space<vmem_shared>>)
        tpu.yield
      }) : () -> ()
      %add3A_143 = arith.constant 4 : i32
      %add3A_144 = arith.addi %add3A_132, %add3A_143 : i32
      %lt3A_145 = arith.constant 125 : i32
      %lt3A_146 = arith.cmpi slt, %add3A_144, %lt3A_145 : i32
      %convert_element_type3A_147 = arith.extui %lt3A_146 : i1 to i32
      %cond3A_148 = arith.constant 0 : i32
      %cond3A_149 = arith.cmpi ne, %convert_element_type3A_147, %cond3A_148 : i32
      scf.if %cond3A_149 {
        %add3A_150 = arith.constant 4 : i32
        %add3A_151 = arith.addi %add3A_132, %add3A_150 : i32
        %mul3A_152 = arith.constant 80 : i32
        %mul3A_153 = arith.muli %add3A_151, %mul3A_152 : i32
        %add3A_154 = arith.addi %mul3A_2, %mul3A_153 : i32
        %dma_start3A_155 = tpu.memref_slice %arg3[%add3A_154] : memref<320000xi32, #tpu.memory_space<hbm>> -> memref<80xi32, #tpu.memory_space<hbm>>
        %dma_start3A_156 = tpu.memref_slice %arg3[%add3A_154] : memref<320000xi32, #tpu.memory_space<hbm>> -> memref<80xi32, #tpu.memory_space<hbm>>
        tpu.enqueue_dma source(%dma_start3A_156 : memref<80xi32, #tpu.memory_space<hbm>>) target(%arg9 : memref<80xi32, #tpu.memory_space<vmem>>) target_semaphore(%arg23 : memref<!tpu.dma_semaphore, #tpu.memory_space<semaphore_mem>>)
        %dma_start3A_157 = tpu.memref_slice %arg4[%add3A_154] : memref<320000xi32, #tpu.memory_space<hbm>> -> memref<80xi32, #tpu.memory_space<hbm>>
        %dma_start3A_158 = tpu.memref_slice %arg4[%add3A_154] : memref<320000xi32, #tpu.memory_space<hbm>> -> memref<80xi32, #tpu.memory_space<hbm>>
        tpu.enqueue_dma source(%dma_start3A_158 : memref<80xi32, #tpu.memory_space<hbm>>) target(%arg13 : memref<80xi32, #tpu.memory_space<vmem>>) target_semaphore(%arg23 : memref<!tpu.dma_semaphore, #tpu.memory_space<semaphore_mem>>)
      } else {
      }
    }
    %scan3A_59 = arith.constant 31 : i32
    %dma_wait3A_60 = arith.constant 0 : i32
    %dma_wait3A_61 = arith.constant 0 : i32
    %dma_wait3A_62 = tpu.memref_slice %arg2[%dma_wait3A_60, %dma_wait3A_61] : memref<10000x128xf32, #tpu.memory_space<hbm>> -> memref<10000x128xf32, #tpu.memory_space<hbm>>
    tpu.wait_indirect_dma semaphore(%arg24 : memref<!tpu.dma_semaphore, #tpu.memory_space<semaphore_mem>>) src(%dma_wait3A_62 : memref<10000x128xf32, #tpu.memory_space<hbm>>) dst(%arg14 : memref<80x128xf32, #tpu.memory_space<vmem>>)
    "tpu.region"() ({
      %run_scoped3A = tpu.sem_alloc : memref<!tpu.dma_semaphore, #tpu.memory_space<semaphore_mem>>
      %dma_start3A_64 = arith.constant 0 : i32
      %dma_start3A_65 = arith.constant 0 : i32
      %dma_start3A_66 = tpu.memref_slice %arg19[%dma_start3A_64, %dma_start3A_65] : memref<10000x128xf32, #tpu.memory_space<vmem_shared>> -> memref<10000x128xf32, #tpu.memory_space<vmem_shared>>
      tpu.enqueue_indirect_dma source(%arg14 : memref<80x128xf32, #tpu.memory_space<vmem>>) target(%dma_start3A_66 : memref<10000x128xf32, #tpu.memory_space<vmem_shared>>) offsets(%arg10 : memref<80xi32, #tpu.memory_space<vmem>>) semaphore(%run_scoped3A : memref<!tpu.dma_semaphore, #tpu.memory_space<semaphore_mem>>) {add = true}
      %dma_wait3A_67 = arith.constant 0 : i32
      %dma_wait3A_68 = arith.constant 0 : i32
      %dma_wait3A_69 = tpu.memref_slice %arg19[%dma_wait3A_67, %dma_wait3A_68] : memref<10000x128xf32, #tpu.memory_space<vmem_shared>> -> memref<10000x128xf32, #tpu.memory_space<vmem_shared>>
      tpu.wait_indirect_dma semaphore(%run_scoped3A : memref<!tpu.dma_semaphore, #tpu.memory_space<semaphore_mem>>) src(%arg14 : memref<80x128xf32, #tpu.memory_space<vmem>>) dst(%dma_wait3A_69 : memref<10000x128xf32, #tpu.memory_space<vmem_shared>>)
      tpu.yield
    }) : () -> ()
    %barrier3A_63 = arith.constant 0 : index
    tpu.barrier barrier_id(%barrier3A_63)
    "tpu.region"() ({
      %run_scoped3A = tpu.sem_alloc : memref<!tpu.dma_semaphore, #tpu.memory_space<semaphore_mem>>
      %dma_start3A_64 = arith.constant 0 : i32
      %dma_start3A_65 = arith.constant 0 : i32
      %dma_start3A_66 = tpu.memref_slice %arg5[%arg0, %arg1, %dma_start3A_64, %dma_start3A_65] : memref<2x16x625x128xf32, #tpu.memory_space<hbm>> -> memref<1x1x625x128xf32, #tpu.memory_space<hbm>>
      %dma_start3A_67 = tpu.memref_squeeze %dma_start3A_66 : memref<1x1x625x128xf32, #tpu.memory_space<hbm>> -> memref<625x128xf32, #tpu.memory_space<hbm>>
      %dma_start3A_68 = arith.constant 0 : i32
      %dma_start3A_69 = tpu.memref_slice %arg19[%mul3A_32, %dma_start3A_68] : memref<10000x128xf32, #tpu.memory_space<vmem_shared>> -> memref<625x128xf32, #tpu.memory_space<vmem_shared>>
      tpu.enqueue_dma source(%dma_start3A_69 : memref<625x128xf32, #tpu.memory_space<vmem_shared>>) target(%dma_start3A_67 : memref<625x128xf32, #tpu.memory_space<hbm>>) target_semaphore(%run_scoped3A : memref<!tpu.dma_semaphore, #tpu.memory_space<semaphore_mem>>)
      %dma_wait3A_70 = arith.constant 0 : i32
      %dma_wait3A_71 = arith.constant 0 : i32
      %dma_wait3A_72 = tpu.memref_slice %arg5[%arg0, %arg1, %dma_wait3A_70, %dma_wait3A_71] : memref<2x16x625x128xf32, #tpu.memory_space<hbm>> -> memref<1x1x625x128xf32, #tpu.memory_space<hbm>>
      %dma_wait3A_73 = tpu.memref_squeeze %dma_wait3A_72 : memref<1x1x625x128xf32, #tpu.memory_space<hbm>> -> memref<625x128xf32, #tpu.memory_space<hbm>>
      %dma_wait3A_74 = arith.constant 0 : i32
      %dma_wait3A_75 = tpu.memref_slice %arg19[%mul3A_32, %dma_wait3A_74] : memref<10000x128xf32, #tpu.memory_space<vmem_shared>> -> memref<625x128xf32, #tpu.memory_space<vmem_shared>>
      tpu.wait_dma2 semaphore(%run_scoped3A : memref<!tpu.dma_semaphore, #tpu.memory_space<semaphore_mem>>) src(%dma_wait3A_75 : memref<625x128xf32, #tpu.memory_space<vmem_shared>>) dst(%dma_wait3A_73 : memref<625x128xf32, #tpu.memory_space<hbm>>)
      tpu.yield
    }) : () -> ()
    return
  }
}

module attributes {stable_mosaic.version = 14 : i64} {
  func.func @body(%arg0: i32, %arg1: memref<1000x128xf32, #tpu.memory_space<vmem>>, %arg2: memref<128x128xf32, #tpu.memory_space<vmem>>, %arg3: memref<1000x128xf32, #tpu.memory_space<vmem>>) attributes {dimension_semantics = [#tpu.dimension_semantics<arbitrary>], iteration_bounds = array<i64: 10>, scalar_prefetch = 0 : i64, scratch_operands = 0 : i64, tpu.core_type = #tpu.core_type<tc>, window_params = [{transform_indices = @transform_0, window_bounds = array<i64: 1000, 128>}, {pipeline_mode = #tpu.pipeline_mode<synchronous>, transform_indices = @transform_1, window_bounds = array<i64: 128, 128>}, {transform_indices = @transform_2, window_bounds = array<i64: 1000, 128>}]} {
    %get3A = arith.constant 0 : index
    %get3A_0 = arith.constant 0 : index
    %get3A_1 = vector.load %arg1[%get3A, %get3A_0] : memref<1000x128xf32, #tpu.memory_space<vmem>>, vector<1000x128xf32>
    %get3A_2 = arith.constant 0 : index
    %get3A_3 = arith.constant 0 : index
    %get3A_4 = vector.load %arg2[%get3A_2, %get3A_3] : memref<128x128xf32, #tpu.memory_space<vmem>>, vector<128x128xf32>
    %dot_general3A = arith.constant dense<0.000000e+00> : vector<1000x128xf32>
    %dot_general3A_5 = tpu.matmul %get3A_1, %get3A_4, %dot_general3A {dimension_numbers = #tpu.dot_dimension_numbers<[1], [0], [0], [1], [0, 0, 1, 1], [], []>, transpose_lhs_hint = false} : vector<1000x128xf32>, vector<128x128xf32>, vector<1000x128xf32> -> vector<1000x128xf32>
    %swap3A = arith.constant 0 : index
    %swap3A_6 = arith.constant 0 : index
    %swap3A_7 = vector.load %arg3[%swap3A, %swap3A_6] : memref<1000x128xf32, #tpu.memory_space<vmem>>, vector<1000x128xf32>
    tpu.vector_store %arg3[%swap3A, %swap3A_6], %dot_general3A_5 {strides = array<i32>} : memref<1000x128xf32, #tpu.memory_space<vmem>>, vector<1000x128xf32>,
    return
  }
  func.func @transform_0(%arg0: i32) -> (i32, i32) {
    %c0_i32 = arith.constant 0 : i32
    %c0_i32_0 = arith.constant 0 : i32
    return %arg0, %c0_i32 : i32, i32
  }
  func.func @transform_1(%arg0: i32) -> (i32, i32) {
    %c0_i32 = arith.constant 0 : i32
    %c0_i32_0 = arith.constant 0 : i32
    %c0_i32_1 = arith.constant 0 : i32
    return %c0_i32, %c0_i32_0 : i32, i32
  }
  func.func @transform_2(%arg0: i32) -> (i32, i32) {
    %c0_i32 = arith.constant 0 : i32
    %c0_i32_0 = arith.constant 0 : i32
    return %arg0, %c0_i32 : i32, i32
  }
}

module attributes {stable_mosaic.version = 14 : i64} {
  func.func @body(%arg0: i32, %arg1: memref<1000x128xf32, #tpu.memory_space<vmem>>, %arg2: memref<1000x16xf32, #tpu.memory_space<vmem>>, %arg3: memref<1000x16xf32, #tpu.memory_space<vmem>>, %arg4: memref<1000x128xf32, #tpu.memory_space<vmem>>, %arg5: memref<1000x1xf32, #tpu.memory_space<vmem>>) attributes {dimension_semantics = [#tpu.dimension_semantics<arbitrary>], iteration_bounds = array<i64: 10>, scalar_prefetch = 0 : i64, scratch_operands = 0 : i64, tpu.core_type = #tpu.core_type<tc>, window_params = [{transform_indices = @transform_0, window_bounds = array<i64: 1000, 128>}, {transform_indices = @transform_1, window_bounds = array<i64: 1000, 16>}, {transform_indices = @transform_2, window_bounds = array<i64: 1000, 16>}, {transform_indices = @transform_3, window_bounds = array<i64: 1000, 128>}, {transform_indices = @transform_4, window_bounds = array<i64: 1000, 1>}]} {
    %get3A = arith.constant 0 : index
    %get3A_0 = arith.constant 0 : index
    %get3A_1 = vector.load %arg2[%get3A, %get3A_0] : memref<1000x16xf32, #tpu.memory_space<vmem>>, vector<1000x1xf32>
    %add3A = arith.constant 1.000000e+00 : f32
    %add3A_2 = vector.broadcast %add3A : f32 to vector<1000x1xf32>
    %add3A_3 = arith.addf %add3A_2, %get3A_1 : vector<1000x1xf32>
    %get3A_4 = arith.constant 0 : index
    %get3A_5 = arith.constant 0 : index
    %get3A_6 = vector.load %arg3[%get3A_4, %get3A_5] : memref<1000x16xf32, #tpu.memory_space<vmem>>, vector<1000x1xf32>
    %add3A_7 = arith.addf %add3A_3, %get3A_6 : vector<1000x1xf32>
    %rsqrt3A = math.rsqrt %add3A_7 : vector<1000x1xf32>
    %swap3A = arith.constant 0 : index
    %swap3A_8 = arith.constant 0 : index
    %swap3A_9 = vector.load %arg5[%swap3A, %swap3A_8] : memref<1000x1xf32, #tpu.memory_space<vmem>>, vector<1000x1xf32>
    tpu.vector_store %arg5[%swap3A, %swap3A_8], %rsqrt3A {strides = array<i32>} : memref<1000x1xf32, #tpu.memory_space<vmem>>, vector<1000x1xf32>,
    %get3A_10 = arith.constant 0 : index
    %get3A_11 = arith.constant 0 : index
    %get3A_12 = vector.load %arg1[%get3A_10, %get3A_11] : memref<1000x128xf32, #tpu.memory_space<vmem>>, vector<1000x128xf32>
    %mul3A = vector.broadcast %rsqrt3A : vector<1000x1xf32> to vector<1000x128xf32>
    %mul3A_13 = arith.mulf %get3A_12, %mul3A : vector<1000x128xf32>
    %swap3A_14 = arith.constant 0 : index
    %swap3A_15 = arith.constant 0 : index
    %swap3A_16 = vector.load %arg4[%swap3A_14, %swap3A_15] : memref<1000x128xf32, #tpu.memory_space<vmem>>, vector<1000x128xf32>
    tpu.vector_store %arg4[%swap3A_14, %swap3A_15], %mul3A_13 {strides = array<i32>} : memref<1000x128xf32, #tpu.memory_space<vmem>>, vector<1000x128xf32>,
    return
  }
  func.func @transform_0(%arg0: i32) -> (i32, i32) {
    %c0_i32 = arith.constant 0 : i32
    %c0_i32_0 = arith.constant 0 : i32
    return %arg0, %c0_i32 : i32, i32
  }
  func.func @transform_1(%arg0: i32) -> (i32, i32) {
    %c0_i32 = arith.constant 0 : i32
    %c0_i32_0 = arith.constant 0 : i32
    return %arg0, %c0_i32 : i32, i32
  }
  func.func @transform_2(%arg0: i32) -> (i32, i32) {
    %add3A = arith.constant 10 : i32
    %add3A_0 = arith.addi %arg0, %add3A : i32
    %c0_i32 = arith.constant 0 : i32
    %c0_i32_1 = arith.constant 0 : i32
    return %add3A_0, %c0_i32 : i32, i32
  }
  func.func @transform_3(%arg0: i32) -> (i32, i32) {
    %c0_i32 = arith.constant 0 : i32
    %c0_i32_0 = arith.constant 0 : i32
    return %arg0, %c0_i32 : i32, i32
  }
  func.func @transform_4(%arg0: i32) -> (i32, i32) {
    %c0_i32 = arith.constant 0 : i32
    %c0_i32_0 = arith.constant 0 : i32
    return %arg0, %c0_i32 : i32, i32
  }
}

module attributes {stable_mosaic.version = 14 : i64} {
  func.func @body(%arg0: i32, %arg1: memref<1000x128xf32, #tpu.memory_space<vmem>>, %arg2: memref<1000x128xf32, #tpu.memory_space<vmem>>, %arg3: memref<1000x128xf32, #tpu.memory_space<vmem>>, %arg4: memref<1000x1xf32, #tpu.memory_space<vmem>>, %arg5: memref<1x128xf32, #tpu.memory_space<vmem>>, %arg6: memref<128x128xf32, #tpu.memory_space<vmem>>, %arg7: memref<1000x128xf32, #tpu.memory_space<vmem>>) attributes {dimension_semantics = [#tpu.dimension_semantics<arbitrary>], iteration_bounds = array<i64: 10>, scalar_prefetch = 0 : i64, scratch_operands = 0 : i64, tpu.core_type = #tpu.core_type<tc>, window_params = [{transform_indices = @transform_0, window_bounds = array<i64: 1000, 128>}, {transform_indices = @transform_1, window_bounds = array<i64: 1000, 128>}, {transform_indices = @transform_2, window_bounds = array<i64: 1000, 128>}, {transform_indices = @transform_3, window_bounds = array<i64: 1000, 1>}, {pipeline_mode = #tpu.pipeline_mode<synchronous>, transform_indices = @transform_4, window_bounds = array<i64: 1, 128>}, {pipeline_mode = #tpu.pipeline_mode<synchronous>, transform_indices = @transform_5, window_bounds = array<i64: 128, 128>}, {transform_indices = @transform_6, window_bounds = array<i64: 1000, 128>}]} {
    %get3A = arith.constant 0 : index
    %get3A_0 = arith.constant 0 : index
    %get3A_1 = vector.load %arg4[%get3A, %get3A_0] : memref<1000x1xf32, #tpu.memory_space<vmem>>, vector<1000x1xf32>
    %get3A_2 = arith.constant 0 : index
    %get3A_3 = arith.constant 0 : index
    %get3A_4 = vector.load %arg1[%get3A_2, %get3A_3] : memref<1000x128xf32, #tpu.memory_space<vmem>>, vector<1000x128xf32>
    %get3A_5 = arith.constant 0 : index
    %get3A_6 = arith.constant 0 : index
    %get3A_7 = vector.load %arg2[%get3A_5, %get3A_6] : memref<1000x128xf32, #tpu.memory_space<vmem>>, vector<1000x128xf32>
    %add3A = arith.addf %get3A_4, %get3A_7 : vector<1000x128xf32>
    %get3A_8 = arith.constant 0 : index
    %get3A_9 = arith.constant 0 : index
    %get3A_10 = vector.load %arg3[%get3A_8, %get3A_9] : memref<1000x128xf32, #tpu.memory_space<vmem>>, vector<1000x128xf32>
    %add3A_11 = arith.addf %add3A, %get3A_10 : vector<1000x128xf32>
    %mul3A = vector.broadcast %get3A_1 : vector<1000x1xf32> to vector<1000x128xf32>
    %mul3A_12 = arith.mulf %mul3A, %add3A_11 : vector<1000x128xf32>
    %get3A_13 = arith.constant 0 : index
    %get3A_14 = arith.constant 0 : index
    %get3A_15 = vector.load %arg5[%get3A_13, %get3A_14] : memref<1x128xf32, #tpu.memory_space<vmem>>, vector<1x128xf32>
    %add3A_16 = vector.broadcast %get3A_15 : vector<1x128xf32> to vector<1000x128xf32>
    %add3A_17 = arith.addf %mul3A_12, %add3A_16 : vector<1000x128xf32>
    %max3A = arith.constant 0.000000e+00 : f32
    %max3A_18 = vector.broadcast %max3A : f32 to vector<1000x128xf32>
    %max3A_19 = arith.maximumf %add3A_17, %max3A_18 : vector<1000x128xf32>
    %get3A_20 = arith.constant 0 : index
    %get3A_21 = arith.constant 0 : index
    %get3A_22 = vector.load %arg6[%get3A_20, %get3A_21] : memref<128x128xf32, #tpu.memory_space<vmem>>, vector<128x128xf32>
    %dot_general3A = arith.constant dense<0.000000e+00> : vector<1000x128xf32>
    %dot_general3A_23 = tpu.matmul %max3A_19, %get3A_22, %dot_general3A {dimension_numbers = #tpu.dot_dimension_numbers<[1], [0], [0], [1], [0, 0, 1, 1], [], []>, transpose_lhs_hint = false} : vector<1000x128xf32>, vector<128x128xf32>, vector<1000x128xf32> -> vector<1000x128xf32>
    %mul3A_24 = vector.broadcast %get3A_1 : vector<1000x1xf32> to vector<1000x128xf32>
    %mul3A_25 = arith.mulf %mul3A_24, %dot_general3A_23 : vector<1000x128xf32>
    %swap3A = arith.constant 0 : index
    %swap3A_26 = arith.constant 0 : index
    %swap3A_27 = vector.load %arg7[%swap3A, %swap3A_26] : memref<1000x128xf32, #tpu.memory_space<vmem>>, vector<1000x128xf32>
    tpu.vector_store %arg7[%swap3A, %swap3A_26], %mul3A_25 {strides = array<i32>} : memref<1000x128xf32, #tpu.memory_space<vmem>>, vector<1000x128xf32>,
    return
  }
  func.func @transform_0(%arg0: i32) -> (i32, i32) {
    %c0_i32 = arith.constant 0 : i32
    %c0_i32_0 = arith.constant 0 : i32
    return %arg0, %c0_i32 : i32, i32
  }
  func.func @transform_1(%arg0: i32) -> (i32, i32) {
    %add3A = arith.constant 10 : i32
    %add3A_0 = arith.addi %arg0, %add3A : i32
    %c0_i32 = arith.constant 0 : i32
    %c0_i32_1 = arith.constant 0 : i32
    return %add3A_0, %c0_i32 : i32, i32
  }
  func.func @transform_2(%arg0: i32) -> (i32, i32) {
    %c0_i32 = arith.constant 0 : i32
    %c0_i32_0 = arith.constant 0 : i32
    return %arg0, %c0_i32 : i32, i32
  }
  func.func @transform_3(%arg0: i32) -> (i32, i32) {
    %c0_i32 = arith.constant 0 : i32
    %c0_i32_0 = arith.constant 0 : i32
    return %arg0, %c0_i32 : i32, i32
  }
  func.func @transform_4(%arg0: i32) -> (i32, i32) {
    %c0_i32 = arith.constant 0 : i32
    %c0_i32_0 = arith.constant 0 : i32
    %c0_i32_1 = arith.constant 0 : i32
    return %c0_i32, %c0_i32_0 : i32, i32
  }
  func.func @transform_5(%arg0: i32) -> (i32, i32) {
    %c0_i32 = arith.constant 0 : i32
    %c0_i32_0 = arith.constant 0 : i32
    %c0_i32_1 = arith.constant 0 : i32
    return %c0_i32, %c0_i32_0 : i32, i32
  }
  func.func @transform_6(%arg0: i32) -> (i32, i32) {
    %c0_i32 = arith.constant 0 : i32
    %c0_i32_0 = arith.constant 0 : i32
    return %arg0, %c0_i32 : i32, i32
  }
}

module attributes {stable_mosaic.version = 14 : i64} {
  func.func @body(%arg0: i32, %arg1: memref<1000x128xf32, #tpu.memory_space<vmem>>, %arg2: memref<1000x128xf32, #tpu.memory_space<vmem>>, %arg3: memref<1000x128xf32, #tpu.memory_space<vmem>>, %arg4: memref<1000x1xf32, #tpu.memory_space<vmem>>, %arg5: memref<1x128xf32, #tpu.memory_space<vmem>>, %arg6: memref<1x1x1000xi32, #tpu.memory_space<vmem>>, %arg7: memref<128x128xf32, #tpu.memory_space<vmem>>, %arg8: memref<1x128xf32, #tpu.memory_space<vmem>>, %arg9: memref<128x1xf32, #tpu.memory_space<vmem>>, %arg10: memref<1x1xf32, #tpu.memory_space<vmem>>, %arg11: memref<64x1xf32, #tpu.memory_space<vmem>>, %arg12: memref<64x128xf32, #tpu.memory_space<vmem>>, %arg13: memref<64x1xf32, #tpu.memory_space<vmem>>) attributes {dimension_semantics = [#tpu.dimension_semantics<arbitrary>], iteration_bounds = array<i64: 10>, scalar_prefetch = 0 : i64, scratch_operands = 2 : i64, tpu.core_type = #tpu.core_type<tc>, window_params = [{transform_indices = @transform_0, window_bounds = array<i64: 1000, 128>}, {transform_indices = @transform_1, window_bounds = array<i64: 1000, 128>}, {transform_indices = @transform_2, window_bounds = array<i64: 1000, 128>}, {transform_indices = @transform_3, window_bounds = array<i64: 1000, 1>}, {pipeline_mode = #tpu.pipeline_mode<synchronous>, transform_indices = @transform_4, window_bounds = array<i64: 1, 128>}, {transform_indices = @transform_5, window_bounds = array<i64: 1, 1, 1000>}, {pipeline_mode = #tpu.pipeline_mode<synchronous>, transform_indices = @transform_6, window_bounds = array<i64: 128, 128>}, {pipeline_mode = #tpu.pipeline_mode<synchronous>, transform_indices = @transform_7, window_bounds = array<i64: 1, 128>}, {pipeline_mode = #tpu.pipeline_mode<synchronous>, transform_indices = @transform_8, window_bounds = array<i64: 128, 1>}, {pipeline_mode = #tpu.pipeline_mode<synchronous>, transform_indices = @transform_9, window_bounds = array<i64: 1, 1>}, {pipeline_mode = #tpu.pipeline_mode<synchronous>, transform_indices = @transform_10, window_bounds = array<i64: 64, 1>}]} {
    %eq3A = arith.constant 0 : i32
    %eq3A_0 = arith.cmpi eq, %arg0, %eq3A : i32
    %convert_element_type3A = arith.extui %eq3A_0 : i1 to i32
    %cond3A = arith.constant 0 : i32
    %cond3A_1 = arith.cmpi ne, %convert_element_type3A, %cond3A : i32
    scf.if %cond3A_1 {
      %broadcast_in_dim3A_52 = arith.constant 0.000000e+00 : f32
      %broadcast_in_dim3A_53 = vector.broadcast %broadcast_in_dim3A_52 : f32 to vector<64x128xf32>
      %swap3A_54 = arith.constant 0 : index
      %swap3A_55 = arith.constant 0 : index
      %swap3A_56 = vector.load %arg12[%swap3A_54, %swap3A_55] : memref<64x128xf32, #tpu.memory_space<vmem>>, vector<64x128xf32>
      tpu.vector_store %arg12[%swap3A_54, %swap3A_55], %broadcast_in_dim3A_53 {strides = array<i32>} : memref<64x128xf32, #tpu.memory_space<vmem>>, vector<64x128xf32>,
      %broadcast_in_dim3A_57 = arith.constant 0.000000e+00 : f32
      %broadcast_in_dim3A_58 = vector.broadcast %broadcast_in_dim3A_57 : f32 to vector<64x1xf32>
      %swap3A_59 = arith.constant 0 : index
      %swap3A_60 = arith.constant 0 : index
      %swap3A_61 = vector.load %arg13[%swap3A_59, %swap3A_60] : memref<64x1xf32, #tpu.memory_space<vmem>>, vector<64x1xf32>
      tpu.vector_store %arg13[%swap3A_59, %swap3A_60], %broadcast_in_dim3A_58 {strides = array<i32>} : memref<64x1xf32, #tpu.memory_space<vmem>>, vector<64x1xf32>,
    } else {
    }
    %get3A = arith.constant 0 : index
    %get3A_2 = arith.constant 0 : index
    %get3A_3 = vector.load %arg4[%get3A, %get3A_2] : memref<1000x1xf32, #tpu.memory_space<vmem>>, vector<1000x1xf32>
    %get3A_4 = arith.constant 0 : index
    %get3A_5 = arith.constant 0 : index
    %get3A_6 = vector.load %arg1[%get3A_4, %get3A_5] : memref<1000x128xf32, #tpu.memory_space<vmem>>, vector<1000x128xf32>
    %get3A_7 = arith.constant 0 : index
    %get3A_8 = arith.constant 0 : index
    %get3A_9 = vector.load %arg2[%get3A_7, %get3A_8] : memref<1000x128xf32, #tpu.memory_space<vmem>>, vector<1000x128xf32>
    %add3A = arith.addf %get3A_6, %get3A_9 : vector<1000x128xf32>
    %get3A_10 = arith.constant 0 : index
    %get3A_11 = arith.constant 0 : index
    %get3A_12 = vector.load %arg3[%get3A_10, %get3A_11] : memref<1000x128xf32, #tpu.memory_space<vmem>>, vector<1000x128xf32>
    %add3A_13 = arith.addf %add3A, %get3A_12 : vector<1000x128xf32>
    %mul3A = vector.broadcast %get3A_3 : vector<1000x1xf32> to vector<1000x128xf32>
    %mul3A_14 = arith.mulf %mul3A, %add3A_13 : vector<1000x128xf32>
    %get3A_15 = arith.constant 0 : index
    %get3A_16 = arith.constant 0 : index
    %get3A_17 = vector.load %arg5[%get3A_15, %get3A_16] : memref<1x128xf32, #tpu.memory_space<vmem>>, vector<1x128xf32>
    %add3A_18 = vector.broadcast %get3A_17 : vector<1x128xf32> to vector<1000x128xf32>
    %add3A_19 = arith.addf %mul3A_14, %add3A_18 : vector<1000x128xf32>
    %max3A = arith.constant 0.000000e+00 : f32
    %max3A_20 = vector.broadcast %max3A : f32 to vector<1000x128xf32>
    %max3A_21 = arith.maximumf %add3A_19, %max3A_20 : vector<1000x128xf32>
    %iota3A = tpu.iota {dimensions = array<i32: 0>} : vector<64x1000xi32>
    %get3A_22 = arith.constant 0 : index
    %get3A_23 = arith.constant 0 : index
    %get3A_24 = arith.constant 0 : index
    %get3A_25 = vector.load %arg6[%get3A_22, %get3A_23, %get3A_24] : memref<1x1x1000xi32, #tpu.memory_space<vmem>>, vector<1x1x1000xi32>
    %get3A_26 = vector.shape_cast %get3A_25 : vector<1x1x1000xi32> to vector<1x1000xi32>
    %eq3A_27 = vector.broadcast %get3A_26 : vector<1x1000xi32> to vector<64x1000xi32>
    %eq3A_28 = arith.cmpi eq, %eq3A_27, %iota3A : vector<64x1000xi32>
    %jit3A = arith.constant 1.000000e+00 : f32
    %jit3A_29 = arith.constant 0.000000e+00 : f32
    %broadcast_in_dim3A = vector.broadcast %jit3A : f32 to vector<64x1000xf32>
    %broadcast_in_dim3A_30 = vector.broadcast %jit3A_29 : f32 to vector<64x1000xf32>
    %select_n3A = arith.select %eq3A_28, %broadcast_in_dim3A, %broadcast_in_dim3A_30 : vector<64x1000xi1>, vector<64x1000xf32>
    %get3A_31 = arith.constant 0 : index
    %get3A_32 = arith.constant 0 : index
    %get3A_33 = vector.load %arg12[%get3A_31, %get3A_32] : memref<64x128xf32, #tpu.memory_space<vmem>>, vector<64x128xf32>
    %dot_general3A = arith.constant dense<0.000000e+00> : vector<64x128xf32>
    %dot_general3A_34 = tpu.matmul %select_n3A, %max3A_21, %dot_general3A {dimension_numbers = #tpu.dot_dimension_numbers<[1], [0], [0], [1], [0, 0, 1, 1], [], []>, transpose_lhs_hint = false} : vector<64x1000xf32>, vector<1000x128xf32>, vector<64x128xf32> -> vector<64x128xf32>
    %add3A_35 = arith.addf %get3A_33, %dot_general3A_34 : vector<64x128xf32>
    %swap3A = arith.constant 0 : index
    %swap3A_36 = arith.constant 0 : index
    %swap3A_37 = vector.load %arg12[%swap3A, %swap3A_36] : memref<64x128xf32, #tpu.memory_space<vmem>>, vector<64x128xf32>
    tpu.vector_store %arg12[%swap3A, %swap3A_36], %add3A_35 {strides = array<i32>} : memref<64x128xf32, #tpu.memory_space<vmem>>, vector<64x128xf32>,
    %get3A_38 = arith.constant 0 : index
    %get3A_39 = arith.constant 0 : index
    %get3A_40 = vector.load %arg13[%get3A_38, %get3A_39] : memref<64x1xf32, #tpu.memory_space<vmem>>, vector<64x1xf32>
    %reduce_sum3A = arith.constant dense<0.000000e+00> : vector<64xf32>
    %reduce_sum3A_41 = vector.multi_reduction <add>, %select_n3A, %reduce_sum3A [1] : vector<64x1000xf32> to vector<64xf32>
    %broadcast_in_dim3A_42 = vector.shape_cast %reduce_sum3A_41 : vector<64xf32> to vector<64x1xf32>
    %add3A_43 = arith.addf %get3A_40, %broadcast_in_dim3A_42 : vector<64x1xf32>
    %swap3A_44 = arith.constant 0 : index
    %swap3A_45 = arith.constant 0 : index
    %swap3A_46 = vector.load %arg13[%swap3A_44, %swap3A_45] : memref<64x1xf32, #tpu.memory_space<vmem>>, vector<64x1xf32>
    tpu.vector_store %arg13[%swap3A_44, %swap3A_45], %add3A_43 {strides = array<i32>} : memref<64x1xf32, #tpu.memory_space<vmem>>, vector<64x1xf32>,
    %eq3A_47 = arith.constant 9 : i32
    %eq3A_48 = arith.cmpi eq, %arg0, %eq3A_47 : i32
    %convert_element_type3A_49 = arith.extui %eq3A_48 : i1 to i32
    %cond3A_50 = arith.constant 0 : i32
    %cond3A_51 = arith.cmpi ne, %convert_element_type3A_49, %cond3A_50 : i32
    scf.if %cond3A_51 {
      %get3A_52 = arith.constant 0 : index
      %get3A_53 = arith.constant 0 : index
      %get3A_54 = vector.load %arg12[%get3A_52, %get3A_53] : memref<64x128xf32, #tpu.memory_space<vmem>>, vector<64x128xf32>
      %get3A_55 = arith.constant 0 : index
      %get3A_56 = arith.constant 0 : index
      %get3A_57 = vector.load %arg13[%get3A_55, %get3A_56] : memref<64x1xf32, #tpu.memory_space<vmem>>, vector<64x1xf32>
      %max3A_58 = arith.constant 1.000000e+00 : f32
      %max3A_59 = vector.broadcast %max3A_58 : f32 to vector<64x1xf32>
      %max3A_60 = arith.maximumf %get3A_57, %max3A_59 : vector<64x1xf32>
      %div3A = vector.broadcast %max3A_60 : vector<64x1xf32> to vector<64x128xf32>
      %div3A_61 = arith.divf %get3A_54, %div3A : vector<64x128xf32>
      %get3A_62 = arith.constant 0 : index
      %get3A_63 = arith.constant 0 : index
      %get3A_64 = vector.load %arg7[%get3A_62, %get3A_63] : memref<128x128xf32, #tpu.memory_space<vmem>>, vector<128x128xf32>
      %dot_general3A_65 = arith.constant dense<0.000000e+00> : vector<64x128xf32>
      %dot_general3A_66 = tpu.matmul %div3A_61, %get3A_64, %dot_general3A_65 {dimension_numbers = #tpu.dot_dimension_numbers<[1], [0], [0], [1], [0, 0, 1, 1], [], []>, transpose_lhs_hint = false} : vector<64x128xf32>, vector<128x128xf32>, vector<64x128xf32> -> vector<64x128xf32>
      %get3A_67 = arith.constant 0 : index
      %get3A_68 = arith.constant 0 : index
      %get3A_69 = vector.load %arg8[%get3A_67, %get3A_68] : memref<1x128xf32, #tpu.memory_space<vmem>>, vector<1x128xf32>
      %add3A_70 = vector.broadcast %get3A_69 : vector<1x128xf32> to vector<64x128xf32>
      %add3A_71 = arith.addf %dot_general3A_66, %add3A_70 : vector<64x128xf32>
      %max3A_72 = arith.constant 0.000000e+00 : f32
      %max3A_73 = vector.broadcast %max3A_72 : f32 to vector<64x128xf32>
      %max3A_74 = arith.maximumf %add3A_71, %max3A_73 : vector<64x128xf32>
      %get3A_75 = arith.constant 0 : index
      %get3A_76 = arith.constant 0 : index
      %get3A_77 = vector.load %arg9[%get3A_75, %get3A_76] : memref<128x1xf32, #tpu.memory_space<vmem>>, vector<128x1xf32>
      %dot_general3A_78 = arith.constant dense<0.000000e+00> : vector<64x1xf32>
      %dot_general3A_79 = tpu.matmul %max3A_74, %get3A_77, %dot_general3A_78 {dimension_numbers = #tpu.dot_dimension_numbers<[1], [0], [0], [1], [0, 0, 1, 1], [], []>, transpose_lhs_hint = false} : vector<64x128xf32>, vector<128x1xf32>, vector<64x1xf32> -> vector<64x1xf32>
      %get3A_80 = arith.constant 0 : index
      %get3A_81 = arith.constant 0 : index
      %get3A_82 = vector.load %arg10[%get3A_80, %get3A_81] : memref<1x1xf32, #tpu.memory_space<vmem>>, vector<1x1xf32>
      %add3A_83 = vector.broadcast %get3A_82 : vector<1x1xf32> to vector<64x1xf32>
      %add3A_84 = arith.addf %dot_general3A_79, %add3A_83 : vector<64x1xf32>
      %neg3A = arith.constant 0.000000e+00 : f32
      %neg3A_85 = vector.broadcast %neg3A : f32 to vector<64x1xf32>
      %neg3A_86 = arith.subf %neg3A_85, %add3A_84 : vector<64x1xf32>
      %exp3A = math.exp %neg3A_86 : vector<64x1xf32>
      %add3A_87 = arith.constant 1.000000e+00 : f32
      %add3A_88 = vector.broadcast %add3A_87 : f32 to vector<64x1xf32>
      %add3A_89 = arith.addf %add3A_88, %exp3A : vector<64x1xf32>
      %div3A_90 = arith.constant 1.000000e+00 : f32
      %div3A_91 = vector.broadcast %div3A_90 : f32 to vector<64x1xf32>
      %div3A_92 = arith.divf %div3A_91, %add3A_89 : vector<64x1xf32>
      %swap3A_93 = arith.constant 0 : index
      %swap3A_94 = arith.constant 0 : index
      %swap3A_95 = vector.load %arg11[%swap3A_93, %swap3A_94] : memref<64x1xf32, #tpu.memory_space<vmem>>, vector<64x1xf32>
      tpu.vector_store %arg11[%swap3A_93, %swap3A_94], %div3A_92 {strides = array<i32>} : memref<64x1xf32, #tpu.memory_space<vmem>>, vector<64x1xf32>,
    } else {
    }
    return
  }
  func.func @transform_0(%arg0: i32) -> (i32, i32) {
    %c0_i32 = arith.constant 0 : i32
    %c0_i32_0 = arith.constant 0 : i32
    return %arg0, %c0_i32 : i32, i32
  }
  func.func @transform_1(%arg0: i32) -> (i32, i32) {
    %add3A = arith.constant 10 : i32
    %add3A_0 = arith.addi %arg0, %add3A : i32
    %c0_i32 = arith.constant 0 : i32
    %c0_i32_1 = arith.constant 0 : i32
    return %add3A_0, %c0_i32 : i32, i32
  }
  func.func @transform_2(%arg0: i32) -> (i32, i32) {
    %c0_i32 = arith.constant 0 : i32
    %c0_i32_0 = arith.constant 0 : i32
    return %arg0, %c0_i32 : i32, i32
  }
  func.func @transform_3(%arg0: i32) -> (i32, i32) {
    %c0_i32 = arith.constant 0 : i32
    %c0_i32_0 = arith.constant 0 : i32
    return %arg0, %c0_i32 : i32, i32
  }
  func.func @transform_4(%arg0: i32) -> (i32, i32) {
    %c0_i32 = arith.constant 0 : i32
    %c0_i32_0 = arith.constant 0 : i32
    %c0_i32_1 = arith.constant 0 : i32
    return %c0_i32, %c0_i32_0 : i32, i32
  }
  func.func @transform_5(%arg0: i32) -> (i32, i32, i32) {
    %c0_i32 = arith.constant 0 : i32
    %c0_i32_0 = arith.constant 0 : i32
    %c0_i32_1 = arith.constant 0 : i32
    return %arg0, %c0_i32, %c0_i32_0 : i32, i32, i32
  }
  func.func @transform_6(%arg0: i32) -> (i32, i32) {
    %c0_i32 = arith.constant 0 : i32
    %c0_i32_0 = arith.constant 0 : i32
    %c0_i32_1 = arith.constant 0 : i32
    return %c0_i32, %c0_i32_0 : i32, i32
  }
  func.func @transform_7(%arg0: i32) -> (i32, i32) {
    %c0_i32 = arith.constant 0 : i32
    %c0_i32_0 = arith.constant 0 : i32
    %c0_i32_1 = arith.constant 0 : i32
    return %c0_i32, %c0_i32_0 : i32, i32
  }
  func.func @transform_8(%arg0: i32) -> (i32, i32) {
    %c0_i32 = arith.constant 0 : i32
    %c0_i32_0 = arith.constant 0 : i32
    %c0_i32_1 = arith.constant 0 : i32
    return %c0_i32, %c0_i32_0 : i32, i32
  }
  func.func @transform_9(%arg0: i32) -> (i32, i32) {
    %c0_i32 = arith.constant 0 : i32
    %c0_i32_0 = arith.constant 0 : i32
    %c0_i32_1 = arith.constant 0 : i32
    return %c0_i32, %c0_i32_0 : i32, i32
  }
  func.func @transform_10(%arg0: i32) -> (i32, i32) {
    %c0_i32 = arith.constant 0 : i32
    %c0_i32_0 = arith.constant 0 : i32
    %c0_i32_1 = arith.constant 0 : i32
    return %c0_i32, %c0_i32_0 : i32, i32
  }
}

</mosaic_0001>

<sc_bundles>
// kernel: kernel.12.cloned.1.call-start
scs
__scs_entry_jumppad:
0x0: {  	(pc) =	sbr.rel $0x88, $3  }
0x1: {  	(tag) =	ssettag $0x0;
	lr =	simm.s32 $0x1  }
0x2: {  	[smem:$0x3F96] =	sst lr;
	_ =	strace $0xD0000000  }
0x3: {  	_ = 	snop  }
0x4: {  	_ = 	snop  }
0x5: {  	_ = 	snop  }
0x6: {  	_ = 	snop  }
0x7: {  	_ = 	snop  }
__scs_overlays_trampoline_lowered:
0x8: {  	[smem:$0x3FA5] =	sst s0  }
0x9: {  	[smem:$0x3FA6] =	sst s1  }
0xa: {  	[smem:$0x3FA7] =	sst s2  }
0xb: {  	[smem:$0x3FA8] =	sst s3  }
0xc: {  	[smem:$0x3FA9] =	sst s4  }
0xd: {  	[smem:$0x3FAA] =	sst s5  }
0xe: {  	[smem:$0x3FAB] =	sst s6  }
0xf: {  	[smem:$0x3FAC] =	sst s7  }
0x10: {  	[smem:$0x3FAD] =	sst s8  }
0x11: {  	[smem:$0x3FAE] =	sst s9;
	s0 =	simm.s32 @!p0 $0x0  }
0x12: {  	s1 =	sld [smem:$0x3F94];
	s0 =	simm.s32 @p0 $0x1  }
0x13: {  	[smem:$0x3FAF] =	sst s0;
	s0 =	simm.s32 @!p1 $0x0  }
0x14: {  	s2 =	sld [smem:$0x3F93];
	s0 =	simm.s32 @p1 $0x1  }
0x15: {  	[smem:$0x3FB0] =	sst s0;
	s0 =	simm.s32 @!p2 $0x0  }
0x16: {  	s3 =	sld [smem:$0x3FDB];
	s0 =	simm.s32 @p2 $0x1  }
0x17: {  	s4 =	simm.s32 $0x1BF5;
	[smem:$0x3FB2] =	sst s0  }
0x18: {  	s0 =	sld [smem:$0x3F95];
	_ =	swait.ge [sflag:s4], $0x0  }
0x19: {  	s7 =	sld [smem:$0x3F96]  }
0x1a: {  	s8 =	sadd.s32 $0xFFFFE003, lr  }
0x1b: {  	s9 =	sadd.s32 $0xFFFFFEF7, lr;
	s5 =	simm.s32 $0xFFFFFFFF;
	p2 =	slt.u32 s8, $0xFFFFF086  }
0x1c: {  	p1 =	slt.u32 s9, $0xF7A;
	s5 =	simm.s32 @!p2 $0x0  }
0x1d: {  	s5 =	simm.s32 @p1 $0x1;
	p0 =	seq.s32 s7, s2  }
0x1e: {  	s7 =	smul.u32 @!p0 $0xF7A, s2;
	p2 =	seq.s32 @!p0 s5, $0x0  }
0x1f: {  	s9 =	smul.u32 $0xF7A, s1;
	s8 =	simm.s32 @!p0 $0x1BF5;
	p2 =	por !p2, p0  }
0x20: {  	[sflag:s8] =	ssyncset.s32 @!p0 $0xFFFFF086;
	s6 =	sadd.s32 @!p0 s3, s7;
	s7 =	simm.s32 @!p0 $0x108  }
0x21: {  	s3 =	sadd.s32 s3, s9;
	s6 =	sadd.s32 @!p0 $0x88, s6;
	s7 =	simm.s32 @p2 $0x1082  }
0x22: {  	[simem:s7], [sflag:s8] =	dma.local @!p0 [hbm:s6], $0xF7A  }
0x23: {  	s9 =	sor.u32 $0xD0000000, s2;
	s6 =	simm.s32 $0x108;
	_ =	swait.ge @!p0 [sflag:s8], $0x0  }
0x24: {  	s3 =	sadd.s32 $0x88, s3;
	s6 =	simm.s32 @!p1 $0x1082;
	[sflag:s4] =	ssyncset.s32 $0xFFFFF086  }
0x25: {  	[simem:s6], [sflag:s4] =	dma.local [hbm:s3], $0xF7A  }
0x26: {  	[smem:$0x3F96] =	sst s1;
	(tag) =	ssettag s2;
	_ =	strace s9  }
0x27: {  	s1 =	sld [smem:$0x3FA6]  }
0x28: {  	s2 =	sld [smem:$0x3FA7]  }
0x29: {  	s4 =	sld [smem:$0x3FA9]  }
0x2a: {  	p0 =	seq.s32 s5, $0x0;
	s5 =	sld [smem:$0x3FAA]  }
0x2b: {  	s6 =	sld [smem:$0x3FAB]  }
0x2c: {  	s7 =	sld [smem:$0x3FAC]  }
0x2d: {  	s3 =	simm.s32 $0x108;
	s8 =	sld [smem:$0x3FAD]  }
0x2e: {  	s3 =	simm.s32 @!p0 $0x1082;
	s9 =	sld [smem:$0x3FAE]  }
0x2f: {  	lr =	sadd.s32 s0, s3;
	s0 =	sld [smem:$0x3FA5]  }
0x30: {  	s3 =	sld [smem:$0x3FA8]  }
0x31: {  	[smem:$0x3FB1] =	sst s10  }
0x32: {  	s10 =	sld [smem:$0x3FAF];
	_ =	sdelay $0x3  }
0x33: {  	p0 =	seq.s32 s10, $0x1;
	s10 =	sld [smem:$0x3FB1];
	_ =	sdelay $0x3  }
0x34: {  	[smem:$0x3FB1] =	sst s10  }
0x35: {  	s10 =	sld [smem:$0x3FB0];
	_ =	sdelay $0x3  }
0x36: {  	p1 =	seq.s32 s10, $0x1;
	s10 =	sld [smem:$0x3FB1];
	_ =	sdelay $0x3  }
0x37: {  	[smem:$0x3FB1] =	sst s10  }
0x38: {  	s10 =	sld [smem:$0x3FB2]  }
0x39: {  	_ = 	snop;
	(pc) =	sbr.ind lr, $3  }
0x3a: {  	_ = 	snop  }
0x3b: {  	_ = 	snop  }
0x3c: {  	p2 =	seq.s32 s10, $0x1;
	s10 =	sld [smem:$0x3FB1]  }
0x3d: {  	_ =	shalt  }
0x3e: {  	_ =	shalt  }
0x3f: {  	_ =	shalt  }
0x40: {  	_ =	shalt  }
0x41: {  	_ =	shalt  }
0x42: {  	_ =	shalt  }
0x43: {  	_ =	shalt  }
0x44: {  	_ =	shalt  }
0x45: {  	_ =	shalt  }
0x46: {  	_ =	shalt  }
0x47: {  	_ =	shalt  }
0x48: {  	_ =	shalt  }
0x49: {  	_ =	shalt  }
0x4a: {  	_ =	shalt  }
0x4b: {  	_ =	shalt  }
0x4c: {  	_ =	shalt  }
0x4d: {  	_ =	shalt  }
0x4e: {  	_ =	shalt  }
0x4f: {  	_ =	shalt  }
0x50: {  	_ =	shalt  }
0x51: {  	_ =	shalt  }
0x52: {  	_ =	shalt  }
0x53: {  	_ =	shalt  }
0x54: {  	_ =	shalt  }
0x55: {  	_ =	shalt  }
0x56: {  	_ =	shalt  }
0x57: {  	_ =	shalt  }
0x58: {  	_ =	shalt  }
0x59: {  	_ =	shalt  }
0x5a: {  	_ =	shalt  }
0x5b: {  	_ =	shalt  }
0x5c: {  	_ =	shalt  }
0x5d: {  	_ =	shalt  }
0x5e: {  	_ =	shalt  }
0x5f: {  	_ =	shalt  }
0x60: {  	_ =	shalt  }
0x61: {  	_ =	shalt  }
0x62: {  	_ =	shalt  }
0x63: {  	_ =	shalt  }
0x64: {  	_ =	shalt  }
0x65: {  	_ =	shalt  }
0x66: {  	_ =	shalt  }
0x67: {  	_ =	shalt  }
0x68: {  	_ =	shalt  }
0x69: {  	_ =	shalt  }
0x6a: {  	_ =	shalt  }
0x6b: {  	_ =	shalt  }
0x6c: {  	_ =	shalt  }
0x6d: {  	_ =	shalt  }
0x6e: {  	_ =	shalt  }
0x6f: {  	_ =	shalt  }
0x70: {  	_ =	shalt  }
0x71: {  	_ =	shalt  }
0x72: {  	_ =	shalt  }
0x73: {  	_ =	shalt  }
0x74: {  	_ =	shalt  }
0x75: {  	_ =	shalt  }
0x76: {  	_ =	shalt  }
0x77: {  	_ =	shalt  }
0x78: {  	_ =	shalt  }
0x79: {  	_ =	shalt  }
0x7a: {  	_ =	shalt  }
0x7b: {  	_ =	shalt  }
0x7c: {  	_ =	shalt  }
0x7d: {  	_ =	shalt  }
0x7e: {  	_ =	shalt  }
0x7f: {  	_ =	shalt  }
0x80: {  	_ =	shalt  }
0x81: {  	_ =	shalt  }
0x82: {  	_ =	shalt  }
0x83: {  	_ =	shalt  }
0x84: {  	_ =	shalt  }
0x85: {  	_ =	shalt  }
0x86: {  	_ =	shalt  }
0x87: {  	_ =	shalt  }
.Lfunc_end0:
.L_simem_size_0:
called_computation.1_lowered:
.L_overlay_start_0:
0x88: {  	s2 =	sld [smem:$0x3FD9]  }
0x89: {  	s3 =	sld [smem:$0x3FFE];
	_ =	sdelay $0x1  }
0x8a: {  	s1 =	srdreg.scid  }
0x8b: {  	s0 =	sand.u32 $0x1, s1  }
0x8c: {  	s16 =	sshll.u32 s0, $0xA;
	s2 =	sadd.s32 s3, s2  }
0x8d: {  	s2 =	sadd.s32 s2, s16  }
0x8e: {  	[smem:$0x3FBD] =	sst s2  }
0x8f: {  	_ = 	snop  }
0x90: {  	(tm) =	ssettm $0x1  }
0x91: {  	s17 =	sld [smem:$0x3FFB];
	_ =	sdelay $0x3  }
0x92: {  	_ =	strace s17  }
0x93: {  	s2 =	sld [smem:$0x3FFC];
	_ =	sdelay $0x3  }
0x94: {  	_ =	strace s2  }
0x95: {  	s2 =	sld [smem:$0x3FFD];
	_ =	sdelay $0x3  }
0x96: {  	_ =	strace s2  }
0x97: {  	_ =	strace $0x8FFFFFFF  }
0x98: {  	s18 =	sld [smem:$0x3FDB];
	_ =	sdelay $0x1  }
0x99: {  	s19 =	simm.s32 $_scs_section_size  }
0x9a: {  	s4 =	simm.s32 $_size__tile_overlayer_lowered;
	s5 =	simm.s32 $_tile_overlayer_lowered  }
0x9b: {  	s22 =	simm.s32 $0x1BFF;
	s21 =	sshll.u32 s5, $0x1;
	s2 =	sadd.s32 s19, s18  }
0x9c: {  	s6 =	simm.s32 $0x0;
	s20 =	sshll.u32 s4, $0x1;
	s4 =	sadd.s32 s21, s2  }
0x9d: {  	[timem:s6], [sflag:s22] =	dma.local [hbm:s4], s20  }
0x9e: {  	_ =	swait.ge [sflag:s22], s20  }
0x9f: {  	s3 =	ssub.s32 $0x0, s20;
	[sflag:s22] =	ssyncset.done $0x0  }
0xa0: {  	[sflag:s22] =	ssyncadd.s32 s3;
	_ =	sdelay $0x1  }
0xa1: {  	s23 =	simm.s32 $0x1B8B  }
0xa2: {  	_ =	swait.ge [sflag:s23], $0x1  }
0xa3: {  	[sflag:s23] =	ssyncset.done $0x0  }
0xa4: {  	s25 =	simm.s32 $0x1B8E;
	s24 =	sld [smem:$0x3FFE];
	[sflag:s23] =	ssyncadd.s32 $0xFFFFFFFF  }
0xa5: {  	s26 =	simm.s32 $execute0_lowered;
	[smem:$0x3FD2] =	sst s25  }
0xa6: {  	s4 =	sshll.u32 s26, $0x1;
	_ =	strace $0x80000049;
	[dreg:$0x1] =	wrdreg $0xFFFFFFFF  }
0xa7: {  	s28 =	simm.s32 $_size_execute0_lowered;
	s2 =	sadd.s32 s2, s4;
	[dreg:$0x0] =	wrdreg $0x0  }
0xa8: {  	s4 =	sshll.u32 s28, $0x1;
	[dreg:$0x2] =	wrdreg s2  }
0xa9: {  	[dreg:$0x3] =	wrdreg s4  }
0xaa: {  	[dreg:$0x4] =	wrdreg $0xC0  }
0xab: {  	_ =	task [dreg:s6], $0x5FFFF  }
0xac: {  	[dreg:$0x1] =	wrdreg $0xFFFFFFFF  }
0xad: {  	[dreg:$0x0] =	wrdreg $0x60  }
0xae: {  	[dreg:$0x2] =	wrdreg s24  }
0xaf: {  	[dreg:$0x3] =	wrdreg $0xB4000  }
0xb0: {  	[dreg:$0x4] =	wrdreg $0x9  }
0xb1: {  	_ =	task.clear_ibuf [dreg:s6], $0x5FFFF;
	_ =	strace $0x90000049  }
0xb2: {  	s29 =	simm.s32 $0x9;
	_ =	strace $0x8000004B  }
0xb3: {  	_ =	swait.ge [sflag:s29], $0x1  }
0xb4: {  	[sflag:s29] =	ssyncadd.s32 $0xFFFFFFFF  }
0xb5: {  	_ =	strace $0x9000004B  }
0xb6: {  	_ =	sfence  }
0xb7: {  	s30 =	sld [smem:$0x0];
	_ =	sdelay $0x2  }
0xb8: {  	s31 =	sshll.u32 s1, $0xD;
	s1 =	sshrl.u32 s1, $0x2  }
0xb9: {  	s3 =	sand.u32 $0x4000, s31;
	s1 =	sadd.s32 s1, s30  }
0xba: {  	s0 =	sor.u32 s3, s0;
	s1 =	sshll.u32 s1, $0x11  }
0xbb: {  	s0 =	sor.u32 s1, s0  }
0xbc: {  	s0 =	sadd.s32 $0x8F2B, s0  }
0xbd: {  	[sflag:s0] =	ssyncadd.remote.s32 $0x1  }
0xbe: {  	_ =	sfence.sel $0xFFFF  }
0xbf: {  	[dreg:$0x0] =	wrdreg $0xFFFFFFFF;
	(pc) =	sbr.abs _section_cstart, $3  }
0xc0: {  	[dreg:$0x1] =	wrdreg $0xFFFFFFFF  }
0xc1: {  	_ =	task.clear_ibuf [dreg:s6], $0x2FFFF;
	_ =	strace $0x9FFFFFFF  }
0xc2: {  	(tm) =	ssettm $0x7FFFFFFF  }
0xc3: {  	_ =	shalt  }
tec
execute0_lowered:
.L_overlay_start_1:
0x0: {  	(tag) =	ssettag $0x1  }
0x1: {  	s0 =	rddreg [dreg:$0x0]  }
0x2: {  	s1 =	rddreg [dreg:$0x1];
	s3 =	simm.s32 $0x0  }
0x3: {  	s2 =	srdreg.scid;
	s9 =	stileid.u32;
	s29 =	simm.s32 $0x100  }
0x4: {  	s30 =	simm.s32 $0x300;
	s31 =	simm.s32 $0x180;
	s28 =	simm.s32 $0x7  }
0x5: {  	[smem:$0x7FF] =	sst s3;
	s2 =	sand.u32 $0x1, s2;
	s6 =	smul.u32 $0x13C00, s9  }
0x6: {  	s10 =	sadd.s32 $0x3200, s0;
	s11 =	sadd.s32 $0xD000, s0;
	s13 =	smul.u32 $0x4E200, s9  }
0x7: {  	s5 =	smul.u32 $0x13C000, s2;
	s4 =	sshll.u32 s2, $0x4;
	_ =	strace $0x8000004A  }
0x8: {  	s23 =	ssub.s32 $0x2, s2;
	s2 =	smul.u32 $0x27100, s2;
	s7 =	sor.u32 s9, s4  }
0x9: {  	s4 =	sadd.s32 $0x16E00, s0;
	s8 =	sshrl.u32 s23, $0x1;
	s9 =	smul.u32 $0x2710, s9  }
0xa: {  	s18 =	sshrl.u32 s13, $0x2;
	s7 =	smul.u32 $0x2710, s7;
	s5 =	sadd.s32 s6, s5  }
0xb: {  	s13 =	simm.s32 $0x3;
	s24 =	ssub.s32 s23, s8;
	s5 =	sshrl.u32 s5, $0x3  }
0xc: {  	s2 =	sadd.s32 s9, s2;
	s9 =	simm.s32 $0x50;
	s7 =	sshrl.u32 s7, $0x3  }
0xd: {  	s0 =	sadd.s32 s5, s0;
	s19 =	sadd.s32 $0x230, s2;
	s5 =	smax.u32 s24, $0x1  }
0xe: {  	s20 =	sadd.s32 $0x1E0, s2;
	s22 =	sadd.s32 $0x190, s2;
	s25 =	sadd.s32 s10, s7  }
0xf: {  	s26 =	sadd.s32 s11, s7;
	s8 =	sadd.s32 $0xA, s7;
	[dreg:$0xc] =	wrdreg s5  }
0x10: {  	s14 =	sadd.s32 $0x14, s7;
	s7 =	sadd.s32 $0x1E, s7;
	[dreg:$0x3] =	wrdreg s25  }
0x11: {  	s0 =	sadd.s32 $0x3E000, s0;
	s5 =	sshrl.u32 s20, $0x3;
	[dreg:$0x4] =	wrdreg s26  }
0x12: {  	s24 =	sshrl.u32 s22, $0x3;
	s12 =	sadd.s32 s10, s8;
	[dreg:$0xb] =	wrdreg s0  }
0x13: {  	s22 =	smov.u32 s10;
	s6 =	sadd.s32 s11, s8;
	[dreg:$0x5] =	wrdreg s12  }
0x14: {  	s15 =	sadd.s32 s10, s14;
	s16 =	sadd.s32 s10, s7;
	[dreg:$0x6] =	wrdreg s6  }
0x15: {  	s17 =	sadd.s32 s11, s7;
	s0 =	sshrl.u32 s19, $0x3;
	[dreg:$0x7] =	wrdreg s15  }
0x16: {  	s23 =	sadd.s32 s5, s11;
	s5 =	sadd.s32 s5, s10;
	[dreg:$0x9] =	wrdreg s16  }
0x17: {  	s25 =	sadd.s32 s24, s11;
	s26 =	sadd.s32 $0x140, s2;
	[dreg:$0xa] =	wrdreg s17  }
0x18: {  	s2 =	simm.s32 $0xA400;
	s7 =	simm.s32 $0x9;
	[dreg:$0xf] =	wrdreg s23  }
0x19: {  	s8 =	simm.s32 $0x1;
	s6 =	sadd.s32 s11, s14;
	[dreg:$0x10] =	wrdreg s5  }
0x1a: {  	s16 =	sadd.s32 s18, s1;
	s21 =	sadd.s32 s0, s11;
	[dreg:$0x11] =	wrdreg s25  }
0x1b: {  	s0 =	sadd.s32 s0, s10;
	s23 =	smov.u32 s11;
	[dreg:$0x13] =	wrdreg s26  }
0x1c: {  	s25 =	simm.s32 $0x200;
	s11 =	simm.s32 $0x2;
	s12 =	simm.s32 $0x2C00  }
.Ltmp0:
0x1d: {  	s14 =	simm.s32 $0x5400;
	s15 =	simm.s32 $0x5;
	(pc) =	sbr.rel .LBB2_1-.Ltmp0, $4  }
0x1e: {  	s17 =	simm.s32 $0x4;
	s26 =	simm.s32 $0x6;
	[dreg:$0x8] =	wrdreg s6  }
0x1f: {  	s5 =	simm.s32 $0x8;
	s18 =	simm.s32 $0x0;
	[dreg:$0xd] =	wrdreg s21  }
0x20: {  	[dreg:$0xe] =	wrdreg s0;
	s0 =	sadd.s32 s24, s10;
	s10 =	simm.s32 $0x400  }
0x21: {  	v0 =	vimm.f32 $0.0e+00;
	s24 =	simm.s32 $0x7C00;
	[dreg:$0x12] =	wrdreg s0;
	s0 =	simm.s32 $0x380  }
.LBB2_8:
0x22: {  	_ =	swait.ge [sflag:s5], $0x2800  }
0x23: {  	[sflag:s5] =	ssyncset.done $0x0  }
0x24: {  	[sflag:s5] =	ssyncadd.s32 $0xFFFFD800  }
0x25: {  	[spmem:s1] =	stream.indirect.scatter.add.f32 [tilespmem:s24], [sflag:$0x9], $0x80, s0, s9, $0xb8;
	[tilespmem:$0x1EC80] =	vst v63  }
0x26: {  	_ =	swait.ge [sflag:s7], $0x2800  }
0x27: {  	[sflag:s7] =	ssyncset.done $0x0  }
0x28: {  	[sflag:s7] =	ssyncadd.s32 $0xFFFFD800  }
0x29: {  	_ =	swait.ge [sflag:s15], $0x2800  }
0x2a: {  	[sflag:s15] =	ssyncset.done $0x0  }
0x2b: {  	[sflag:s15] =	ssyncadd.s32 $0xFFFFD800  }
0x2c: {  	[spmem:s1] =	stream.indirect.scatter.add.f32 [tilespmem:s10], [sflag:$0x9], $0x80, s25, s9, $0xb8;
	[tilespmem:$0x1EC80] =	vst v63  }
0x2d: {  	_ =	swait.ge [sflag:s7], $0x2800  }
0x2e: {  	[sflag:s7] =	ssyncset.done $0x0  }
0x2f: {  	s6 =	stileid.u32;
	[sflag:s7] =	ssyncadd.s32 $0xFFFFD800  }
0x30: {  	s6 =	sshll.u32 s6, $0x6;
	[bflag:$0x0] =	sbarrier.arrive $0xFFFF  }
0x31: {  	s18 =	sshrl.u32 s16, $0x3;
	s6 =	sor.u32 $0x1C09, s6;
	s19 =	rddreg [dreg:$0xb]  }
0x32: {  	[hbm:s19], [sflag:s6] =	dma.local [spmem:s18], $0x2710  }
0x33: {  	_ =	swait.ge [sflag:s7], $0x2710  }
0x34: {  	s20 =	rddreg [dreg:$0x14]  }
0x35: {  	s21 =	rddreg [dreg:$0xc];
	s18 =	sadd.s32 $0x1, s20  }
0x36: {  	p0 =	sne.s32 s18, s21  }
.Ltmp1:
0x37: {  	_ = 	snop;
	(pc) =	sbr.rel @!p0 .LBB2_9-.Ltmp1, $3  }
0x38: {  	_ =	sdelay $0x1  }
0x39: {  	[sflag:s7] =	ssyncset.done $0x0  }
0x3a: {  	[sflag:s7] =	ssyncadd.s32 $0xFFFFD8F0  }
.LBB2_1:
0x3b: {  	[dreg:$0x14] =	wrdreg s18  }
0x3c: {  	s6 =	rddreg [dreg:$0x3]  }
0x3d: {  	[tilespmem:s3], [sflag:$0x1] =	stream.linear.gather [hbm4b:s6+s3], $0x50, $0x38;
	[tilespmem:$0x1EC80] =	vst v63  }
0x3e: {  	s21 =	rddreg [dreg:$0x4]  }
0x3f: {  	[tilespmem:s25], [sflag:$0x1] =	stream.linear.gather [hbm4b:s21+s3], $0x50, $0x38;
	[tilespmem:$0x1EC80] =	vst v63  }
0x40: {  	s18 =	rddreg [dreg:$0x5];
	s19 =	simm.s32 $0x80  }
0x41: {  	[tilespmem:s19], [sflag:$0x2] =	stream.linear.gather [hbm4b:s18+s3], $0x50, $0x38;
	[tilespmem:$0x1EC80] =	vst v63  }
0x42: {  	s20 =	rddreg [dreg:$0x6];
	s21 =	simm.s32 $0x280  }
0x43: {  	[tilespmem:s21], [sflag:$0x2] =	stream.linear.gather [hbm4b:s20+s3], $0x50, $0x38;
	[tilespmem:$0x1EC80] =	vst v63  }
0x44: {  	s18 =	rddreg [dreg:$0x7]  }
0x45: {  	[tilespmem:s29], [sflag:$0x3] =	stream.linear.gather [hbm4b:s18+s3], $0x50, $0x38;
	[tilespmem:$0x1EC80] =	vst v63  }
0x46: {  	s19 =	rddreg [dreg:$0x8]  }
0x47: {  	[tilespmem:s30], [sflag:$0x3] =	stream.linear.gather [hbm4b:s19+s3], $0x50, $0x38;
	[tilespmem:$0x1EC80] =	vst v63  }
0x48: {  	s20 =	rddreg [dreg:$0x9]  }
0x49: {  	[tilespmem:s31], [sflag:$0x4] =	stream.linear.gather [hbm4b:s20+s3], $0x50, $0x38;
	[tilespmem:$0x1EC80] =	vst v63  }
0x4a: {  	s6 =	simm.s32 $0x70;
	s21 =	rddreg [dreg:$0xa];
	s18 =	simm.s32 $0x3C0  }
0x4b: {  	[tilespmem:s0], [sflag:$0x4] =	stream.linear.gather [hbm4b:s21+s3], $0x50, $0x38;
	[tilespmem:$0x1EC80] =	vst v63  }
.LBB2_2:
0x4c: {  	p0 =	sne.s32 s18, $0x31C0;
	[tilespmem:s6+$0xA400] =	vst v0  }
0x4d: {  	[tilespmem:s6+$0xA390] =	vst v0  }
0x4e: {  	[tilespmem:s6+$0xA3A0] =	vst v0  }
.Ltmp2:
0x4f: {  	[tilespmem:s6+$0xA3B0] =	vst v0;
	(pc) =	sbr.rel @p0 .LBB2_2-.Ltmp2, $4  }
0x50: {  	[tilespmem:s6+$0xA3C0] =	vst v0  }
0x51: {  	[tilespmem:s6+$0xA3D0] =	vst v0  }
0x52: {  	[tilespmem:s6+$0xA3E0] =	vst v0  }
0x53: {  	[tilespmem:s6+$0xA3F0] =	vst v0;
	s6 =	sshra.s32 s18, $0x2;
	s18 =	sadd.s32 $0x200, s18  }
0x54: {  	[tilespmem:s6+$0xA400] =	vst v0  }
0x55: {  	[tilespmem:s6+$0xA390] =	vst v0  }
0x56: {  	[tilespmem:s6+$0xA3A0] =	vst v0  }
0x57: {  	[tilespmem:s6+$0xA3B0] =	vst v0  }
0x58: {  	[tilespmem:s6+$0xA3C0] =	vst v0  }
0x59: {  	[tilespmem:s6+$0xA3D0] =	vst v0  }
0x5a: {  	[tilespmem:s6+$0xA3E0] =	vst v0  }
0x5b: {  	[tilespmem:s6+$0xA3F0] =	vst v0;
	s21 =	sadd.s32 $0x0, s16  }
0x5c: {  	[spmem:s21] =	stream.linear.scatter [tilespmem:s2], [sflag:$0x9], $0xC80, $0x38;
	[tilespmem:$0x1EC80] =	vst v63  }
0x5d: {  	s6 =	simm.s32 $0x3200;
	_ =	swait.ge [sflag:s7], $0xC80  }
.LBB2_4:
0x5e: {  	s18 =	sshra.s32 s6, $0x2;
	[sflag:s7] =	ssyncset.done $0x0;
	p0 =	sne.s32 s6, $0x4B000  }
.Ltmp3:
0x5f: {  	s18 =	sadd.s32 s18, s16;
	[sflag:s7] =	ssyncadd.s32 $0xFFFFF380;
	(pc) =	sbr.rel @p0 .LBB2_4-.Ltmp3, $3  }
0x60: {  	[spmem:s18] =	stream.linear.scatter [tilespmem:s2], [sflag:$0x9], $0xC80, $0x38;
	[tilespmem:$0x1EC80] =	vst v63  }
0x61: {  	s6 =	sadd.s32 $0x3200, s6;
	_ =	sdelay $0x1  }
0x62: {  	_ =	swait.ge [sflag:s7], $0xC80  }
0x63: {  	[sflag:s7] =	ssyncset.done $0x0  }
0x64: {  	[sflag:s7] =	ssyncadd.s32 $0xFFFFF380  }
0x65: {  	[bflag:$0x0] =	sbarrier.arrive $0xFFFF  }
0x66: {  	_ =	swait.ge [sflag:s8], $0x50  }
0x67: {  	[sflag:s8] =	ssyncset.done $0x0  }
0x68: {  	[sflag:s8] =	ssyncadd.s32 $0xFFFFFFB0  }
0x69: {  	_ =	swait.ge [sflag:s8], $0x50  }
0x6a: {  	[sflag:s8] =	ssyncset.done $0x0  }
0x6b: {  	s6 =	simm.s32 $0x0;
	[sflag:s8] =	ssyncadd.s32 $0xFFFFFFB0  }
0x6c: {  	[tilespmem:s10], [sflag:$0x5] =	stream.indirect.gather [hbm4b:s4+s9], $0x80, s6, s9, $0xb8;
	[tilespmem:$0x1EC80] =	vst v63  }
0x6d: {  	_ =	swait.ge [sflag:s11], $0x50  }
0x6e: {  	[sflag:s11] =	ssyncset.done $0x0  }
0x6f: {  	[sflag:s11] =	ssyncadd.s32 $0xFFFFFFB0  }
0x70: {  	_ =	swait.ge [sflag:s11], $0x50  }
0x71: {  	[sflag:s11] =	ssyncset.done $0x0  }
0x72: {  	s18 =	simm.s32 $0x80;
	[sflag:s11] =	ssyncadd.s32 $0xFFFFFFB0  }
0x73: {  	[tilespmem:s12], [sflag:$0x6] =	stream.indirect.gather [hbm4b:s4+s9], $0x80, s18, s9, $0xb8;
	[tilespmem:$0x1EC80] =	vst v63  }
0x74: {  	s18 =	rddreg [dreg:$0x13]  }
.LBB2_6:
0x75: {  	_ =	swait.ge [sflag:s13], $0x50  }
0x76: {  	[sflag:s13] =	ssyncset.done $0x0  }
0x77: {  	[sflag:s13] =	ssyncadd.s32 $0xFFFFFFB0  }
0x78: {  	_ =	swait.ge [sflag:s13], $0x50  }
0x79: {  	[sflag:s13] =	ssyncset.done $0x0  }
0x7a: {  	[sflag:s13] =	ssyncadd.s32 $0xFFFFFFB0  }
0x7b: {  	[tilespmem:s14], [sflag:$0x7] =	stream.indirect.gather [hbm4b:s4+s9], $0x80, s29, s9, $0xb8;
	[tilespmem:$0x1EC80] =	vst v63  }
0x7c: {  	_ =	swait.ge [sflag:s15], $0x2800  }
0x7d: {  	[sflag:s15] =	ssyncset.done $0x0  }
0x7e: {  	[sflag:s15] =	ssyncadd.s32 $0xFFFFD800  }
0x7f: {  	[spmem:s1] =	stream.indirect.scatter.add.f32 [tilespmem:s10], [sflag:$0x9], $0x80, s25, s9, $0xb8;
	[tilespmem:$0x1EC80] =	vst v63  }
0x80: {  	_ =	swait.ge [sflag:s7], $0x2800  }
0x81: {  	s19 =	sshrl.u32 s18, $0x3;
	[sflag:s7] =	ssyncset.done $0x0  }
0x82: {  	s20 =	sadd.s32 s22, s19;
	[sflag:s7] =	ssyncadd.s32 $0xFFFFD800  }
0x83: {  	[tilespmem:s3], [sflag:$0x1] =	stream.linear.gather [hbm4b:s20+s3], $0x50, $0x38;
	[tilespmem:$0x1EC80] =	vst v63  }
0x84: {  	s19 =	sadd.s32 s23, s19  }
0x85: {  	[tilespmem:s25], [sflag:$0x1] =	stream.linear.gather [hbm4b:s19+s3], $0x50, $0x38;
	[tilespmem:$0x1EC80] =	vst v63  }
0x86: {  	_ =	swait.ge [sflag:s17], $0x50  }
0x87: {  	[sflag:s17] =	ssyncset.done $0x0  }
0x88: {  	[sflag:s17] =	ssyncadd.s32 $0xFFFFFFB0  }
0x89: {  	_ =	swait.ge [sflag:s17], $0x50  }
0x8a: {  	[sflag:s17] =	ssyncset.done $0x0  }
0x8b: {  	[sflag:s17] =	ssyncadd.s32 $0xFFFFFFB0  }
0x8c: {  	[tilespmem:s24], [sflag:$0x8] =	stream.indirect.gather [hbm4b:s4+s9], $0x80, s31, s9, $0xb8;
	[tilespmem:$0x1EC80] =	vst v63  }
0x8d: {  	_ =	swait.ge [sflag:s26], $0x2800  }
0x8e: {  	[sflag:s26] =	ssyncset.done $0x0  }
0x8f: {  	s21 =	simm.s32 $0x280;
	[sflag:s26] =	ssyncadd.s32 $0xFFFFD800  }
0x90: {  	[spmem:s1] =	stream.indirect.scatter.add.f32 [tilespmem:s12], [sflag:$0x9], $0x80, s21, s9, $0xb8;
	[tilespmem:$0x1EC80] =	vst v63  }
0x91: {  	p0 =	seq.s32 s6, $0x4B0;
	_ =	swait.ge [sflag:s7], $0x2800  }
0x92: {  	s20 =	simm.s32 @!p0 $0x0;
	[sflag:s7] =	ssyncset.done $0x0;
	s19 =	rddreg [dreg:$0x12]  }
0x93: {  	s21 =	simm.s32 @!p0 $0x80;
	[sflag:s7] =	ssyncadd.s32 $0xFFFFD800;
	s19 =	sadd.s32 @!p0 s6, s19  }
0x94: {  	[tilespmem:s21], [sflag:$0x2] =	stream.linear.gather @!p0 [hbm4b:s19+s20], $0x50, $0x38;
	[tilespmem:$0x1EC80] =	vst v63  }
0x95: {  	s19 =	rddreg [dreg:$0x11]  }
0x96: {  	s21 =	simm.s32 @!p0 $0x280;
	s19 =	sadd.s32 @!p0 s6, s19  }
0x97: {  	[tilespmem:s21], [sflag:$0x2] =	stream.linear.gather @!p0 [hbm4b:s19+s20], $0x50, $0x38;
	[tilespmem:$0x1EC80] =	vst v63  }
0x98: {  	_ =	swait.ge [sflag:s8], $0x50  }
0x99: {  	[sflag:s8] =	ssyncset.done $0x0  }
0x9a: {  	[sflag:s8] =	ssyncadd.s32 $0xFFFFFFB0  }
0x9b: {  	_ =	swait.ge [sflag:s8], $0x50  }
0x9c: {  	[sflag:s8] =	ssyncset.done $0x0  }
0x9d: {  	[sflag:s8] =	ssyncadd.s32 $0xFFFFFFB0  }
0x9e: {  	[tilespmem:s10], [sflag:$0x5] =	stream.indirect.gather [hbm4b:s4+s9], $0x80, s3, s9, $0xb8;
	[tilespmem:$0x1EC80] =	vst v63  }
0x9f: {  	_ =	swait.ge [sflag:s28], $0x2800  }
0xa0: {  	[sflag:s28] =	ssyncset.done $0x0  }
.Ltmp4:
0xa1: {  	[sflag:s28] =	ssyncadd.s32 $0xFFFFD800;
	(pc) =	sbr.rel @p0 .LBB2_8-.Ltmp4, $4  }
0xa2: {  	[spmem:s1] =	stream.indirect.scatter.add.f32 [tilespmem:s14], [sflag:$0x9], $0x80, s30, s9, $0xb8;
	[tilespmem:$0x1EC80] =	vst v63  }
0xa3: {  	_ =	swait.ge [sflag:s7], $0x2800  }
0xa4: {  	[sflag:s7] =	ssyncset.done $0x0  }
0xa5: {  	[sflag:s7] =	ssyncadd.s32 $0xFFFFD800  }
0xa6: {  	s19 =	rddreg [dreg:$0x10]  }
0xa7: {  	s20 =	rddreg [dreg:$0xf];
	s19 =	sadd.s32 s6, s19  }
0xa8: {  	[tilespmem:s29], [sflag:$0x3] =	stream.linear.gather [hbm4b:s19+s3], $0x50, $0x38;
	[tilespmem:$0x1EC80] =	vst v63  }
0xa9: {  	s19 =	sadd.s32 s6, s20  }
0xaa: {  	[tilespmem:s30], [sflag:$0x3] =	stream.linear.gather [hbm4b:s19+s3], $0x50, $0x38;
	[tilespmem:$0x1EC80] =	vst v63  }
0xab: {  	_ =	swait.ge [sflag:s11], $0x50  }
0xac: {  	[sflag:s11] =	ssyncset.done $0x0  }
0xad: {  	[sflag:s11] =	ssyncadd.s32 $0xFFFFFFB0  }
0xae: {  	_ =	swait.ge [sflag:s11], $0x50  }
0xaf: {  	[sflag:s11] =	ssyncset.done $0x0  }
0xb0: {  	s21 =	simm.s32 $0x80;
	[sflag:s11] =	ssyncadd.s32 $0xFFFFFFB0  }
0xb1: {  	[tilespmem:s12], [sflag:$0x6] =	stream.indirect.gather [hbm4b:s4+s9], $0x80, s21, s9, $0xb8;
	[tilespmem:$0x1EC80] =	vst v63  }
0xb2: {  	_ =	swait.ge [sflag:s5], $0x2800  }
0xb3: {  	[sflag:s5] =	ssyncset.done $0x0  }
0xb4: {  	[sflag:s5] =	ssyncadd.s32 $0xFFFFD800  }
0xb5: {  	[spmem:s1] =	stream.indirect.scatter.add.f32 [tilespmem:s24], [sflag:$0x9], $0x80, s0, s9, $0xb8;
	[tilespmem:$0x1EC80] =	vst v63  }
0xb6: {  	_ =	swait.ge [sflag:s7], $0x2800  }
.Ltmp5:
0xb7: {  	[sflag:s7] =	ssyncset.done $0x0;
	s20 =	rddreg [dreg:$0xe];
	(pc) =	sbr.rel .LBB2_6-.Ltmp5, $4  }
0xb8: {  	s21 =	rddreg [dreg:$0xd];
	[sflag:s7] =	ssyncadd.s32 $0xFFFFD800;
	s19 =	sadd.s32 s6, s20  }
0xb9: {  	[tilespmem:s31], [sflag:$0x4] =	stream.linear.gather [hbm4b:s19+s3], $0x50, $0x38;
	[tilespmem:$0x1EC80] =	vst v63  }
0xba: {  	s18 =	sadd.s32 $0x140, s18;
	s19 =	sadd.s32 s6, s21;
	s6 =	sadd.s32 $0x28, s6  }
0xbb: {  	[tilespmem:s0], [sflag:$0x4] =	stream.linear.gather [hbm4b:s19+s3], $0x50, $0x38;
	[tilespmem:$0x1EC80] =	vst v63  }
.LBB2_9:
0xbc: {  	_ =	sfence.sel $0x180000  }
0xbd: {  	[bflag:$0x0] =	sbarrier.arrive $0xFFFF  }
0xbe: {  	_ =	strace $0x9000004A  }
0xbf: {  	s0 =	stileid.u32;
	[bflag:$0x2] =	sbarrier.arrive $0xFFFF  }
0xc0: {  	p0 =	sne.s32 s0, $0x0;
	s0 =	rddreg [dreg:$0x2]  }
0xc1: {  	s0 =	sadd.s32 @!p0 $0x100000, s0  }
0xc2: {  	[sflag:s0] =	ssyncadd.tile.s32 @!p0 $0x1;
	_ =	shalt  }
.Lfunc_end2:
_tile_overlayer_lowered:
.L_overlay_start_2:
0xc3: {  	(tag) =	ssettag $0x2  }
0xc4: {  	s0 =	rddreg [dreg:$0x0];
	s2 =	stileid.u32  }
0xc5: {  	s1 =	rddreg [dreg:$0x1];
	p0 =	sne.s32 s2, $0x0  }
0xc6: {  	s3 =	rddreg [dreg:$0x2];
	[bflag:$0x3] =	sbarrier.arrive $0xFFFF;
	s2 =	simm.s32 @!p0 $0x1C09  }
0xc7: {  	[timem:s3], [sflag:s2] =	dma.local @!p0 [hbm:s0], s1  }
0xc8: {  	s0 =	simm.s32 @!p0 $0x9  }
0xc9: {  	_ =	swait.ge @!p0 [sflag:s0], s1  }
0xca: {  	s1 =	ssub.s32 @!p0 $0x0, s1;
	[sflag:s0] =	ssyncset.done @!p0 $0x0  }
0xcb: {  	[sflag:s0] =	ssyncadd.s32 @!p0 s1  }
0xcc: {  	[bflag:$0x3] =	sbarrier.arrive $0xFFFF  }
0xcd: {  	_ =	shalt  }

// kernel: kernel.15.cloned.1.call-start
scs
__scs_entry_jumppad:
0x0: {  	(pc) =	sbr.rel $0x88, $3  }
0x1: {  	(tag) =	ssettag $0x0;
	lr =	simm.s32 $0x1  }
0x2: {  	[smem:$0x3F96] =	sst lr;
	_ =	strace $0xD0000000  }
0x3: {  	_ = 	snop  }
0x4: {  	_ = 	snop  }
0x5: {  	_ = 	snop  }
0x6: {  	_ = 	snop  }
0x7: {  	_ = 	snop  }
__scs_overlays_trampoline_lowered:
0x8: {  	[smem:$0x3FA5] =	sst s0  }
0x9: {  	[smem:$0x3FA6] =	sst s1  }
0xa: {  	[smem:$0x3FA7] =	sst s2  }
0xb: {  	[smem:$0x3FA8] =	sst s3  }
0xc: {  	[smem:$0x3FA9] =	sst s4  }
0xd: {  	[smem:$0x3FAA] =	sst s5  }
0xe: {  	[smem:$0x3FAB] =	sst s6  }
0xf: {  	[smem:$0x3FAC] =	sst s7  }
0x10: {  	[smem:$0x3FAD] =	sst s8  }
0x11: {  	[smem:$0x3FAE] =	sst s9;
	s0 =	simm.s32 @!p0 $0x0  }
0x12: {  	s1 =	sld [smem:$0x3F94];
	s0 =	simm.s32 @p0 $0x1  }
0x13: {  	[smem:$0x3FAF] =	sst s0;
	s0 =	simm.s32 @!p1 $0x0  }
0x14: {  	s2 =	sld [smem:$0x3F93];
	s0 =	simm.s32 @p1 $0x1  }
0x15: {  	[smem:$0x3FB0] =	sst s0;
	s0 =	simm.s32 @!p2 $0x0  }
0x16: {  	s3 =	sld [smem:$0x3FDB];
	s0 =	simm.s32 @p2 $0x1  }
0x17: {  	s4 =	simm.s32 $0x1BF5;
	[smem:$0x3FB2] =	sst s0  }
0x18: {  	s0 =	sld [smem:$0x3F95];
	_ =	swait.ge [sflag:s4], $0x0  }
0x19: {  	s7 =	sld [smem:$0x3F96]  }
0x1a: {  	s8 =	sadd.s32 $0xFFFFE003, lr  }
0x1b: {  	s9 =	sadd.s32 $0xFFFFFEF7, lr;
	s5 =	simm.s32 $0xFFFFFFFF;
	p2 =	slt.u32 s8, $0xFFFFF086  }
0x1c: {  	p1 =	slt.u32 s9, $0xF7A;
	s5 =	simm.s32 @!p2 $0x0  }
0x1d: {  	s5 =	simm.s32 @p1 $0x1;
	p0 =	seq.s32 s7, s2  }
0x1e: {  	s7 =	smul.u32 @!p0 $0xF7A, s2;
	p2 =	seq.s32 @!p0 s5, $0x0  }
0x1f: {  	s9 =	smul.u32 $0xF7A, s1;
	s8 =	simm.s32 @!p0 $0x1BF5;
	p2 =	por !p2, p0  }
0x20: {  	[sflag:s8] =	ssyncset.s32 @!p0 $0xFFFFF086;
	s6 =	sadd.s32 @!p0 s3, s7;
	s7 =	simm.s32 @!p0 $0x108  }
0x21: {  	s3 =	sadd.s32 s3, s9;
	s6 =	sadd.s32 @!p0 $0x88, s6;
	s7 =	simm.s32 @p2 $0x1082  }
0x22: {  	[simem:s7], [sflag:s8] =	dma.local @!p0 [hbm:s6], $0xF7A  }
0x23: {  	s9 =	sor.u32 $0xD0000000, s2;
	s6 =	simm.s32 $0x108;
	_ =	swait.ge @!p0 [sflag:s8], $0x0  }
0x24: {  	s3 =	sadd.s32 $0x88, s3;
	s6 =	simm.s32 @!p1 $0x1082;
	[sflag:s4] =	ssyncset.s32 $0xFFFFF086  }
0x25: {  	[simem:s6], [sflag:s4] =	dma.local [hbm:s3], $0xF7A  }
0x26: {  	[smem:$0x3F96] =	sst s1;
	(tag) =	ssettag s2;
	_ =	strace s9  }
0x27: {  	s1 =	sld [smem:$0x3FA6]  }
0x28: {  	s2 =	sld [smem:$0x3FA7]  }
0x29: {  	s4 =	sld [smem:$0x3FA9]  }
0x2a: {  	p0 =	seq.s32 s5, $0x0;
	s5 =	sld [smem:$0x3FAA]  }
0x2b: {  	s6 =	sld [smem:$0x3FAB]  }
0x2c: {  	s7 =	sld [smem:$0x3FAC]  }
0x2d: {  	s3 =	simm.s32 $0x108;
	s8 =	sld [smem:$0x3FAD]  }
0x2e: {  	s3 =	simm.s32 @!p0 $0x1082;
	s9 =	sld [smem:$0x3FAE]  }
0x2f: {  	lr =	sadd.s32 s0, s3;
	s0 =	sld [smem:$0x3FA5]  }
0x30: {  	s3 =	sld [smem:$0x3FA8]  }
0x31: {  	[smem:$0x3FB1] =	sst s10  }
0x32: {  	s10 =	sld [smem:$0x3FAF];
	_ =	sdelay $0x3  }
0x33: {  	p0 =	seq.s32 s10, $0x1;
	s10 =	sld [smem:$0x3FB1];
	_ =	sdelay $0x3  }
0x34: {  	[smem:$0x3FB1] =	sst s10  }
0x35: {  	s10 =	sld [smem:$0x3FB0];
	_ =	sdelay $0x3  }
0x36: {  	p1 =	seq.s32 s10, $0x1;
	s10 =	sld [smem:$0x3FB1];
	_ =	sdelay $0x3  }
0x37: {  	[smem:$0x3FB1] =	sst s10  }
0x38: {  	s10 =	sld [smem:$0x3FB2]  }
0x39: {  	_ = 	snop;
	(pc) =	sbr.ind lr, $3  }
0x3a: {  	_ = 	snop  }
0x3b: {  	_ = 	snop  }
0x3c: {  	p2 =	seq.s32 s10, $0x1;
	s10 =	sld [smem:$0x3FB1]  }
0x3d: {  	_ =	shalt  }
0x3e: {  	_ =	shalt  }
0x3f: {  	_ =	shalt  }
0x40: {  	_ =	shalt  }
0x41: {  	_ =	shalt  }
0x42: {  	_ =	shalt  }
0x43: {  	_ =	shalt  }
0x44: {  	_ =	shalt  }
0x45: {  	_ =	shalt  }
0x46: {  	_ =	shalt  }
0x47: {  	_ =	shalt  }
0x48: {  	_ =	shalt  }
0x49: {  	_ =	shalt  }
0x4a: {  	_ =	shalt  }
0x4b: {  	_ =	shalt  }
0x4c: {  	_ =	shalt  }
0x4d: {  	_ =	shalt  }
0x4e: {  	_ =	shalt  }
0x4f: {  	_ =	shalt  }
0x50: {  	_ =	shalt  }
0x51: {  	_ =	shalt  }
0x52: {  	_ =	shalt  }
0x53: {  	_ =	shalt  }
0x54: {  	_ =	shalt  }
0x55: {  	_ =	shalt  }
0x56: {  	_ =	shalt  }
0x57: {  	_ =	shalt  }
0x58: {  	_ =	shalt  }
0x59: {  	_ =	shalt  }
0x5a: {  	_ =	shalt  }
0x5b: {  	_ =	shalt  }
0x5c: {  	_ =	shalt  }
0x5d: {  	_ =	shalt  }
0x5e: {  	_ =	shalt  }
0x5f: {  	_ =	shalt  }
0x60: {  	_ =	shalt  }
0x61: {  	_ =	shalt  }
0x62: {  	_ =	shalt  }
0x63: {  	_ =	shalt  }
0x64: {  	_ =	shalt  }
0x65: {  	_ =	shalt  }
0x66: {  	_ =	shalt  }
0x67: {  	_ =	shalt  }
0x68: {  	_ =	shalt  }
0x69: {  	_ =	shalt  }
0x6a: {  	_ =	shalt  }
0x6b: {  	_ =	shalt  }
0x6c: {  	_ =	shalt  }
0x6d: {  	_ =	shalt  }
0x6e: {  	_ =	shalt  }
0x6f: {  	_ =	shalt  }
0x70: {  	_ =	shalt  }
0x71: {  	_ =	shalt  }
0x72: {  	_ =	shalt  }
0x73: {  	_ =	shalt  }
0x74: {  	_ =	shalt  }
0x75: {  	_ =	shalt  }
0x76: {  	_ =	shalt  }
0x77: {  	_ =	shalt  }
0x78: {  	_ =	shalt  }
0x79: {  	_ =	shalt  }
0x7a: {  	_ =	shalt  }
0x7b: {  	_ =	shalt  }
0x7c: {  	_ =	shalt  }
0x7d: {  	_ =	shalt  }
0x7e: {  	_ =	shalt  }
0x7f: {  	_ =	shalt  }
0x80: {  	_ =	shalt  }
0x81: {  	_ =	shalt  }
0x82: {  	_ =	shalt  }
0x83: {  	_ =	shalt  }
0x84: {  	_ =	shalt  }
0x85: {  	_ =	shalt  }
0x86: {  	_ =	shalt  }
0x87: {  	_ =	shalt  }
.Lfunc_end0:
.L_simem_size_0:
called_computation.2_lowered:
.L_overlay_start_0:
0x88: {  	s2 =	sld [smem:$0x3FD9]  }
0x89: {  	s3 =	sld [smem:$0x3FFE];
	_ =	sdelay $0x1  }
0x8a: {  	s1 =	srdreg.scid  }
0x8b: {  	s0 =	sand.u32 $0x1, s1  }
0x8c: {  	s16 =	sshll.u32 s0, $0xA;
	s2 =	sadd.s32 s3, s2  }
0x8d: {  	s2 =	sadd.s32 s2, s16  }
0x8e: {  	[smem:$0x3FBD] =	sst s2  }
0x8f: {  	_ = 	snop  }
0x90: {  	(tm) =	ssettm $0x1  }
0x91: {  	s17 =	sld [smem:$0x3FFB];
	_ =	sdelay $0x3  }
0x92: {  	_ =	strace s17  }
0x93: {  	s2 =	sld [smem:$0x3FFC];
	_ =	sdelay $0x3  }
0x94: {  	_ =	strace s2  }
0x95: {  	s2 =	sld [smem:$0x3FFD];
	_ =	sdelay $0x3  }
0x96: {  	_ =	strace s2  }
0x97: {  	_ =	strace $0x8FFFFFFF  }
0x98: {  	s18 =	sld [smem:$0x3FDB];
	_ =	sdelay $0x1  }
0x99: {  	s19 =	simm.s32 $_scs_section_size  }
0x9a: {  	s4 =	simm.s32 $_size__tile_overlayer_lowered;
	s5 =	simm.s32 $_tile_overlayer_lowered  }
0x9b: {  	s22 =	simm.s32 $0x1BFF;
	s21 =	sshll.u32 s5, $0x1;
	s2 =	sadd.s32 s19, s18  }
0x9c: {  	s6 =	simm.s32 $0x0;
	s20 =	sshll.u32 s4, $0x1;
	s4 =	sadd.s32 s21, s2  }
0x9d: {  	[timem:s6], [sflag:s22] =	dma.local [hbm:s4], s20  }
0x9e: {  	_ =	swait.ge [sflag:s22], s20  }
0x9f: {  	s3 =	ssub.s32 $0x0, s20;
	[sflag:s22] =	ssyncset.done $0x0  }
0xa0: {  	[sflag:s22] =	ssyncadd.s32 s3;
	_ =	sdelay $0x1  }
0xa1: {  	s23 =	simm.s32 $0x1B8B  }
0xa2: {  	_ =	swait.ge [sflag:s23], $0x1  }
0xa3: {  	[sflag:s23] =	ssyncset.done $0x0  }
0xa4: {  	s25 =	simm.s32 $0x1B8E;
	s24 =	sld [smem:$0x3FFE];
	[sflag:s23] =	ssyncadd.s32 $0xFFFFFFFF  }
0xa5: {  	s26 =	simm.s32 $execute0_lowered;
	[smem:$0x3FD2] =	sst s25  }
0xa6: {  	s4 =	sshll.u32 s26, $0x1;
	_ =	strace $0x8000004C;
	[dreg:$0x1] =	wrdreg $0xFFFFFFFF  }
0xa7: {  	s28 =	simm.s32 $_size_execute0_lowered;
	s2 =	sadd.s32 s2, s4;
	[dreg:$0x0] =	wrdreg $0x0  }
0xa8: {  	s4 =	sshll.u32 s28, $0x1;
	[dreg:$0x2] =	wrdreg s2  }
0xa9: {  	[dreg:$0x3] =	wrdreg s4  }
0xaa: {  	[dreg:$0x4] =	wrdreg $0xC0  }
0xab: {  	_ =	task [dreg:s6], $0x5FFFF  }
0xac: {  	[dreg:$0x1] =	wrdreg $0xFFFFFFFF  }
0xad: {  	[dreg:$0x0] =	wrdreg $0x60  }
0xae: {  	[dreg:$0x2] =	wrdreg s24  }
0xaf: {  	[dreg:$0x3] =	wrdreg $0xB4000  }
0xb0: {  	[dreg:$0x4] =	wrdreg $0x9  }
0xb1: {  	_ =	task.clear_ibuf [dreg:s6], $0x5FFFF;
	_ =	strace $0x9000004C  }
0xb2: {  	s29 =	simm.s32 $0x9;
	_ =	strace $0x8000004E  }
0xb3: {  	_ =	swait.ge [sflag:s29], $0x1  }
0xb4: {  	[sflag:s29] =	ssyncadd.s32 $0xFFFFFFFF  }
0xb5: {  	_ =	strace $0x9000004E  }
0xb6: {  	_ =	sfence  }
0xb7: {  	s30 =	sld [smem:$0x0];
	_ =	sdelay $0x2  }
0xb8: {  	s31 =	sshll.u32 s1, $0xD;
	s1 =	sshrl.u32 s1, $0x2  }
0xb9: {  	s3 =	sand.u32 $0x4000, s31;
	s1 =	sadd.s32 s1, s30  }
0xba: {  	s0 =	sor.u32 s3, s0;
	s1 =	sshll.u32 s1, $0x11  }
0xbb: {  	s0 =	sor.u32 s1, s0  }
0xbc: {  	s0 =	sadd.s32 $0x8F2B, s0  }
0xbd: {  	[sflag:s0] =	ssyncadd.remote.s32 $0x1  }
0xbe: {  	_ =	sfence.sel $0xFFFF  }
0xbf: {  	[dreg:$0x0] =	wrdreg $0xFFFFFFFF;
	(pc) =	sbr.abs _section_cstart, $3  }
0xc0: {  	[dreg:$0x1] =	wrdreg $0xFFFFFFFF  }
0xc1: {  	_ =	task.clear_ibuf [dreg:s6], $0x2FFFF;
	_ =	strace $0x9FFFFFFF  }
0xc2: {  	(tm) =	ssettm $0x7FFFFFFF  }
0xc3: {  	_ =	shalt  }
tec
execute0_lowered:
.L_overlay_start_1:
0x0: {  	(tag) =	ssettag $0x1  }
0x1: {  	s0 =	rddreg [dreg:$0x0]  }
0x2: {  	s1 =	rddreg [dreg:$0x1];
	s3 =	simm.s32 $0x0  }
0x3: {  	s2 =	srdreg.scid;
	s9 =	stileid.u32;
	s29 =	simm.s32 $0x100  }
0x4: {  	s30 =	simm.s32 $0x300;
	s31 =	simm.s32 $0x180;
	s28 =	simm.s32 $0x7  }
0x5: {  	[smem:$0x7FF] =	sst s3;
	s2 =	sand.u32 $0x1, s2;
	s6 =	smul.u32 $0x13C00, s9  }
0x6: {  	s10 =	sadd.s32 $0x3200, s0;
	s11 =	sadd.s32 $0xD000, s0;
	s13 =	smul.u32 $0x4E200, s9  }
0x7: {  	s5 =	smul.u32 $0x13C000, s2;
	s4 =	sshll.u32 s2, $0x4;
	_ =	strace $0x8000004D  }
0x8: {  	s23 =	ssub.s32 $0x2, s2;
	s2 =	smul.u32 $0x27100, s2;
	s7 =	sor.u32 s9, s4  }
0x9: {  	s4 =	sadd.s32 $0x16E00, s0;
	s8 =	sshrl.u32 s23, $0x1;
	s9 =	smul.u32 $0x2710, s9  }
0xa: {  	s18 =	sshrl.u32 s13, $0x2;
	s7 =	smul.u32 $0x2710, s7;
	s5 =	sadd.s32 s6, s5  }
0xb: {  	s13 =	simm.s32 $0x3;
	s24 =	ssub.s32 s23, s8;
	s5 =	sshrl.u32 s5, $0x3  }
0xc: {  	s2 =	sadd.s32 s9, s2;
	s9 =	simm.s32 $0x50;
	s7 =	sshrl.u32 s7, $0x3  }
0xd: {  	s0 =	sadd.s32 s5, s0;
	s19 =	sadd.s32 $0x230, s2;
	s5 =	smax.u32 s24, $0x1  }
0xe: {  	s20 =	sadd.s32 $0x1E0, s2;
	s22 =	sadd.s32 $0x190, s2;
	s25 =	sadd.s32 s10, s7  }
0xf: {  	s26 =	sadd.s32 s11, s7;
	s8 =	sadd.s32 $0xA, s7;
	[dreg:$0xc] =	wrdreg s5  }
0x10: {  	s14 =	sadd.s32 $0x14, s7;
	s7 =	sadd.s32 $0x1E, s7;
	[dreg:$0x3] =	wrdreg s25  }
0x11: {  	s0 =	sadd.s32 $0x3E000, s0;
	s5 =	sshrl.u32 s20, $0x3;
	[dreg:$0x4] =	wrdreg s26  }
0x12: {  	s24 =	sshrl.u32 s22, $0x3;
	s12 =	sadd.s32 s10, s8;
	[dreg:$0xb] =	wrdreg s0  }
0x13: {  	s22 =	smov.u32 s10;
	s6 =	sadd.s32 s11, s8;
	[dreg:$0x5] =	wrdreg s12  }
0x14: {  	s15 =	sadd.s32 s10, s14;
	s16 =	sadd.s32 s10, s7;
	[dreg:$0x6] =	wrdreg s6  }
0x15: {  	s17 =	sadd.s32 s11, s7;
	s0 =	sshrl.u32 s19, $0x3;
	[dreg:$0x7] =	wrdreg s15  }
0x16: {  	s23 =	sadd.s32 s5, s11;
	s5 =	sadd.s32 s5, s10;
	[dreg:$0x9] =	wrdreg s16  }
0x17: {  	s25 =	sadd.s32 s24, s11;
	s26 =	sadd.s32 $0x140, s2;
	[dreg:$0xa] =	wrdreg s17  }
0x18: {  	s2 =	simm.s32 $0xA400;
	s7 =	simm.s32 $0x9;
	[dreg:$0xf] =	wrdreg s23  }
0x19: {  	s8 =	simm.s32 $0x1;
	s6 =	sadd.s32 s11, s14;
	[dreg:$0x10] =	wrdreg s5  }
0x1a: {  	s16 =	sadd.s32 s18, s1;
	s21 =	sadd.s32 s0, s11;
	[dreg:$0x11] =	wrdreg s25  }
0x1b: {  	s0 =	sadd.s32 s0, s10;
	s23 =	smov.u32 s11;
	[dreg:$0x13] =	wrdreg s26  }
0x1c: {  	s25 =	simm.s32 $0x200;
	s11 =	simm.s32 $0x2;
	s12 =	simm.s32 $0x2C00  }
.Ltmp0:
0x1d: {  	s14 =	simm.s32 $0x5400;
	s15 =	simm.s32 $0x5;
	(pc) =	sbr.rel .LBB2_1-.Ltmp0, $4  }
0x1e: {  	s17 =	simm.s32 $0x4;
	s26 =	simm.s32 $0x6;
	[dreg:$0x8] =	wrdreg s6  }
0x1f: {  	s5 =	simm.s32 $0x8;
	s18 =	simm.s32 $0x0;
	[dreg:$0xd] =	wrdreg s21  }
0x20: {  	[dreg:$0xe] =	wrdreg s0;
	s0 =	sadd.s32 s24, s10;
	s10 =	simm.s32 $0x400  }
0x21: {  	v0 =	vimm.f32 $0.0e+00;
	s24 =	simm.s32 $0x7C00;
	[dreg:$0x12] =	wrdreg s0;
	s0 =	simm.s32 $0x380  }
.LBB2_8:
0x22: {  	_ =	swait.ge [sflag:s5], $0x2800  }
0x23: {  	[sflag:s5] =	ssyncset.done $0x0  }
0x24: {  	[sflag:s5] =	ssyncadd.s32 $0xFFFFD800  }
0x25: {  	[spmem:s1] =	stream.indirect.scatter.add.f32 [tilespmem:s24], [sflag:$0x9], $0x80, s0, s9, $0xb8;
	[tilespmem:$0x1EC80] =	vst v63  }
0x26: {  	_ =	swait.ge [sflag:s7], $0x2800  }
0x27: {  	[sflag:s7] =	ssyncset.done $0x0  }
0x28: {  	[sflag:s7] =	ssyncadd.s32 $0xFFFFD800  }
0x29: {  	_ =	swait.ge [sflag:s15], $0x2800  }
0x2a: {  	[sflag:s15] =	ssyncset.done $0x0  }
0x2b: {  	[sflag:s15] =	ssyncadd.s32 $0xFFFFD800  }
0x2c: {  	[spmem:s1] =	stream.indirect.scatter.add.f32 [tilespmem:s10], [sflag:$0x9], $0x80, s25, s9, $0xb8;
	[tilespmem:$0x1EC80] =	vst v63  }
0x2d: {  	_ =	swait.ge [sflag:s7], $0x2800  }
0x2e: {  	[sflag:s7] =	ssyncset.done $0x0  }
0x2f: {  	s6 =	stileid.u32;
	[sflag:s7] =	ssyncadd.s32 $0xFFFFD800  }
0x30: {  	s6 =	sshll.u32 s6, $0x6;
	[bflag:$0x0] =	sbarrier.arrive $0xFFFF  }
0x31: {  	s18 =	sshrl.u32 s16, $0x3;
	s6 =	sor.u32 $0x1C09, s6;
	s19 =	rddreg [dreg:$0xb]  }
0x32: {  	[hbm:s19], [sflag:s6] =	dma.local [spmem:s18], $0x2710  }
0x33: {  	_ =	swait.ge [sflag:s7], $0x2710  }
0x34: {  	s20 =	rddreg [dreg:$0x14]  }
0x35: {  	s21 =	rddreg [dreg:$0xc];
	s18 =	sadd.s32 $0x1, s20  }
0x36: {  	p0 =	sne.s32 s18, s21  }
.Ltmp1:
0x37: {  	_ = 	snop;
	(pc) =	sbr.rel @!p0 .LBB2_9-.Ltmp1, $3  }
0x38: {  	_ =	sdelay $0x1  }
0x39: {  	[sflag:s7] =	ssyncset.done $0x0  }
0x3a: {  	[sflag:s7] =	ssyncadd.s32 $0xFFFFD8F0  }
.LBB2_1:
0x3b: {  	[dreg:$0x14] =	wrdreg s18  }
0x3c: {  	s6 =	rddreg [dreg:$0x3]  }
0x3d: {  	[tilespmem:s3], [sflag:$0x1] =	stream.linear.gather [hbm4b:s6+s3], $0x50, $0x38;
	[tilespmem:$0x1EC80] =	vst v63  }
0x3e: {  	s21 =	rddreg [dreg:$0x4]  }
0x3f: {  	[tilespmem:s25], [sflag:$0x1] =	stream.linear.gather [hbm4b:s21+s3], $0x50, $0x38;
	[tilespmem:$0x1EC80] =	vst v63  }
0x40: {  	s18 =	rddreg [dreg:$0x5];
	s19 =	simm.s32 $0x80  }
0x41: {  	[tilespmem:s19], [sflag:$0x2] =	stream.linear.gather [hbm4b:s18+s3], $0x50, $0x38;
	[tilespmem:$0x1EC80] =	vst v63  }
0x42: {  	s20 =	rddreg [dreg:$0x6];
	s21 =	simm.s32 $0x280  }
0x43: {  	[tilespmem:s21], [sflag:$0x2] =	stream.linear.gather [hbm4b:s20+s3], $0x50, $0x38;
	[tilespmem:$0x1EC80] =	vst v63  }
0x44: {  	s18 =	rddreg [dreg:$0x7]  }
0x45: {  	[tilespmem:s29], [sflag:$0x3] =	stream.linear.gather [hbm4b:s18+s3], $0x50, $0x38;
	[tilespmem:$0x1EC80] =	vst v63  }
0x46: {  	s19 =	rddreg [dreg:$0x8]  }
0x47: {  	[tilespmem:s30], [sflag:$0x3] =	stream.linear.gather [hbm4b:s19+s3], $0x50, $0x38;
	[tilespmem:$0x1EC80] =	vst v63  }
0x48: {  	s20 =	rddreg [dreg:$0x9]  }
0x49: {  	[tilespmem:s31], [sflag:$0x4] =	stream.linear.gather [hbm4b:s20+s3], $0x50, $0x38;
	[tilespmem:$0x1EC80] =	vst v63  }
0x4a: {  	s6 =	simm.s32 $0x70;
	s21 =	rddreg [dreg:$0xa];
	s18 =	simm.s32 $0x3C0  }
0x4b: {  	[tilespmem:s0], [sflag:$0x4] =	stream.linear.gather [hbm4b:s21+s3], $0x50, $0x38;
	[tilespmem:$0x1EC80] =	vst v63  }
.LBB2_2:
0x4c: {  	p0 =	sne.s32 s18, $0x31C0;
	[tilespmem:s6+$0xA400] =	vst v0  }
0x4d: {  	[tilespmem:s6+$0xA390] =	vst v0  }
0x4e: {  	[tilespmem:s6+$0xA3A0] =	vst v0  }
.Ltmp2:
0x4f: {  	[tilespmem:s6+$0xA3B0] =	vst v0;
	(pc) =	sbr.rel @p0 .LBB2_2-.Ltmp2, $4  }
0x50: {  	[tilespmem:s6+$0xA3C0] =	vst v0  }
0x51: {  	[tilespmem:s6+$0xA3D0] =	vst v0  }
0x52: {  	[tilespmem:s6+$0xA3E0] =	vst v0  }
0x53: {  	[tilespmem:s6+$0xA3F0] =	vst v0;
	s6 =	sshra.s32 s18, $0x2;
	s18 =	sadd.s32 $0x200, s18  }
0x54: {  	[tilespmem:s6+$0xA400] =	vst v0  }
0x55: {  	[tilespmem:s6+$0xA390] =	vst v0  }
0x56: {  	[tilespmem:s6+$0xA3A0] =	vst v0  }
0x57: {  	[tilespmem:s6+$0xA3B0] =	vst v0  }
0x58: {  	[tilespmem:s6+$0xA3C0] =	vst v0  }
0x59: {  	[tilespmem:s6+$0xA3D0] =	vst v0  }
0x5a: {  	[tilespmem:s6+$0xA3E0] =	vst v0  }
0x5b: {  	[tilespmem:s6+$0xA3F0] =	vst v0;
	s21 =	sadd.s32 $0x0, s16  }
0x5c: {  	[spmem:s21] =	stream.linear.scatter [tilespmem:s2], [sflag:$0x9], $0xC80, $0x38;
	[tilespmem:$0x1EC80] =	vst v63  }
0x5d: {  	s6 =	simm.s32 $0x3200;
	_ =	swait.ge [sflag:s7], $0xC80  }
.LBB2_4:
0x5e: {  	s18 =	sshra.s32 s6, $0x2;
	[sflag:s7] =	ssyncset.done $0x0;
	p0 =	sne.s32 s6, $0x4B000  }
.Ltmp3:
0x5f: {  	s18 =	sadd.s32 s18, s16;
	[sflag:s7] =	ssyncadd.s32 $0xFFFFF380;
	(pc) =	sbr.rel @p0 .LBB2_4-.Ltmp3, $3  }
0x60: {  	[spmem:s18] =	stream.linear.scatter [tilespmem:s2], [sflag:$0x9], $0xC80, $0x38;
	[tilespmem:$0x1EC80] =	vst v63  }
0x61: {  	s6 =	sadd.s32 $0x3200, s6;
	_ =	sdelay $0x1  }
0x62: {  	_ =	swait.ge [sflag:s7], $0xC80  }
0x63: {  	[sflag:s7] =	ssyncset.done $0x0  }
0x64: {  	[sflag:s7] =	ssyncadd.s32 $0xFFFFF380  }
0x65: {  	[bflag:$0x0] =	sbarrier.arrive $0xFFFF  }
0x66: {  	_ =	swait.ge [sflag:s8], $0x50  }
0x67: {  	[sflag:s8] =	ssyncset.done $0x0  }
0x68: {  	[sflag:s8] =	ssyncadd.s32 $0xFFFFFFB0  }
0x69: {  	_ =	swait.ge [sflag:s8], $0x50  }
0x6a: {  	[sflag:s8] =	ssyncset.done $0x0  }
0x6b: {  	s6 =	simm.s32 $0x0;
	[sflag:s8] =	ssyncadd.s32 $0xFFFFFFB0  }
0x6c: {  	[tilespmem:s10], [sflag:$0x5] =	stream.indirect.gather [hbm4b:s4+s9], $0x80, s6, s9, $0xb8;
	[tilespmem:$0x1EC80] =	vst v63  }
0x6d: {  	_ =	swait.ge [sflag:s11], $0x50  }
0x6e: {  	[sflag:s11] =	ssyncset.done $0x0  }
0x6f: {  	[sflag:s11] =	ssyncadd.s32 $0xFFFFFFB0  }
0x70: {  	_ =	swait.ge [sflag:s11], $0x50  }
0x71: {  	[sflag:s11] =	ssyncset.done $0x0  }
0x72: {  	s18 =	simm.s32 $0x80;
	[sflag:s11] =	ssyncadd.s32 $0xFFFFFFB0  }
0x73: {  	[tilespmem:s12], [sflag:$0x6] =	stream.indirect.gather [hbm4b:s4+s9], $0x80, s18, s9, $0xb8;
	[tilespmem:$0x1EC80] =	vst v63  }
0x74: {  	s18 =	rddreg [dreg:$0x13]  }
.LBB2_6:
0x75: {  	_ =	swait.ge [sflag:s13], $0x50  }
0x76: {  	[sflag:s13] =	ssyncset.done $0x0  }
0x77: {  	[sflag:s13] =	ssyncadd.s32 $0xFFFFFFB0  }
0x78: {  	_ =	swait.ge [sflag:s13], $0x50  }
0x79: {  	[sflag:s13] =	ssyncset.done $0x0  }
0x7a: {  	[sflag:s13] =	ssyncadd.s32 $0xFFFFFFB0  }
0x7b: {  	[tilespmem:s14], [sflag:$0x7] =	stream.indirect.gather [hbm4b:s4+s9], $0x80, s29, s9, $0xb8;
	[tilespmem:$0x1EC80] =	vst v63  }
0x7c: {  	_ =	swait.ge [sflag:s15], $0x2800  }
0x7d: {  	[sflag:s15] =	ssyncset.done $0x0  }
0x7e: {  	[sflag:s15] =	ssyncadd.s32 $0xFFFFD800  }
0x7f: {  	[spmem:s1] =	stream.indirect.scatter.add.f32 [tilespmem:s10], [sflag:$0x9], $0x80, s25, s9, $0xb8;
	[tilespmem:$0x1EC80] =	vst v63  }
0x80: {  	_ =	swait.ge [sflag:s7], $0x2800  }
0x81: {  	s19 =	sshrl.u32 s18, $0x3;
	[sflag:s7] =	ssyncset.done $0x0  }
0x82: {  	s20 =	sadd.s32 s22, s19;
	[sflag:s7] =	ssyncadd.s32 $0xFFFFD800  }
0x83: {  	[tilespmem:s3], [sflag:$0x1] =	stream.linear.gather [hbm4b:s20+s3], $0x50, $0x38;
	[tilespmem:$0x1EC80] =	vst v63  }
0x84: {  	s19 =	sadd.s32 s23, s19  }
0x85: {  	[tilespmem:s25], [sflag:$0x1] =	stream.linear.gather [hbm4b:s19+s3], $0x50, $0x38;
	[tilespmem:$0x1EC80] =	vst v63  }
0x86: {  	_ =	swait.ge [sflag:s17], $0x50  }
0x87: {  	[sflag:s17] =	ssyncset.done $0x0  }
0x88: {  	[sflag:s17] =	ssyncadd.s32 $0xFFFFFFB0  }
0x89: {  	_ =	swait.ge [sflag:s17], $0x50  }
0x8a: {  	[sflag:s17] =	ssyncset.done $0x0  }
0x8b: {  	[sflag:s17] =	ssyncadd.s32 $0xFFFFFFB0  }
0x8c: {  	[tilespmem:s24], [sflag:$0x8] =	stream.indirect.gather [hbm4b:s4+s9], $0x80, s31, s9, $0xb8;
	[tilespmem:$0x1EC80] =	vst v63  }
0x8d: {  	_ =	swait.ge [sflag:s26], $0x2800  }
0x8e: {  	[sflag:s26] =	ssyncset.done $0x0  }
0x8f: {  	s21 =	simm.s32 $0x280;
	[sflag:s26] =	ssyncadd.s32 $0xFFFFD800  }
0x90: {  	[spmem:s1] =	stream.indirect.scatter.add.f32 [tilespmem:s12], [sflag:$0x9], $0x80, s21, s9, $0xb8;
	[tilespmem:$0x1EC80] =	vst v63  }
0x91: {  	p0 =	seq.s32 s6, $0x4B0;
	_ =	swait.ge [sflag:s7], $0x2800  }
0x92: {  	s20 =	simm.s32 @!p0 $0x0;
	[sflag:s7] =	ssyncset.done $0x0;
	s19 =	rddreg [dreg:$0x12]  }
0x93: {  	s21 =	simm.s32 @!p0 $0x80;
	[sflag:s7] =	ssyncadd.s32 $0xFFFFD800;
	s19 =	sadd.s32 @!p0 s6, s19  }
0x94: {  	[tilespmem:s21], [sflag:$0x2] =	stream.linear.gather @!p0 [hbm4b:s19+s20], $0x50, $0x38;
	[tilespmem:$0x1EC80] =	vst v63  }
0x95: {  	s19 =	rddreg [dreg:$0x11]  }
0x96: {  	s21 =	simm.s32 @!p0 $0x280;
	s19 =	sadd.s32 @!p0 s6, s19  }
0x97: {  	[tilespmem:s21], [sflag:$0x2] =	stream.linear.gather @!p0 [hbm4b:s19+s20], $0x50, $0x38;
	[tilespmem:$0x1EC80] =	vst v63  }
0x98: {  	_ =	swait.ge [sflag:s8], $0x50  }
0x99: {  	[sflag:s8] =	ssyncset.done $0x0  }
0x9a: {  	[sflag:s8] =	ssyncadd.s32 $0xFFFFFFB0  }
0x9b: {  	_ =	swait.ge [sflag:s8], $0x50  }
0x9c: {  	[sflag:s8] =	ssyncset.done $0x0  }
0x9d: {  	[sflag:s8] =	ssyncadd.s32 $0xFFFFFFB0  }
0x9e: {  	[tilespmem:s10], [sflag:$0x5] =	stream.indirect.gather [hbm4b:s4+s9], $0x80, s3, s9, $0xb8;
	[tilespmem:$0x1EC80] =	vst v63  }
0x9f: {  	_ =	swait.ge [sflag:s28], $0x2800  }
0xa0: {  	[sflag:s28] =	ssyncset.done $0x0  }
.Ltmp4:
0xa1: {  	[sflag:s28] =	ssyncadd.s32 $0xFFFFD800;
	(pc) =	sbr.rel @p0 .LBB2_8-.Ltmp4, $4  }
0xa2: {  	[spmem:s1] =	stream.indirect.scatter.add.f32 [tilespmem:s14], [sflag:$0x9], $0x80, s30, s9, $0xb8;
	[tilespmem:$0x1EC80] =	vst v63  }
0xa3: {  	_ =	swait.ge [sflag:s7], $0x2800  }
0xa4: {  	[sflag:s7] =	ssyncset.done $0x0  }
0xa5: {  	[sflag:s7] =	ssyncadd.s32 $0xFFFFD800  }
0xa6: {  	s19 =	rddreg [dreg:$0x10]  }
0xa7: {  	s20 =	rddreg [dreg:$0xf];
	s19 =	sadd.s32 s6, s19  }
0xa8: {  	[tilespmem:s29], [sflag:$0x3] =	stream.linear.gather [hbm4b:s19+s3], $0x50, $0x38;
	[tilespmem:$0x1EC80] =	vst v63  }
0xa9: {  	s19 =	sadd.s32 s6, s20  }
0xaa: {  	[tilespmem:s30], [sflag:$0x3] =	stream.linear.gather [hbm4b:s19+s3], $0x50, $0x38;
	[tilespmem:$0x1EC80] =	vst v63  }
0xab: {  	_ =	swait.ge [sflag:s11], $0x50  }
0xac: {  	[sflag:s11] =	ssyncset.done $0x0  }
0xad: {  	[sflag:s11] =	ssyncadd.s32 $0xFFFFFFB0  }
0xae: {  	_ =	swait.ge [sflag:s11], $0x50  }
0xaf: {  	[sflag:s11] =	ssyncset.done $0x0  }
0xb0: {  	s21 =	simm.s32 $0x80;
	[sflag:s11] =	ssyncadd.s32 $0xFFFFFFB0  }
0xb1: {  	[tilespmem:s12], [sflag:$0x6] =	stream.indirect.gather [hbm4b:s4+s9], $0x80, s21, s9, $0xb8;
	[tilespmem:$0x1EC80] =	vst v63  }
0xb2: {  	_ =	swait.ge [sflag:s5], $0x2800  }
0xb3: {  	[sflag:s5] =	ssyncset.done $0x0  }
0xb4: {  	[sflag:s5] =	ssyncadd.s32 $0xFFFFD800  }
0xb5: {  	[spmem:s1] =	stream.indirect.scatter.add.f32 [tilespmem:s24], [sflag:$0x9], $0x80, s0, s9, $0xb8;
	[tilespmem:$0x1EC80] =	vst v63  }
0xb6: {  	_ =	swait.ge [sflag:s7], $0x2800  }
.Ltmp5:
0xb7: {  	[sflag:s7] =	ssyncset.done $0x0;
	s20 =	rddreg [dreg:$0xe];
	(pc) =	sbr.rel .LBB2_6-.Ltmp5, $4  }
0xb8: {  	s21 =	rddreg [dreg:$0xd];
	[sflag:s7] =	ssyncadd.s32 $0xFFFFD800;
	s19 =	sadd.s32 s6, s20  }
0xb9: {  	[tilespmem:s31], [sflag:$0x4] =	stream.linear.gather [hbm4b:s19+s3], $0x50, $0x38;
	[tilespmem:$0x1EC80] =	vst v63  }
0xba: {  	s18 =	sadd.s32 $0x140, s18;
	s19 =	sadd.s32 s6, s21;
	s6 =	sadd.s32 $0x28, s6  }
0xbb: {  	[tilespmem:s0], [sflag:$0x4] =	stream.linear.gather [hbm4b:s19+s3], $0x50, $0x38;
	[tilespmem:$0x1EC80] =	vst v63  }
.LBB2_9:
0xbc: {  	_ =	sfence.sel $0x180000  }
0xbd: {  	[bflag:$0x0] =	sbarrier.arrive $0xFFFF  }
0xbe: {  	_ =	strace $0x9000004D  }
0xbf: {  	s0 =	stileid.u32;
	[bflag:$0x2] =	sbarrier.arrive $0xFFFF  }
0xc0: {  	p0 =	sne.s32 s0, $0x0;
	s0 =	rddreg [dreg:$0x2]  }
0xc1: {  	s0 =	sadd.s32 @!p0 $0x100000, s0  }
0xc2: {  	[sflag:s0] =	ssyncadd.tile.s32 @!p0 $0x1;
	_ =	shalt  }
.Lfunc_end2:
_tile_overlayer_lowered:
.L_overlay_start_2:
0xc3: {  	(tag) =	ssettag $0x2  }
0xc4: {  	s0 =	rddreg [dreg:$0x0];
	s2 =	stileid.u32  }
0xc5: {  	s1 =	rddreg [dreg:$0x1];
	p0 =	sne.s32 s2, $0x0  }
0xc6: {  	s3 =	rddreg [dreg:$0x2];
	[bflag:$0x3] =	sbarrier.arrive $0xFFFF;
	s2 =	simm.s32 @!p0 $0x1C09  }
0xc7: {  	[timem:s3], [sflag:s2] =	dma.local @!p0 [hbm:s0], s1  }
0xc8: {  	s0 =	simm.s32 @!p0 $0x9  }
0xc9: {  	_ =	swait.ge @!p0 [sflag:s0], s1  }
0xca: {  	s1 =	ssub.s32 @!p0 $0x0, s1;
	[sflag:s0] =	ssyncset.done @!p0 $0x0  }
0xcb: {  	[sflag:s0] =	ssyncadd.s32 @!p0 s1  }
0xcc: {  	[bflag:$0x3] =	sbarrier.arrive $0xFFFF  }
0xcd: {  	_ =	shalt  }

// kernel: kernel.9.cloned.1.call-start
scs
__scs_entry_jumppad:
0x0: {  	(pc) =	sbr.rel $0x88, $3  }
0x1: {  	(tag) =	ssettag $0x0;
	lr =	simm.s32 $0x1  }
0x2: {  	[smem:$0x3F96] =	sst lr;
	_ =	strace $0xD0000000  }
0x3: {  	_ = 	snop  }
0x4: {  	_ = 	snop  }
0x5: {  	_ = 	snop  }
0x6: {  	_ = 	snop  }
0x7: {  	_ = 	snop  }
__scs_overlays_trampoline_lowered:
0x8: {  	[smem:$0x3FA5] =	sst s0  }
0x9: {  	[smem:$0x3FA6] =	sst s1  }
0xa: {  	[smem:$0x3FA7] =	sst s2  }
0xb: {  	[smem:$0x3FA8] =	sst s3  }
0xc: {  	[smem:$0x3FA9] =	sst s4  }
0xd: {  	[smem:$0x3FAA] =	sst s5  }
0xe: {  	[smem:$0x3FAB] =	sst s6  }
0xf: {  	[smem:$0x3FAC] =	sst s7  }
0x10: {  	[smem:$0x3FAD] =	sst s8  }
0x11: {  	[smem:$0x3FAE] =	sst s9;
	s0 =	simm.s32 @!p0 $0x0  }
0x12: {  	s1 =	sld [smem:$0x3F94];
	s0 =	simm.s32 @p0 $0x1  }
0x13: {  	[smem:$0x3FAF] =	sst s0;
	s0 =	simm.s32 @!p1 $0x0  }
0x14: {  	s2 =	sld [smem:$0x3F93];
	s0 =	simm.s32 @p1 $0x1  }
0x15: {  	[smem:$0x3FB0] =	sst s0;
	s0 =	simm.s32 @!p2 $0x0  }
0x16: {  	s3 =	sld [smem:$0x3FDB];
	s0 =	simm.s32 @p2 $0x1  }
0x17: {  	s4 =	simm.s32 $0x1BF5;
	[smem:$0x3FB2] =	sst s0  }
0x18: {  	s0 =	sld [smem:$0x3F95];
	_ =	swait.ge [sflag:s4], $0x0  }
0x19: {  	s7 =	sld [smem:$0x3F96]  }
0x1a: {  	s8 =	sadd.s32 $0xFFFFE003, lr  }
0x1b: {  	s9 =	sadd.s32 $0xFFFFFEF7, lr;
	s5 =	simm.s32 $0xFFFFFFFF;
	p2 =	slt.u32 s8, $0xFFFFF086  }
0x1c: {  	p1 =	slt.u32 s9, $0xF7A;
	s5 =	simm.s32 @!p2 $0x0  }
0x1d: {  	s5 =	simm.s32 @p1 $0x1;
	p0 =	seq.s32 s7, s2  }
0x1e: {  	s7 =	smul.u32 @!p0 $0xF7A, s2;
	p2 =	seq.s32 @!p0 s5, $0x0  }
0x1f: {  	s9 =	smul.u32 $0xF7A, s1;
	s8 =	simm.s32 @!p0 $0x1BF5;
	p2 =	por !p2, p0  }
0x20: {  	[sflag:s8] =	ssyncset.s32 @!p0 $0xFFFFF086;
	s6 =	sadd.s32 @!p0 s3, s7;
	s7 =	simm.s32 @!p0 $0x108  }
0x21: {  	s3 =	sadd.s32 s3, s9;
	s6 =	sadd.s32 @!p0 $0x88, s6;
	s7 =	simm.s32 @p2 $0x1082  }
0x22: {  	[simem:s7], [sflag:s8] =	dma.local @!p0 [hbm:s6], $0xF7A  }
0x23: {  	s9 =	sor.u32 $0xD0000000, s2;
	s6 =	simm.s32 $0x108;
	_ =	swait.ge @!p0 [sflag:s8], $0x0  }
0x24: {  	s3 =	sadd.s32 $0x88, s3;
	s6 =	simm.s32 @!p1 $0x1082;
	[sflag:s4] =	ssyncset.s32 $0xFFFFF086  }
0x25: {  	[simem:s6], [sflag:s4] =	dma.local [hbm:s3], $0xF7A  }
0x26: {  	[smem:$0x3F96] =	sst s1;
	(tag) =	ssettag s2;
	_ =	strace s9  }
0x27: {  	s1 =	sld [smem:$0x3FA6]  }
0x28: {  	s2 =	sld [smem:$0x3FA7]  }
0x29: {  	s4 =	sld [smem:$0x3FA9]  }
0x2a: {  	p0 =	seq.s32 s5, $0x0;
	s5 =	sld [smem:$0x3FAA]  }
0x2b: {  	s6 =	sld [smem:$0x3FAB]  }
0x2c: {  	s7 =	sld [smem:$0x3FAC]  }
0x2d: {  	s3 =	simm.s32 $0x108;
	s8 =	sld [smem:$0x3FAD]  }
0x2e: {  	s3 =	simm.s32 @!p0 $0x1082;
	s9 =	sld [smem:$0x3FAE]  }
0x2f: {  	lr =	sadd.s32 s0, s3;
	s0 =	sld [smem:$0x3FA5]  }
0x30: {  	s3 =	sld [smem:$0x3FA8]  }
0x31: {  	[smem:$0x3FB1] =	sst s10  }
0x32: {  	s10 =	sld [smem:$0x3FAF];
	_ =	sdelay $0x3  }
0x33: {  	p0 =	seq.s32 s10, $0x1;
	s10 =	sld [smem:$0x3FB1];
	_ =	sdelay $0x3  }
0x34: {  	[smem:$0x3FB1] =	sst s10  }
0x35: {  	s10 =	sld [smem:$0x3FB0];
	_ =	sdelay $0x3  }
0x36: {  	p1 =	seq.s32 s10, $0x1;
	s10 =	sld [smem:$0x3FB1];
	_ =	sdelay $0x3  }
0x37: {  	[smem:$0x3FB1] =	sst s10  }
0x38: {  	s10 =	sld [smem:$0x3FB2]  }
0x39: {  	_ = 	snop;
	(pc) =	sbr.ind lr, $3  }
0x3a: {  	_ = 	snop  }
0x3b: {  	_ = 	snop  }
0x3c: {  	p2 =	seq.s32 s10, $0x1;
	s10 =	sld [smem:$0x3FB1]  }
0x3d: {  	_ =	shalt  }
0x3e: {  	_ =	shalt  }
0x3f: {  	_ =	shalt  }
0x40: {  	_ =	shalt  }
0x41: {  	_ =	shalt  }
0x42: {  	_ =	shalt  }
0x43: {  	_ =	shalt  }
0x44: {  	_ =	shalt  }
0x45: {  	_ =	shalt  }
0x46: {  	_ =	shalt  }
0x47: {  	_ =	shalt  }
0x48: {  	_ =	shalt  }
0x49: {  	_ =	shalt  }
0x4a: {  	_ =	shalt  }
0x4b: {  	_ =	shalt  }
0x4c: {  	_ =	shalt  }
0x4d: {  	_ =	shalt  }
0x4e: {  	_ =	shalt  }
0x4f: {  	_ =	shalt  }
0x50: {  	_ =	shalt  }
0x51: {  	_ =	shalt  }
0x52: {  	_ =	shalt  }
0x53: {  	_ =	shalt  }
0x54: {  	_ =	shalt  }
0x55: {  	_ =	shalt  }
0x56: {  	_ =	shalt  }
0x57: {  	_ =	shalt  }
0x58: {  	_ =	shalt  }
0x59: {  	_ =	shalt  }
0x5a: {  	_ =	shalt  }
0x5b: {  	_ =	shalt  }
0x5c: {  	_ =	shalt  }
0x5d: {  	_ =	shalt  }
0x5e: {  	_ =	shalt  }
0x5f: {  	_ =	shalt  }
0x60: {  	_ =	shalt  }
0x61: {  	_ =	shalt  }
0x62: {  	_ =	shalt  }
0x63: {  	_ =	shalt  }
0x64: {  	_ =	shalt  }
0x65: {  	_ =	shalt  }
0x66: {  	_ =	shalt  }
0x67: {  	_ =	shalt  }
0x68: {  	_ =	shalt  }
0x69: {  	_ =	shalt  }
0x6a: {  	_ =	shalt  }
0x6b: {  	_ =	shalt  }
0x6c: {  	_ =	shalt  }
0x6d: {  	_ =	shalt  }
0x6e: {  	_ =	shalt  }
0x6f: {  	_ =	shalt  }
0x70: {  	_ =	shalt  }
0x71: {  	_ =	shalt  }
0x72: {  	_ =	shalt  }
0x73: {  	_ =	shalt  }
0x74: {  	_ =	shalt  }
0x75: {  	_ =	shalt  }
0x76: {  	_ =	shalt  }
0x77: {  	_ =	shalt  }
0x78: {  	_ =	shalt  }
0x79: {  	_ =	shalt  }
0x7a: {  	_ =	shalt  }
0x7b: {  	_ =	shalt  }
0x7c: {  	_ =	shalt  }
0x7d: {  	_ =	shalt  }
0x7e: {  	_ =	shalt  }
0x7f: {  	_ =	shalt  }
0x80: {  	_ =	shalt  }
0x81: {  	_ =	shalt  }
0x82: {  	_ =	shalt  }
0x83: {  	_ =	shalt  }
0x84: {  	_ =	shalt  }
0x85: {  	_ =	shalt  }
0x86: {  	_ =	shalt  }
0x87: {  	_ =	shalt  }
.Lfunc_end0:
.L_simem_size_0:
called_computation_lowered:
.L_overlay_start_0:
0x88: {  	s2 =	sld [smem:$0x3FD9]  }
0x89: {  	s3 =	sld [smem:$0x3FFE];
	_ =	sdelay $0x1  }
0x8a: {  	s1 =	srdreg.scid  }
0x8b: {  	s0 =	sand.u32 $0x1, s1  }
0x8c: {  	s16 =	sshll.u32 s0, $0xA;
	s2 =	sadd.s32 s3, s2  }
0x8d: {  	s2 =	sadd.s32 s2, s16  }
0x8e: {  	[smem:$0x3FBD] =	sst s2  }
0x8f: {  	_ = 	snop  }
0x90: {  	(tm) =	ssettm $0x1  }
0x91: {  	s17 =	sld [smem:$0x3FFB];
	_ =	sdelay $0x3  }
0x92: {  	_ =	strace s17  }
0x93: {  	s2 =	sld [smem:$0x3FFC];
	_ =	sdelay $0x3  }
0x94: {  	_ =	strace s2  }
0x95: {  	s2 =	sld [smem:$0x3FFD];
	_ =	sdelay $0x3  }
0x96: {  	_ =	strace s2  }
0x97: {  	_ =	strace $0x8FFFFFFF  }
0x98: {  	s18 =	sld [smem:$0x3FDB];
	_ =	sdelay $0x1  }
0x99: {  	s19 =	simm.s32 $_scs_section_size  }
0x9a: {  	s4 =	simm.s32 $_size__tile_overlayer_lowered;
	s5 =	simm.s32 $_tile_overlayer_lowered  }
0x9b: {  	s22 =	simm.s32 $0x1BFF;
	s21 =	sshll.u32 s5, $0x1;
	s2 =	sadd.s32 s19, s18  }
0x9c: {  	s6 =	simm.s32 $0x0;
	s20 =	sshll.u32 s4, $0x1;
	s4 =	sadd.s32 s21, s2  }
0x9d: {  	[timem:s6], [sflag:s22] =	dma.local [hbm:s4], s20  }
0x9e: {  	_ =	swait.ge [sflag:s22], s20  }
0x9f: {  	s3 =	ssub.s32 $0x0, s20;
	[sflag:s22] =	ssyncset.done $0x0  }
0xa0: {  	[sflag:s22] =	ssyncadd.s32 s3;
	_ =	sdelay $0x1  }
0xa1: {  	s23 =	simm.s32 $0x1B8B  }
0xa2: {  	_ =	swait.ge [sflag:s23], $0x1  }
0xa3: {  	[sflag:s23] =	ssyncset.done $0x0  }
0xa4: {  	s25 =	simm.s32 $0x1B8E;
	s24 =	sld [smem:$0x3FFE];
	[sflag:s23] =	ssyncadd.s32 $0xFFFFFFFF  }
0xa5: {  	s26 =	simm.s32 $execute0_lowered;
	[smem:$0x3FD2] =	sst s25  }
0xa6: {  	s4 =	sshll.u32 s26, $0x1;
	_ =	strace $0x80000046;
	[dreg:$0x1] =	wrdreg $0xFFFFFFFF  }
0xa7: {  	s28 =	simm.s32 $_size_execute0_lowered;
	s2 =	sadd.s32 s2, s4;
	[dreg:$0x0] =	wrdreg $0x0  }
0xa8: {  	s4 =	sshll.u32 s28, $0x1;
	[dreg:$0x2] =	wrdreg s2  }
0xa9: {  	[dreg:$0x3] =	wrdreg s4  }
0xaa: {  	[dreg:$0x4] =	wrdreg $0xC0  }
0xab: {  	_ =	task [dreg:s6], $0x5FFFF  }
0xac: {  	[dreg:$0x1] =	wrdreg $0xFFFFFFFF  }
0xad: {  	[dreg:$0x0] =	wrdreg $0x60  }
0xae: {  	[dreg:$0x2] =	wrdreg s24  }
0xaf: {  	[dreg:$0x3] =	wrdreg $0x6A000  }
0xb0: {  	[dreg:$0x4] =	wrdreg $0x9  }
0xb1: {  	_ =	task.clear_ibuf [dreg:s6], $0x5FFFF;
	_ =	strace $0x90000046  }
0xb2: {  	s29 =	simm.s32 $0x9;
	_ =	strace $0x80000048  }
0xb3: {  	_ =	swait.ge [sflag:s29], $0x1  }
0xb4: {  	[sflag:s29] =	ssyncadd.s32 $0xFFFFFFFF  }
0xb5: {  	_ =	strace $0x90000048  }
0xb6: {  	_ =	sfence  }
0xb7: {  	s30 =	sld [smem:$0x0];
	_ =	sdelay $0x2  }
0xb8: {  	s31 =	sshll.u32 s1, $0xD;
	s1 =	sshrl.u32 s1, $0x2  }
0xb9: {  	s3 =	sand.u32 $0x4000, s31;
	s1 =	sadd.s32 s1, s30  }
0xba: {  	s0 =	sor.u32 s3, s0;
	s1 =	sshll.u32 s1, $0x11  }
0xbb: {  	s0 =	sor.u32 s1, s0  }
0xbc: {  	s0 =	sadd.s32 $0x8F2B, s0  }
0xbd: {  	[sflag:s0] =	ssyncadd.remote.s32 $0x1  }
0xbe: {  	_ =	sfence.sel $0xFFFF  }
0xbf: {  	[dreg:$0x0] =	wrdreg $0xFFFFFFFF;
	(pc) =	sbr.abs _section_cstart, $3  }
0xc0: {  	[dreg:$0x1] =	wrdreg $0xFFFFFFFF  }
0xc1: {  	_ =	task.clear_ibuf [dreg:s6], $0x2FFFF;
	_ =	strace $0x9FFFFFFF  }
0xc2: {  	(tm) =	ssettm $0x7FFFFFFF  }
0xc3: {  	_ =	shalt  }
tec
execute0_lowered:
.L_overlay_start_1:
0x0: {  	(tag) =	ssettag $0x1  }
0x1: {  	s0 =	srdreg.scid  }
0x2: {  	s1 =	rddreg [dreg:$0x0];
	s9 =	stileid.u32  }
0x3: {  	s2 =	rddreg [dreg:$0x1];
	s3 =	simm.s32 $0x0;
	s5 =	smul.u32 $0x13C00, s9  }
0x4: {  	s28 =	simm.s32 $0x50;
	s29 =	simm.s32 $0x200;
	s8 =	smul.u32 $0x4E200, s9  }
0x5: {  	s30 =	simm.s32 $0x5;
	s0 =	sand.u32 $0x1, s0;
	s20 =	smul.u32 $0x2710, s9  }
0x6: {  	s31 =	simm.s32 $0x2;
	[smem:$0x7FF] =	sst s3;
	s4 =	smul.u32 $0x13C000, s0  }
0x7: {  	s6 =	sshll.u32 s0, $0x4;
	_ =	strace $0x80000047;
	s7 =	ssub.s32 $0x2, s0  }
0x8: {  	s0 =	smul.u32 $0x27100, s0;
	s6 =	sor.u32 s9, s6;
	s15 =	sshrl.u32 s7, $0x1  }
0x9: {  	s19 =	sshrl.u32 s8, $0x2;
	s8 =	simm.s32 $0x8;
	s9 =	simm.s32 $0x0  }
0xa: {  	s5 =	sadd.s32 s5, s4;
	s6 =	smul.u32 $0x2710, s6;
	s4 =	sadd.s32 $0xD000, s1  }
0xb: {  	s10 =	sadd.s32 s19, s2;
	s0 =	sadd.s32 s20, s0;
	s5 =	sshrl.u32 s5, $0x3  }
0xc: {  	s21 =	sadd.s32 $0x3E80, s10;
	s22 =	sadd.s32 $0x7D00, s10;
	s23 =	sadd.s32 $0xBB80, s10  }
0xd: {  	s24 =	sadd.s32 $0x1E0, s0;
	s25 =	sadd.s32 $0x190, s0;
	[dreg:$0x8] =	wrdreg s21  }
0xe: {  	s20 =	sadd.s32 $0x140, s0;
	s1 =	sadd.s32 s5, s1;
	[dreg:$0x9] =	wrdreg s22  }
0xf: {  	s14 =	sshrl.u32 s6, $0x3;
	s6 =	ssub.s32 s7, s15;
	[dreg:$0xa] =	wrdreg s23  }
0x10: {  	s15 =	sadd.s32 $0xFA00, s10;
	s26 =	sshrl.u32 s25, $0x3;
	s21 =	simm.s32 $0x80  }
0x11: {  	s22 =	simm.s32 $0x100;
	s23 =	simm.s32 $0x180;
	s25 =	simm.s32 $0x9  }
0x12: {  	s7 =	simm.s32 $0x4;
	s5 =	sadd.s32 s4, s14;
	s1 =	sadd.s32 $0x16E00, s1  }
0x13: {  	s6 =	smax.u32 s6, $0x1;
	s19 =	sadd.s32 s26, s4;
	[dreg:$0x6] =	wrdreg s1  }
0x14: {  	s26 =	simm.s32 $0x1;
	s16 =	sadd.s32 $0xA, s5;
	[dreg:$0x7] =	wrdreg s6  }
0x15: {  	s17 =	sadd.s32 $0x14, s5;
	s18 =	sadd.s32 $0x1E, s5;
	[dreg:$0x3] =	wrdreg s16  }
0x16: {  	s1 =	sadd.s32 $0x230, s0;
	s6 =	sshrl.u32 s24, $0x3;
	[dreg:$0x4] =	wrdreg s17  }
0x17: {  	s24 =	simm.s32 $0x2A00;
	s0 =	simm.s32 $0x3;
	[dreg:$0x5] =	wrdreg s18  }
0x18: {  	s16 =	sadd.s32 $0x4D8, s5;
	s1 =	sshrl.u32 s1, $0x3;
	s18 =	sadd.s32 s6, s4  }
0x19: {  	v0 =	vimm.f32 $0.0e+00;
	v1 =	vimm.f32 $1.000000000e+00;
	s6 =	simm.s32 $0x7;
	s17 =	sadd.s32 s1, s4;
	s1 =	simm.s32 $0x6  }
.LBB2_1:
0x1a: {  	[tilespmem:s3], [sflag:$0x1] =	stream.linear.gather [hbm4b:s5+s3], $0x50, $0x38;
	[tilespmem:$0x9110] =	vst v63  }
0x1b: {  	s11 =	rddreg [dreg:$0x3]  }
0x1c: {  	[tilespmem:s21], [sflag:$0x2] =	stream.linear.gather [hbm4b:s11+s3], $0x50, $0x38;
	[tilespmem:$0x9110] =	vst v63  }
0x1d: {  	s13 =	rddreg [dreg:$0x4]  }
0x1e: {  	[tilespmem:s22], [sflag:$0x3] =	stream.linear.gather [hbm4b:s13+s3], $0x50, $0x38;
	[tilespmem:$0x9110] =	vst v63  }
0x1f: {  	s14 =	rddreg [dreg:$0x5];
	s11 =	simm.s32 $0x0  }
0x20: {  	[tilespmem:s23], [sflag:$0x4] =	stream.linear.gather [hbm4b:s14+s3], $0x50, $0x38;
	[tilespmem:$0x9110] =	vst v63  }
.LBB2_2:
0x21: {  	p0 =	sne.s32 s11, $0xF800  }
.Ltmp0:
0x22: {  	_ = 	snop;
	(pc) =	sbr.rel @p0 .LBB2_2-.Ltmp0, $3  }
0x23: {  	_ =	sdelay $0x1  }
0x24: {  	s12 =	sshra.s32 s11, $0x2  }
0x25: {  	s11 =	sadd.s32 $0x200, s11;
	[tilespmem:s12+$0x2A00] =	vst v0  }
0x26: {  	s11 =	simm.s32 $0x200;
	s12 =	simm.s32 $0x0  }
.LBB2_4:
0x27: {  	p0 =	sne.s32 s11, $0x9E00;
	[tilespmem:s12+$0x200] =	vst v1;
	s12 =	smov.u32 s11;
	s11 =	sadd.s32 $0x200, s11  }
.Ltmp1:
0x28: {  	(pc) =	sbr.rel @p0 .LBB2_4-.Ltmp1, $2  }
0x29: {  	_ =	sdelay $0x2  }
0x2a: {  	s12 =	sshra.s32 s12, $0x2  }
0x2b: {  	[tilespmem:s12+$0x200] =	vst v1  }
0x2c: {  	[spmem:s10] =	stream.linear.scatter [tilespmem:s24], [sflag:$0x9], $0x3E80, $0x38;
	[tilespmem:$0x9110] =	vst v63  }
0x2d: {  	_ =	swait.ge [sflag:s25], $0x3E80  }
0x2e: {  	[sflag:s25] =	ssyncset.done $0x0  }
0x2f: {  	s11 =	rddreg [dreg:$0x8];
	[sflag:s25] =	ssyncadd.s32 $0xFFFFC180  }
0x30: {  	[spmem:s11] =	stream.linear.scatter [tilespmem:s24], [sflag:$0x9], $0x3E80, $0x38;
	[tilespmem:$0x9110] =	vst v63  }
0x31: {  	_ =	swait.ge [sflag:s25], $0x3E80  }
0x32: {  	[sflag:s25] =	ssyncset.done $0x0  }
0x33: {  	s13 =	rddreg [dreg:$0x9];
	[sflag:s25] =	ssyncadd.s32 $0xFFFFC180  }
0x34: {  	[spmem:s13] =	stream.linear.scatter [tilespmem:s24], [sflag:$0x9], $0x3E80, $0x38;
	[tilespmem:$0x9110] =	vst v63  }
0x35: {  	_ =	swait.ge [sflag:s25], $0x3E80  }
0x36: {  	[sflag:s25] =	ssyncset.done $0x0  }
0x37: {  	s14 =	rddreg [dreg:$0xa];
	[sflag:s25] =	ssyncadd.s32 $0xFFFFC180  }
0x38: {  	[spmem:s14] =	stream.linear.scatter [tilespmem:s24], [sflag:$0x9], $0x3E80, $0x38;
	[tilespmem:$0x9110] =	vst v63  }
0x39: {  	_ =	swait.ge [sflag:s25], $0x3E80  }
0x3a: {  	[sflag:s25] =	ssyncset.done $0x0  }
0x3b: {  	[sflag:s25] =	ssyncadd.s32 $0xFFFFC180  }
0x3c: {  	[spmem:s15] =	stream.linear.scatter [tilespmem:s24], [sflag:$0x9], $0x3E80, $0x38;
	[tilespmem:$0x9110] =	vst v63  }
0x3d: {  	_ =	swait.ge [sflag:s25], $0x3E80  }
0x3e: {  	[sflag:s25] =	ssyncset.done $0x0  }
0x3f: {  	[sflag:s25] =	ssyncadd.s32 $0xFFFFC180  }
0x40: {  	[bflag:$0x0] =	sbarrier.arrive $0xFFFF  }
0x41: {  	_ =	swait.ge [sflag:s26], $0x50  }
0x42: {  	[sflag:s26] =	ssyncset.done $0x0  }
0x43: {  	[sflag:s26] =	ssyncadd.s32 $0xFFFFFFB0  }
0x44: {  	[spmem:s2] =	stream.indirect.scatter.add.f32 [tilespmem:s29], [sflag:$0x5], $0x10, s3, s28, $0xb8;
	[tilespmem:$0x9110] =	vst v63  }
0x45: {  	_ =	swait.ge [sflag:s30], $0x500  }
0x46: {  	s12 =	sshrl.u32 s20, $0x3;
	[sflag:s30] =	ssyncset.done $0x0  }
0x47: {  	s11 =	sadd.s32 s4, s12;
	[sflag:s30] =	ssyncadd.s32 $0xFFFFFB00  }
0x48: {  	[tilespmem:s3], [sflag:$0x1] =	stream.linear.gather [hbm4b:s11+s3], $0x50, $0x38;
	[tilespmem:$0x9110] =	vst v63  }
0x49: {  	_ =	swait.ge [sflag:s31], $0x50  }
0x4a: {  	[sflag:s31] =	ssyncset.done $0x0  }
0x4b: {  	[sflag:s31] =	ssyncadd.s32 $0xFFFFFFB0  }
0x4c: {  	[spmem:s2] =	stream.indirect.scatter.add.f32 [tilespmem:s29], [sflag:$0x6], $0x10, s21, s28, $0xb8;
	[tilespmem:$0x9110] =	vst v63  }
0x4d: {  	_ =	swait.ge [sflag:s1], $0x500  }
0x4e: {  	[sflag:s1] =	ssyncset.done $0x0  }
0x4f: {  	s13 =	sadd.s32 $0x0, s19;
	[sflag:s1] =	ssyncadd.s32 $0xFFFFFB00  }
0x50: {  	[tilespmem:s21], [sflag:$0x2] =	stream.linear.gather [hbm4b:s13+s3], $0x50, $0x38;
	[tilespmem:$0x9110] =	vst v63  }
0x51: {  	_ =	swait.ge [sflag:s0], $0x50  }
0x52: {  	[sflag:s0] =	ssyncset.done $0x0  }
0x53: {  	[sflag:s0] =	ssyncadd.s32 $0xFFFFFFB0  }
0x54: {  	[spmem:s2] =	stream.indirect.scatter.add.f32 [tilespmem:s29], [sflag:$0x7], $0x10, s22, s28, $0xb8;
	[tilespmem:$0x9110] =	vst v63  }
0x55: {  	_ =	swait.ge [sflag:s6], $0x500  }
0x56: {  	[sflag:s6] =	ssyncset.done $0x0  }
0x57: {  	s14 =	sadd.s32 $0x0, s18;
	[sflag:s6] =	ssyncadd.s32 $0xFFFFFB00  }
0x58: {  	[tilespmem:s22], [sflag:$0x3] =	stream.linear.gather [hbm4b:s14+s3], $0x50, $0x38;
	[tilespmem:$0x9110] =	vst v63  }
0x59: {  	_ =	swait.ge [sflag:s7], $0x50  }
0x5a: {  	[sflag:s7] =	ssyncset.done $0x0  }
0x5b: {  	[sflag:s7] =	ssyncadd.s32 $0xFFFFFFB0  }
0x5c: {  	[spmem:s2] =	stream.indirect.scatter.add.f32 [tilespmem:s29], [sflag:$0x8], $0x10, s23, s28, $0xb8;
	[tilespmem:$0x9110] =	vst v63  }
0x5d: {  	_ =	swait.ge [sflag:s8], $0x500  }
0x5e: {  	s12 =	sadd.s32 $0x140, s20;
	[sflag:s8] =	ssyncset.done $0x0  }
0x5f: {  	s11 =	simm.s32 $0x28;
	s13 =	sadd.s32 $0x0, s17;
	[sflag:s8] =	ssyncadd.s32 $0xFFFFFB00  }
.LBB2_6:
0x60: {  	[tilespmem:s23], [sflag:$0x4] =	stream.linear.gather [hbm4b:s13+s3], $0x50, $0x38;
	[tilespmem:$0x9110] =	vst v63  }
0x61: {  	s13 =	smov.u32 s11  }
0x62: {  	p0 =	sne.s32 s11, $0x488;
	s11 =	sadd.s32 $0x28, s11;
	_ =	swait.ge [sflag:s26], $0x50  }
0x63: {  	[sflag:s26] =	ssyncset.done $0x0  }
0x64: {  	[sflag:s26] =	ssyncadd.s32 $0xFFFFFFB0  }
0x65: {  	[spmem:s2] =	stream.indirect.scatter.add.f32 [tilespmem:s29], [sflag:$0x5], $0x10, s3, s28, $0xb8;
	[tilespmem:$0x9110] =	vst v63  }
0x66: {  	_ =	swait.ge [sflag:s30], $0x500  }
0x67: {  	s14 =	sshrl.u32 s12, $0x3;
	[sflag:s30] =	ssyncset.done $0x0  }
0x68: {  	s14 =	sadd.s32 s4, s14;
	[sflag:s30] =	ssyncadd.s32 $0xFFFFFB00  }
0x69: {  	[tilespmem:s3], [sflag:$0x1] =	stream.linear.gather [hbm4b:s14+s3], $0x50, $0x38;
	[tilespmem:$0x9110] =	vst v63  }
0x6a: {  	_ =	swait.ge [sflag:s31], $0x50  }
0x6b: {  	[sflag:s31] =	ssyncset.done $0x0  }
0x6c: {  	[sflag:s31] =	ssyncadd.s32 $0xFFFFFFB0  }
0x6d: {  	[spmem:s2] =	stream.indirect.scatter.add.f32 [tilespmem:s29], [sflag:$0x6], $0x10, s21, s28, $0xb8;
	[tilespmem:$0x9110] =	vst v63  }
0x6e: {  	_ =	swait.ge [sflag:s1], $0x500  }
0x6f: {  	[sflag:s1] =	ssyncset.done $0x0  }
0x70: {  	s14 =	sadd.s32 s13, s19;
	[sflag:s1] =	ssyncadd.s32 $0xFFFFFB00  }
0x71: {  	[tilespmem:s21], [sflag:$0x2] =	stream.linear.gather [hbm4b:s14+s3], $0x50, $0x38;
	[tilespmem:$0x9110] =	vst v63  }
0x72: {  	_ =	swait.ge [sflag:s0], $0x50  }
0x73: {  	[sflag:s0] =	ssyncset.done $0x0  }
0x74: {  	[sflag:s0] =	ssyncadd.s32 $0xFFFFFFB0  }
0x75: {  	[spmem:s2] =	stream.indirect.scatter.add.f32 [tilespmem:s29], [sflag:$0x7], $0x10, s22, s28, $0xb8;
	[tilespmem:$0x9110] =	vst v63  }
0x76: {  	_ =	swait.ge [sflag:s6], $0x500  }
0x77: {  	[sflag:s6] =	ssyncset.done $0x0  }
0x78: {  	s14 =	sadd.s32 s13, s18;
	[sflag:s6] =	ssyncadd.s32 $0xFFFFFB00  }
0x79: {  	[tilespmem:s22], [sflag:$0x3] =	stream.linear.gather [hbm4b:s14+s3], $0x50, $0x38;
	[tilespmem:$0x9110] =	vst v63  }
0x7a: {  	_ =	swait.ge [sflag:s7], $0x50  }
0x7b: {  	[sflag:s7] =	ssyncset.done $0x0  }
.Ltmp2:
0x7c: {  	[sflag:s7] =	ssyncadd.s32 $0xFFFFFFB0;
	(pc) =	sbr.rel @p0 .LBB2_6-.Ltmp2, $4  }
0x7d: {  	[spmem:s2] =	stream.indirect.scatter.add.f32 [tilespmem:s29], [sflag:$0x8], $0x10, s23, s28, $0xb8;
	[tilespmem:$0x9110] =	vst v63  }
0x7e: {  	_ =	swait.ge [sflag:s8], $0x500  }
0x7f: {  	[sflag:s8] =	ssyncset.done $0x0  }
0x80: {  	s12 =	sadd.s32 $0x140, s12;
	s13 =	sadd.s32 s13, s17;
	[sflag:s8] =	ssyncadd.s32 $0xFFFFFB00  }
0x81: {  	[tilespmem:s23], [sflag:$0x4] =	stream.linear.gather [hbm4b:s13+s3], $0x50, $0x38;
	[tilespmem:$0x9110] =	vst v63  }
0x82: {  	_ =	swait.ge [sflag:s26], $0x50  }
0x83: {  	[sflag:s26] =	ssyncset.done $0x0  }
0x84: {  	[sflag:s26] =	ssyncadd.s32 $0xFFFFFFB0  }
0x85: {  	[spmem:s2] =	stream.indirect.scatter.add.f32 [tilespmem:s29], [sflag:$0x5], $0x10, s3, s28, $0xb8;
	[tilespmem:$0x9110] =	vst v63  }
0x86: {  	_ =	swait.ge [sflag:s30], $0x500  }
0x87: {  	[sflag:s30] =	ssyncset.done $0x0  }
0x88: {  	[sflag:s30] =	ssyncadd.s32 $0xFFFFFB00  }
0x89: {  	[tilespmem:s3], [sflag:$0x1] =	stream.linear.gather [hbm4b:s16+s3], $0x50, $0x38;
	[tilespmem:$0x9110] =	vst v63  }
0x8a: {  	_ =	swait.ge [sflag:s31], $0x50  }
0x8b: {  	[sflag:s31] =	ssyncset.done $0x0  }
0x8c: {  	[sflag:s31] =	ssyncadd.s32 $0xFFFFFFB0  }
0x8d: {  	[spmem:s2] =	stream.indirect.scatter.add.f32 [tilespmem:s29], [sflag:$0x6], $0x10, s21, s28, $0xb8;
	[tilespmem:$0x9110] =	vst v63  }
0x8e: {  	_ =	swait.ge [sflag:s1], $0x500  }
0x8f: {  	[sflag:s1] =	ssyncset.done $0x0  }
0x90: {  	[sflag:s1] =	ssyncadd.s32 $0xFFFFFB00  }
0x91: {  	_ =	swait.ge [sflag:s0], $0x50  }
0x92: {  	[sflag:s0] =	ssyncset.done $0x0  }
0x93: {  	[sflag:s0] =	ssyncadd.s32 $0xFFFFFFB0  }
0x94: {  	[spmem:s2] =	stream.indirect.scatter.add.f32 [tilespmem:s29], [sflag:$0x7], $0x10, s22, s28, $0xb8;
	[tilespmem:$0x9110] =	vst v63  }
0x95: {  	_ =	swait.ge [sflag:s6], $0x500  }
0x96: {  	[sflag:s6] =	ssyncset.done $0x0  }
0x97: {  	[sflag:s6] =	ssyncadd.s32 $0xFFFFFB00  }
0x98: {  	_ =	swait.ge [sflag:s7], $0x50  }
0x99: {  	[sflag:s7] =	ssyncset.done $0x0  }
0x9a: {  	[sflag:s7] =	ssyncadd.s32 $0xFFFFFFB0  }
0x9b: {  	[spmem:s2] =	stream.indirect.scatter.add.f32 [tilespmem:s29], [sflag:$0x8], $0x10, s23, s28, $0xb8;
	[tilespmem:$0x9110] =	vst v63  }
0x9c: {  	_ =	swait.ge [sflag:s8], $0x500  }
0x9d: {  	[sflag:s8] =	ssyncset.done $0x0  }
0x9e: {  	[sflag:s8] =	ssyncadd.s32 $0xFFFFFB00  }
0x9f: {  	_ =	swait.ge [sflag:s26], $0x50  }
0xa0: {  	[sflag:s26] =	ssyncset.done $0x0  }
0xa1: {  	[sflag:s26] =	ssyncadd.s32 $0xFFFFFFB0  }
0xa2: {  	[spmem:s2] =	stream.indirect.scatter.add.f32 [tilespmem:s29], [sflag:$0x5], $0x10, s3, s28, $0xb8;
	[tilespmem:$0x9110] =	vst v63  }
0xa3: {  	_ =	swait.ge [sflag:s30], $0x500  }
0xa4: {  	[sflag:s30] =	ssyncset.done $0x0  }
0xa5: {  	s11 =	stileid.u32;
	[sflag:s30] =	ssyncadd.s32 $0xFFFFFB00  }
0xa6: {  	s11 =	sshll.u32 s11, $0x6;
	[bflag:$0x0] =	sbarrier.arrive $0xFFFF  }
0xa7: {  	s12 =	sshrl.u32 s10, $0x3;
	s11 =	sor.u32 $0x1C09, s11;
	s14 =	rddreg [dreg:$0x6]  }
0xa8: {  	[hbm:s14], [sflag:s11] =	dma.local [spmem:s12], $0x2710  }
0xa9: {  	_ =	swait.ge [sflag:s25], $0x2710  }
0xaa: {  	s9 =	sadd.s32 $0x1, s9;
	s14 =	rddreg [dreg:$0x7]  }
0xab: {  	p0 =	sne.s32 s9, s14  }
.Ltmp3:
0xac: {  	_ = 	snop;
	(pc) =	sbr.rel @p0 .LBB2_1-.Ltmp3, $3  }
0xad: {  	_ =	sdelay $0x1  }
0xae: {  	[sflag:s25] =	ssyncset.done $0x0  }
0xaf: {  	[sflag:s25] =	ssyncadd.s32 $0xFFFFD8F0  }
0xb0: {  	_ =	sfence.sel $0x180000  }
0xb1: {  	[bflag:$0x0] =	sbarrier.arrive $0xFFFF  }
0xb2: {  	_ =	strace $0x90000047  }
0xb3: {  	s0 =	stileid.u32;
	[bflag:$0x2] =	sbarrier.arrive $0xFFFF  }
0xb4: {  	p0 =	sne.s32 s0, $0x0;
	s0 =	rddreg [dreg:$0x2]  }
0xb5: {  	s0 =	sadd.s32 @!p0 $0x100000, s0  }
0xb6: {  	[sflag:s0] =	ssyncadd.tile.s32 @!p0 $0x1;
	_ =	shalt  }
.Lfunc_end2:
_tile_overlayer_lowered:
.L_overlay_start_2:
0xb7: {  	(tag) =	ssettag $0x2  }
0xb8: {  	s0 =	rddreg [dreg:$0x0];
	s2 =	stileid.u32  }
0xb9: {  	s1 =	rddreg [dreg:$0x1];
	p0 =	sne.s32 s2, $0x0  }
0xba: {  	s3 =	rddreg [dreg:$0x2];
	[bflag:$0x3] =	sbarrier.arrive $0xFFFF;
	s2 =	simm.s32 @!p0 $0x1C09  }
0xbb: {  	[timem:s3], [sflag:s2] =	dma.local @!p0 [hbm:s0], s1  }
0xbc: {  	s0 =	simm.s32 @!p0 $0x9  }
0xbd: {  	_ =	swait.ge @!p0 [sflag:s0], s1  }
0xbe: {  	s1 =	ssub.s32 @!p0 $0x0, s1;
	[sflag:s0] =	ssyncset.done @!p0 $0x0  }
0xbf: {  	[sflag:s0] =	ssyncadd.s32 @!p0 s1  }
0xc0: {  	[bflag:$0x3] =	sbarrier.arrive $0xFFFF  }
0xc1: {  	_ =	shalt  }

</sc_bundles>
